<compile_context>
chip_gen: v7x
topology: tpu7x:2x2x1
jax: 0.10.2.dev20260603
libtpu: 0.0.44.dev20260713+nightly
codegen_flags: <defaults>
</compile_context>

<pallas_src>
import functools

import jax
import jax.numpy as jnp
from jax import lax
from jax.experimental import pallas as pl
from jax.experimental.pallas import tpu as pltpu
from jax.experimental.pallas import tpu_sc as plsc

_MIN_SIZE = 0.01
_MAX_SIZE = 0.999
_NW = 32
_ROWS = 1_000_000
_NFULL = 7812
_MAIN_ROWS = _NFULL * 128
_OUTR = 2 * (_NFULL + 4)
_CB = 62
_NCHUNK = _NFULL // _CB
_MAXJ = -(-_NCHUNK // _NW)


def _pair_step(src, dst, off_a, off_b, sv, f_tiny):
    a = src[pl.ds(off_a, 16)]
    b = src[pl.ds(off_b, 16)]
    t = a * a + b * b
    th = 0.5 * t
    bits = plsc.bitcast(t, jnp.int32)
    bits = 0x5F3759DF - lax.shift_right_logical(bits, 1)
    y = plsc.bitcast(bits, jnp.float32)
    y = y * (1.5 - th * (y * y))
    y = y * (1.5 - th * (y * y))
    factor = jnp.where(t >= 1e-24, sv * y, f_tiny)
    dst[pl.ds(off_a, 16)] = a * factor
    dst[pl.ds(off_b, 16)] = b * factor


def _normalize_chunk(bin_, bout, sv):
    f_tiny = sv * 1e12

    def blk(k, carry):
        for m in range(8):
            a = bin_[k, 0, pl.ds(16 * m, 16)]
            b = bin_[k, 1, pl.ds(16 * m, 16)]
            t = a * a + b * b
            th = 0.5 * t
            bits = plsc.bitcast(t, jnp.int32)
            bits = 0x5F3759DF - lax.shift_right_logical(bits, 1)
            y = plsc.bitcast(bits, jnp.float32)
            y = y * (1.5 - th * (y * y))
            y = y * (1.5 - th * (y * y))
            factor = jnp.where(t >= 1e-24, sv * y, f_tiny)
            bout[2 * k, pl.ds(16 * m, 16)] = a * factor
            bout[2 * k + 1, pl.ds(16 * m, 16)] = b * factor
        return carry

    lax.fori_loop(0, _CB, blk, 0)


def _make_sc_call():
    mesh = plsc.VectorSubcoreMesh(core_axis_name="c", subcore_axis_name="s")

    _B = 3

    @functools.partial(
        pl.kernel,
        out_type=jax.ShapeDtypeStruct((_OUTR, 128), jnp.float32),
        mesh=mesh,
        scratch_types=(
            [pltpu.VMEM((_CB, 2, 128), jnp.float32)] * _B
            + [pltpu.VMEM((2 * _CB, 128), jnp.float32)] * _B
            + [pltpu.VMEM((16,), jnp.float32)]
            + [pltpu.VMEM((128,), jnp.float32)] * 2
            + [pltpu.SemaphoreType.DMA] * (2 * _B)
        ),
        compiler_params=pltpu.CompilerParams(
            needs_layout_passes=False, use_tc_tiling_on_sc=False
        ),
    )
    def run(w_hbm, tail_hbm, s_hbm, out_hbm, *scr):
        bin_ = scr[0:_B]
        bout = scr[_B : 2 * _B]
        sbuf = scr[2 * _B]
        tin = scr[2 * _B + 1]
        tout = scr[2 * _B + 2]
        si = scr[2 * _B + 3 : 3 * _B + 3]
        so = scr[3 * _B + 3 : 4 * _B + 3]

        wid = lax.axis_index("s") * 2 + lax.axis_index("c")
        pltpu.sync_copy(s_hbm, sbuf)
        sv = jnp.clip(sbuf[...], _MIN_SIZE, _MAX_SIZE)

        def cid(j):
            return j * _NW + wid

        def start_in(j):
            p = j % _B
            off = pl.multiple_of(cid(j) * _CB, _CB)
            pltpu.async_copy(w_hbm.at[pl.ds(off, _CB)], bin_[p], si[p])

        def wait_in(j):
            p = j % _B
            pltpu.make_async_copy(w_hbm.at[pl.ds(0, _CB)], bin_[p], si[p]).wait()

        def start_out(j):
            p = j % _B
            off = pl.multiple_of(cid(j) * 2 * _CB, 2 * _CB)
            pltpu.async_copy(bout[p], out_hbm.at[pl.ds(off, 2 * _CB)], so[p])

        def wait_out(j):
            p = j % _B
            pltpu.make_async_copy(
                bout[p], out_hbm.at[pl.ds(0, 2 * _CB)], so[p]
            ).wait()

        def valid(j):
            return cid(j) < _NCHUNK

        start_in(0)
        if _MAXJ > 1:
            start_in(1)
        for j in range(_MAXJ):
            if j + 2 < _MAXJ:
                if j - 1 >= 0:
                    wait_out(j - 1)

                @pl.when(valid(j + 2))
                def _():
                    start_in(j + 2)

            if j < _MAXJ - 1:
                wait_in(j)
                _normalize_chunk(bin_[j % _B], bout[j % _B], sv)
                start_out(j)
            else:

                @pl.when(valid(j))
                def _():
                    wait_in(j)
                    _normalize_chunk(bin_[j % _B], bout[j % _B], sv)
                    start_out(j)

        @pl.when(wid == _NW - 1)
        def _():
            pltpu.sync_copy(tail_hbm, tin)
            f_tiny = sv * 1e12
            for m in range(4):
                _pair_step(tin, tout, 16 * m, 64 + 16 * m, sv, f_tiny)
            pltpu.sync_copy(tout.at[pl.ds(0, 64)],
                            out_hbm.at[2 * _NFULL, pl.ds(0, 64)])
            pltpu.sync_copy(tout.at[pl.ds(64, 64)],
                            out_hbm.at[2 * _NFULL + 1, pl.ds(0, 64)])

        wait_out(_MAXJ - 3)
        wait_out(_MAXJ - 2)

        @pl.when(valid(_MAXJ - 1))
        def _():
            wait_out(_MAXJ - 1)

    return run


_sc_call = _make_sc_call()


def kernel(weight, scale):
    s16 = jnp.broadcast_to(scale, (16,))
    in3 = weight[:_MAIN_ROWS].reshape(_NFULL, 128, 2).swapaxes(1, 2)
    tail_in = weight[_MAIN_ROWS:].T.reshape(128)
    o = _sc_call(in3, tail_in, s16)
    z = (
        o.reshape(_NFULL + 4, 2, 128)
        .swapaxes(1, 2)
        .reshape((_NFULL + 4) * 128, 2)
    )
    return z[:_ROWS]

# --- scband reference (transcript-rebuilt; emitter-appended) ---
"""Pipeline reference for scband-hyper-se-54391465837116 (READ-ONLY COPY).

The authoritative reference and input builder live on the scoring server;
editing this copy changes nothing except your own understanding.
"""

import jax, jax.numpy as jnp
import numpy as np

MIN_NORM = 1e-15
NUM_NODES = 1000000
D_HYP = 2
K_CURV = -1.0
MIN_SIZE = 0.01
MAX_SIZE = 0.999
INIT_SIZE = 1.0


def project(x, k, eps=MIN_NORM):
    # Project points to lie inside the Poincare ball of curvature k (< 0).
    K = -k
    max_norm = (1.0 - eps) / jnp.sqrt(K)
    norm = jnp.linalg.norm(x, axis=-1, keepdims=True)
    norm = jnp.maximum(norm, eps)
    cond = norm > max_norm
    projected = x / norm * max_norm
    return jnp.where(cond, projected, x)


def normalize_emb(embeddings, scale):
    # F.normalize(p=2, dim=-1) then rescale by clamped scale
    norm = jnp.linalg.norm(embeddings, axis=-1, keepdims=True)
    normed = embeddings / jnp.maximum(norm, 1e-12)
    return normed * jnp.clip(scale, MIN_SIZE, MAX_SIZE)


def setup_inputs(seed: int = 0) -> dict:
    key = jax.random.key(seed)
    k1, k2 = jax.random.split(key)
    # embeddings initialized as project(scale * (2*rand - 1))
    raw = INIT_SIZE * (2.0 * jax.random.uniform(k1, (NUM_NODES, D_HYP), dtype=jnp.float32) - 1.0)
    weight = project(raw, k=K_CURV, eps=MIN_NORM)
    scale = jnp.array([INIT_SIZE], dtype=jnp.float32)
    return {"weight": weight, "scale": scale}


def reference(weight, scale):
    embedding = normalize_emb(weight, scale)
    embedding = project(embedding, k=K_CURV, eps=MIN_NORM)
    return embedding

if __name__ == "__main__":
    import jax
    _d = setup_inputs()
    print(jax.jit(kernel)(*tuple(_d.values())))

</pallas_src>

<mosaic_0001>
#map = affine_map<(d0, d1) -> (0, 0, 0)>
#map1 = affine_map<(d0, d1) -> (0)>
#map2 = affine_map<(d0, d1) -> (0, 0)>
module attributes {stable_mosaic.version = 14 : i64} {
  func.func @run(%arg0: i32, %arg1: i32, %arg2: memref<7812x2x128xf32, #tpu.memory_space<hbm>>, %arg3: memref<128xf32, #tpu.memory_space<hbm>>, %arg4: memref<16xf32, #tpu.memory_space<hbm>>, %arg5: memref<15632x128xf32, #tpu.memory_space<hbm>>, %arg6: memref<62x2x128xf32, #tpu.memory_space<vmem>>, %arg7: memref<62x2x128xf32, #tpu.memory_space<vmem>>, %arg8: memref<62x2x128xf32, #tpu.memory_space<vmem>>, %arg9: memref<124x128xf32, #tpu.memory_space<vmem>>, %arg10: memref<124x128xf32, #tpu.memory_space<vmem>>, %arg11: memref<124x128xf32, #tpu.memory_space<vmem>>, %arg12: memref<16xf32, #tpu.memory_space<vmem>>, %arg13: memref<128xf32, #tpu.memory_space<vmem>>, %arg14: memref<128xf32, #tpu.memory_space<vmem>>, %arg15: memref<!tpu.dma_semaphore, #tpu.memory_space<semaphore_mem>>, %arg16: memref<!tpu.dma_semaphore, #tpu.memory_space<semaphore_mem>>, %arg17: memref<!tpu.dma_semaphore, #tpu.memory_space<semaphore_mem>>, %arg18: memref<!tpu.dma_semaphore, #tpu.memory_space<semaphore_mem>>, %arg19: memref<!tpu.dma_semaphore, #tpu.memory_space<semaphore_mem>>, %arg20: memref<!tpu.dma_semaphore, #tpu.memory_space<semaphore_mem>>) attributes {dimension_semantics = [#tpu.dimension_semantics<core_parallel>, #tpu.dimension_semantics<subcore_parallel>], iteration_bounds = array<i64: 2, 16>, scalar_prefetch = 0 : i64, scratch_operands = 15 : i64, tpu.core_type = #tpu.core_type<sc_vector_subcore>, window_params = [{transform_indices = #map}, {transform_indices = #map1}, {transform_indices = #map1}, {transform_indices = #map2}]} {
    %mul3A = arith.constant 2 : i32
    %mul3A_0 = arith.muli %arg1, %mul3A : i32
    %add3A = arith.addi %mul3A_0, %arg0 : i32
    "tpu.region"() ({
      %run_scoped3A = tpu.sem_alloc : memref<!tpu.dma_semaphore, #tpu.memory_space<semaphore_mem>>
      tpu.enqueue_dma source(%arg4 : memref<16xf32, #tpu.memory_space<hbm>>) target(%arg12 : memref<16xf32, #tpu.memory_space<vmem>>) target_semaphore(%run_scoped3A : memref<!tpu.dma_semaphore, #tpu.memory_space<semaphore_mem>>)
      tpu.wait_dma2 semaphore(%run_scoped3A : memref<!tpu.dma_semaphore, #tpu.memory_space<semaphore_mem>>) src(%arg4 : memref<16xf32, #tpu.memory_space<hbm>>) dst(%arg12 : memref<16xf32, #tpu.memory_space<vmem>>)
      tpu.yield
    }) : () -> ()
    %get3A = arith.constant 0 : index
    %get3A_1 = tpu.vector_load %arg12[%get3A] {strides = array<i32>} : memref<16xf32, #tpu.memory_space<vmem>>, vector<16xf32>,
    %jit3A = arith.constant 0.00999999977 : f32
    %jit3A_2 = arith.constant 9.990000e-01 : f32
    %max3A = vector.broadcast %jit3A : f32 to vector<16xf32>
    %max3A_3 = arith.maximumf %max3A, %get3A_1 : vector<16xf32>
    %min3A = vector.broadcast %jit3A_2 : f32 to vector<16xf32>
    %min3A_4 = arith.minimumf %min3A, %max3A_3 : vector<16xf32>
    %add3A_5 = arith.constant 0 : i32
    %add3A_6 = arith.addi %add3A_5, %add3A : i32
    %mul3A_7 = arith.constant 62 : i32
    %mul3A_8 = arith.muli %add3A_6, %mul3A_7 : i32
    %multiple_of3A = tpu.assume_multiple %mul3A_8, 62 : i32
    %dma_start3A = arith.constant 0 : i32
    %dma_start3A_9 = arith.constant 0 : i32
    %dma_start3A_10 = tpu.memref_slice %arg2[%multiple_of3A, %dma_start3A, %dma_start3A_9] : memref<7812x2x128xf32, #tpu.memory_space<hbm>> -> memref<62x2x128xf32, #tpu.memory_space<hbm>>
    %dma_start3A_11 = arith.constant 0 : i32
    %dma_start3A_12 = arith.constant 0 : i32
    %dma_start3A_13 = tpu.memref_slice %arg2[%multiple_of3A, %dma_start3A_11, %dma_start3A_12] : memref<7812x2x128xf32, #tpu.memory_space<hbm>> -> memref<62x2x128xf32, #tpu.memory_space<hbm>>
    tpu.enqueue_dma source(%dma_start3A_13 : memref<62x2x128xf32, #tpu.memory_space<hbm>>) target(%arg6 : memref<62x2x128xf32, #tpu.memory_space<vmem>>) target_semaphore(%arg15 : memref<!tpu.dma_semaphore, #tpu.memory_space<semaphore_mem>>)
    %add3A_14 = arith.constant 32 : i32
    %add3A_15 = arith.addi %add3A_14, %add3A : i32
    %mul3A_16 = arith.constant 62 : i32
    %mul3A_17 = arith.muli %add3A_15, %mul3A_16 : i32
    %multiple_of3A_18 = tpu.assume_multiple %mul3A_17, 62 : i32
    %dma_start3A_19 = arith.constant 0 : i32
    %dma_start3A_20 = arith.constant 0 : i32
    %dma_start3A_21 = tpu.memref_slice %arg2[%multiple_of3A_18, %dma_start3A_19, %dma_start3A_20] : memref<7812x2x128xf32, #tpu.memory_space<hbm>> -> memref<62x2x128xf32, #tpu.memory_space<hbm>>
    %dma_start3A_22 = arith.constant 0 : i32
    %dma_start3A_23 = arith.constant 0 : i32
    %dma_start3A_24 = tpu.memref_slice %arg2[%multiple_of3A_18, %dma_start3A_22, %dma_start3A_23] : memref<7812x2x128xf32, #tpu.memory_space<hbm>> -> memref<62x2x128xf32, #tpu.memory_space<hbm>>
    tpu.enqueue_dma source(%dma_start3A_24 : memref<62x2x128xf32, #tpu.memory_space<hbm>>) target(%arg7 : memref<62x2x128xf32, #tpu.memory_space<vmem>>) target_semaphore(%arg16 : memref<!tpu.dma_semaphore, #tpu.memory_space<semaphore_mem>>)
    %add3A_25 = arith.constant 64 : i32
    %add3A_26 = arith.addi %add3A_25, %add3A : i32
    %lt3A = arith.constant 126 : i32
    %lt3A_27 = arith.cmpi slt, %add3A_26, %lt3A : i32
    %convert_element_type3A = arith.extui %lt3A_27 : i1 to i32
    %cond3A = arith.constant 0 : i32
    %cond3A_28 = arith.cmpi ne, %convert_element_type3A, %cond3A : i32
    scf.if %cond3A_28 {
      %add3A_154 = arith.constant 64 : i32
      %add3A_155 = arith.addi %add3A_154, %add3A : i32
      %mul3A_156 = arith.constant 62 : i32
      %mul3A_157 = arith.muli %add3A_155, %mul3A_156 : i32
      %multiple_of3A_158 = tpu.assume_multiple %mul3A_157, 62 : i32
      %dma_start3A_159 = arith.constant 0 : i32
      %dma_start3A_160 = arith.constant 0 : i32
      %dma_start3A_161 = tpu.memref_slice %arg2[%multiple_of3A_158, %dma_start3A_159, %dma_start3A_160] : memref<7812x2x128xf32, #tpu.memory_space<hbm>> -> memref<62x2x128xf32, #tpu.memory_space<hbm>>
      %dma_start3A_162 = arith.constant 0 : i32
      %dma_start3A_163 = arith.constant 0 : i32
      %dma_start3A_164 = tpu.memref_slice %arg2[%multiple_of3A_158, %dma_start3A_162, %dma_start3A_163] : memref<7812x2x128xf32, #tpu.memory_space<hbm>> -> memref<62x2x128xf32, #tpu.memory_space<hbm>>
      tpu.enqueue_dma source(%dma_start3A_164 : memref<62x2x128xf32, #tpu.memory_space<hbm>>) target(%arg8 : memref<62x2x128xf32, #tpu.memory_space<vmem>>) target_semaphore(%arg17 : memref<!tpu.dma_semaphore, #tpu.memory_space<semaphore_mem>>)
    } else {
    }
    %dma_wait3A = arith.constant 0 : i32
    %dma_wait3A_29 = arith.constant 0 : i32
    %dma_wait3A_30 = arith.constant 0 : i32
    %dma_wait3A_31 = tpu.memref_slice %arg2[%dma_wait3A, %dma_wait3A_29, %dma_wait3A_30] : memref<7812x2x128xf32, #tpu.memory_space<hbm>> -> memref<62x2x128xf32, #tpu.memory_space<hbm>>
    %dma_wait3A_32 = arith.constant 0 : i32
    %dma_wait3A_33 = arith.constant 0 : i32
    %dma_wait3A_34 = arith.constant 0 : i32
    %dma_wait3A_35 = tpu.memref_slice %arg2[%dma_wait3A_32, %dma_wait3A_33, %dma_wait3A_34] : memref<7812x2x128xf32, #tpu.memory_space<hbm>> -> memref<62x2x128xf32, #tpu.memory_space<hbm>>
    tpu.wait_dma2 semaphore(%arg15 : memref<!tpu.dma_semaphore, #tpu.memory_space<semaphore_mem>>) src(%dma_wait3A_35 : memref<62x2x128xf32, #tpu.memory_space<hbm>>) dst(%arg6 : memref<62x2x128xf32, #tpu.memory_space<vmem>>)
    %mul3A_36 = arith.constant 9.99999995E+11 : f32
    %mul3A_37 = vector.broadcast %mul3A_36 : f32 to vector<16xf32>
    %mul3A_38 = arith.mulf %min3A_4, %mul3A_37 : vector<16xf32>
    %scan3A = arith.constant 0 : i32
    %scan3A_39 = arith.constant 0 : i32
    %scan3A_40 = arith.constant 62 : i32
    %scan3A_41 = arith.addi %scan3A_39, %scan3A_40 : i32
    %scan3A_42 = arith.constant 1 : i32
    scf.for %scan3A_154 = %scan3A_39 to %scan3A_41 step %scan3A_42  : i32 {
      %get3A_155 = arith.constant 0 : i32
      %get3A_156 = arith.index_cast %scan3A_154 : i32 to index
      %get3A_157 = arith.index_cast %get3A_155 : i32 to index
      %get3A_158 = arith.constant 0 : index
      %get3A_159 = tpu.vector_load %arg6[%get3A_156, %get3A_157, %get3A_158] {strides = array<i32>} : memref<62x2x128xf32, #tpu.memory_space<vmem>>, vector<16xf32>,
      %get3A_160 = arith.constant 1 : i32
      %get3A_161 = arith.index_cast %scan3A_154 : i32 to index
      %get3A_162 = arith.index_cast %get3A_160 : i32 to index
      %get3A_163 = arith.constant 0 : index
      %get3A_164 = tpu.vector_load %arg6[%get3A_161, %get3A_162, %get3A_163] {strides = array<i32>} : memref<62x2x128xf32, #tpu.memory_space<vmem>>, vector<16xf32>,
      %mul3A_165 = arith.mulf %get3A_159, %get3A_159 : vector<16xf32>
      %mul3A_166 = arith.mulf %get3A_164, %get3A_164 : vector<16xf32>
      %add3A_167 = arith.addf %mul3A_165, %mul3A_166 : vector<16xf32>
      %mul3A_168 = arith.constant 5.000000e-01 : f32
      %mul3A_169 = vector.broadcast %mul3A_168 : f32 to vector<16xf32>
      %mul3A_170 = arith.mulf %mul3A_169, %add3A_167 : vector<16xf32>
      %bitcast3A = vector.bitcast %add3A_167 : vector<16xf32> to vector<16xi32>
      %shift_right_logical3A = arith.constant 1 : i32
      %shift_right_logical3A_171 = vector.broadcast %shift_right_logical3A : i32 to vector<16xi32>
      %shift_right_logical3A_172 = arith.shrui %bitcast3A, %shift_right_logical3A_171 : vector<16xi32>
      %sub3A = arith.constant 1597463007 : i32
      %sub3A_173 = vector.broadcast %sub3A : i32 to vector<16xi32>
      %sub3A_174 = arith.subi %sub3A_173, %shift_right_logical3A_172 : vector<16xi32>
      %bitcast3A_175 = vector.bitcast %sub3A_174 : vector<16xi32> to vector<16xf32>
      %mul3A_176 = arith.mulf %bitcast3A_175, %bitcast3A_175 : vector<16xf32>
      %mul3A_177 = arith.mulf %mul3A_170, %mul3A_176 : vector<16xf32>
      %sub3A_178 = arith.constant 1.500000e+00 : f32
      %sub3A_179 = vector.broadcast %sub3A_178 : f32 to vector<16xf32>
      %sub3A_180 = arith.subf %sub3A_179, %mul3A_177 : vector<16xf32>
      %mul3A_181 = arith.mulf %bitcast3A_175, %sub3A_180 : vector<16xf32>
      %mul3A_182 = arith.mulf %mul3A_181, %mul3A_181 : vector<16xf32>
      %mul3A_183 = arith.mulf %mul3A_170, %mul3A_182 : vector<16xf32>
      %sub3A_184 = arith.constant 1.500000e+00 : f32
      %sub3A_185 = vector.broadcast %sub3A_184 : f32 to vector<16xf32>
      %sub3A_186 = arith.subf %sub3A_185, %mul3A_183 : vector<16xf32>
      %mul3A_187 = arith.mulf %mul3A_181, %sub3A_186 : vector<16xf32>
      %ge3A = arith.constant 1.000000e-24 : f32
      %ge3A_188 = vector.broadcast %ge3A : f32 to vector<16xf32>
      %ge3A_189 = arith.cmpf oge, %add3A_167, %ge3A_188 : vector<16xf32>
      %mul3A_190 = arith.mulf %min3A_4, %mul3A_187 : vector<16xf32>
      %select_n3A = arith.select %ge3A_189, %mul3A_190, %mul3A_38 : vector<16xi1>, vector<16xf32>
      %mul3A_191 = arith.mulf %get3A_159, %select_n3A : vector<16xf32>
      %mul3A_192 = arith.constant 2 : i32
      %mul3A_193 = arith.muli %mul3A_192, %scan3A_154 : i32
      %swap3A = arith.index_cast %mul3A_193 : i32 to index
      %swap3A_194 = arith.constant 0 : index
      %swap3A_195 = tpu.vector_load %arg9[%swap3A, %swap3A_194] {strides = array<i32>} : memref<124x128xf32, #tpu.memory_space<vmem>>, vector<16xf32>,
      tpu.vector_store %arg9[%swap3A, %swap3A_194], %mul3A_191 {strides = array<i32>} : memref<124x128xf32, #tpu.memory_space<vmem>>, vector<16xf32>,
      %mul3A_196 = arith.mulf %get3A_164, %select_n3A : vector<16xf32>
      %mul3A_197 = arith.constant 2 : i32
      %mul3A_198 = arith.muli %mul3A_197, %scan3A_154 : i32
      %add3A_199 = arith.constant 1 : i32
      %add3A_200 = arith.addi %mul3A_198, %add3A_199 : i32
      %swap3A_201 = arith.index_cast %add3A_200 : i32 to index
      %swap3A_202 = arith.constant 0 : index
      %swap3A_203 = tpu.vector_load %arg9[%swap3A_201, %swap3A_202] {strides = array<i32>} : memref<124x128xf32, #tpu.memory_space<vmem>>, vector<16xf32>,
      tpu.vector_store %arg9[%swap3A_201, %swap3A_202], %mul3A_196 {strides = array<i32>} : memref<124x128xf32, #tpu.memory_space<vmem>>, vector<16xf32>,
      %get3A_204 = arith.constant 0 : i32
      %get3A_205 = arith.index_cast %scan3A_154 : i32 to index
      %get3A_206 = arith.index_cast %get3A_204 : i32 to index
      %get3A_207 = arith.constant 16 : index
      %get3A_208 = tpu.vector_load %arg6[%get3A_205, %get3A_206, %get3A_207] {strides = array<i32>} : memref<62x2x128xf32, #tpu.memory_space<vmem>>, vector<16xf32>,
      %get3A_209 = arith.constant 1 : i32
      %get3A_210 = arith.index_cast %scan3A_154 : i32 to index
      %get3A_211 = arith.index_cast %get3A_209 : i32 to index
      %get3A_212 = arith.constant 16 : index
      %get3A_213 = tpu.vector_load %arg6[%get3A_210, %get3A_211, %get3A_212] {strides = array<i32>} : memref<62x2x128xf32, #tpu.memory_space<vmem>>, vector<16xf32>,
      %mul3A_214 = arith.mulf %get3A_208, %get3A_208 : vector<16xf32>
      %mul3A_215 = arith.mulf %get3A_213, %get3A_213 : vector<16xf32>
      %add3A_216 = arith.addf %mul3A_214, %mul3A_215 : vector<16xf32>
      %mul3A_217 = arith.constant 5.000000e-01 : f32
      %mul3A_218 = vector.broadcast %mul3A_217 : f32 to vector<16xf32>
      %mul3A_219 = arith.mulf %mul3A_218, %add3A_216 : vector<16xf32>
      %bitcast3A_220 = vector.bitcast %add3A_216 : vector<16xf32> to vector<16xi32>
      %shift_right_logical3A_221 = arith.constant 1 : i32
      %shift_right_logical3A_222 = vector.broadcast %shift_right_logical3A_221 : i32 to vector<16xi32>
      %shift_right_logical3A_223 = arith.shrui %bitcast3A_220, %shift_right_logical3A_222 : vector<16xi32>
      %sub3A_224 = arith.constant 1597463007 : i32
      %sub3A_225 = vector.broadcast %sub3A_224 : i32 to vector<16xi32>
      %sub3A_226 = arith.subi %sub3A_225, %shift_right_logical3A_223 : vector<16xi32>
      %bitcast3A_227 = vector.bitcast %sub3A_226 : vector<16xi32> to vector<16xf32>
      %mul3A_228 = arith.mulf %bitcast3A_227, %bitcast3A_227 : vector<16xf32>
      %mul3A_229 = arith.mulf %mul3A_219, %mul3A_228 : vector<16xf32>
      %sub3A_230 = arith.constant 1.500000e+00 : f32
      %sub3A_231 = vector.broadcast %sub3A_230 : f32 to vector<16xf32>
      %sub3A_232 = arith.subf %sub3A_231, %mul3A_229 : vector<16xf32>
      %mul3A_233 = arith.mulf %bitcast3A_227, %sub3A_232 : vector<16xf32>
      %mul3A_234 = arith.mulf %mul3A_233, %mul3A_233 : vector<16xf32>
      %mul3A_235 = arith.mulf %mul3A_219, %mul3A_234 : vector<16xf32>
      %sub3A_236 = arith.constant 1.500000e+00 : f32
      %sub3A_237 = vector.broadcast %sub3A_236 : f32 to vector<16xf32>
      %sub3A_238 = arith.subf %sub3A_237, %mul3A_235 : vector<16xf32>
      %mul3A_239 = arith.mulf %mul3A_233, %sub3A_238 : vector<16xf32>
      %ge3A_240 = arith.constant 1.000000e-24 : f32
      %ge3A_241 = vector.broadcast %ge3A_240 : f32 to vector<16xf32>
      %ge3A_242 = arith.cmpf oge, %add3A_216, %ge3A_241 : vector<16xf32>
      %mul3A_243 = arith.mulf %min3A_4, %mul3A_239 : vector<16xf32>
      %select_n3A_244 = arith.select %ge3A_242, %mul3A_243, %mul3A_38 : vector<16xi1>, vector<16xf32>
      %mul3A_245 = arith.mulf %get3A_208, %select_n3A_244 : vector<16xf32>
      %mul3A_246 = arith.constant 2 : i32
      %mul3A_247 = arith.muli %mul3A_246, %scan3A_154 : i32
      %swap3A_248 = arith.index_cast %mul3A_247 : i32 to index
      %swap3A_249 = arith.constant 16 : index
      %swap3A_250 = tpu.vector_load %arg9[%swap3A_248, %swap3A_249] {strides = array<i32>} : memref<124x128xf32, #tpu.memory_space<vmem>>, vector<16xf32>,
      tpu.vector_store %arg9[%swap3A_248, %swap3A_249], %mul3A_245 {strides = array<i32>} : memref<124x128xf32, #tpu.memory_space<vmem>>, vector<16xf32>,
      %mul3A_251 = arith.mulf %get3A_213, %select_n3A_244 : vector<16xf32>
      %mul3A_252 = arith.constant 2 : i32
      %mul3A_253 = arith.muli %mul3A_252, %scan3A_154 : i32
      %add3A_254 = arith.constant 1 : i32
      %add3A_255 = arith.addi %mul3A_253, %add3A_254 : i32
      %swap3A_256 = arith.index_cast %add3A_255 : i32 to index
      %swap3A_257 = arith.constant 16 : index
      %swap3A_258 = tpu.vector_load %arg9[%swap3A_256, %swap3A_257] {strides = array<i32>} : memref<124x128xf32, #tpu.memory_space<vmem>>, vector<16xf32>,
      tpu.vector_store %arg9[%swap3A_256, %swap3A_257], %mul3A_251 {strides = array<i32>} : memref<124x128xf32, #tpu.memory_space<vmem>>, vector<16xf32>,
      %get3A_259 = arith.constant 0 : i32
      %get3A_260 = arith.index_cast %scan3A_154 : i32 to index
      %get3A_261 = arith.index_cast %get3A_259 : i32 to index
      %get3A_262 = arith.constant 32 : index
      %get3A_263 = tpu.vector_load %arg6[%get3A_260, %get3A_261, %get3A_262] {strides = array<i32>} : memref<62x2x128xf32, #tpu.memory_space<vmem>>, vector<16xf32>,
      %get3A_264 = arith.constant 1 : i32
      %get3A_265 = arith.index_cast %scan3A_154 : i32 to index
      %get3A_266 = arith.index_cast %get3A_264 : i32 to index
      %get3A_267 = arith.constant 32 : index
      %get3A_268 = tpu.vector_load %arg6[%get3A_265, %get3A_266, %get3A_267] {strides = array<i32>} : memref<62x2x128xf32, #tpu.memory_space<vmem>>, vector<16xf32>,
      %mul3A_269 = arith.mulf %get3A_263, %get3A_263 : vector<16xf32>
      %mul3A_270 = arith.mulf %get3A_268, %get3A_268 : vector<16xf32>
      %add3A_271 = arith.addf %mul3A_269, %mul3A_270 : vector<16xf32>
      %mul3A_272 = arith.constant 5.000000e-01 : f32
      %mul3A_273 = vector.broadcast %mul3A_272 : f32 to vector<16xf32>
      %mul3A_274 = arith.mulf %mul3A_273, %add3A_271 : vector<16xf32>
      %bitcast3A_275 = vector.bitcast %add3A_271 : vector<16xf32> to vector<16xi32>
      %shift_right_logical3A_276 = arith.constant 1 : i32
      %shift_right_logical3A_277 = vector.broadcast %shift_right_logical3A_276 : i32 to vector<16xi32>
      %shift_right_logical3A_278 = arith.shrui %bitcast3A_275, %shift_right_logical3A_277 : vector<16xi32>
      %sub3A_279 = arith.constant 1597463007 : i32
      %sub3A_280 = vector.broadcast %sub3A_279 : i32 to vector<16xi32>
      %sub3A_281 = arith.subi %sub3A_280, %shift_right_logical3A_278 : vector<16xi32>
      %bitcast3A_282 = vector.bitcast %sub3A_281 : vector<16xi32> to vector<16xf32>
      %mul3A_283 = arith.mulf %bitcast3A_282, %bitcast3A_282 : vector<16xf32>
      %mul3A_284 = arith.mulf %mul3A_274, %mul3A_283 : vector<16xf32>
      %sub3A_285 = arith.constant 1.500000e+00 : f32
      %sub3A_286 = vector.broadcast %sub3A_285 : f32 to vector<16xf32>
      %sub3A_287 = arith.subf %sub3A_286, %mul3A_284 : vector<16xf32>
      %mul3A_288 = arith.mulf %bitcast3A_282, %sub3A_287 : vector<16xf32>
      %mul3A_289 = arith.mulf %mul3A_288, %mul3A_288 : vector<16xf32>
      %mul3A_290 = arith.mulf %mul3A_274, %mul3A_289 : vector<16xf32>
      %sub3A_291 = arith.constant 1.500000e+00 : f32
      %sub3A_292 = vector.broadcast %sub3A_291 : f32 to vector<16xf32>
      %sub3A_293 = arith.subf %sub3A_292, %mul3A_290 : vector<16xf32>
      %mul3A_294 = arith.mulf %mul3A_288, %sub3A_293 : vector<16xf32>
      %ge3A_295 = arith.constant 1.000000e-24 : f32
      %ge3A_296 = vector.broadcast %ge3A_295 : f32 to vector<16xf32>
      %ge3A_297 = arith.cmpf oge, %add3A_271, %ge3A_296 : vector<16xf32>
      %mul3A_298 = arith.mulf %min3A_4, %mul3A_294 : vector<16xf32>
      %select_n3A_299 = arith.select %ge3A_297, %mul3A_298, %mul3A_38 : vector<16xi1>, vector<16xf32>
      %mul3A_300 = arith.mulf %get3A_263, %select_n3A_299 : vector<16xf32>
      %mul3A_301 = arith.constant 2 : i32
      %mul3A_302 = arith.muli %mul3A_301, %scan3A_154 : i32
      %swap3A_303 = arith.index_cast %mul3A_302 : i32 to index
      %swap3A_304 = arith.constant 32 : index
      %swap3A_305 = tpu.vector_load %arg9[%swap3A_303, %swap3A_304] {strides = array<i32>} : memref<124x128xf32, #tpu.memory_space<vmem>>, vector<16xf32>,
      tpu.vector_store %arg9[%swap3A_303, %swap3A_304], %mul3A_300 {strides = array<i32>} : memref<124x128xf32, #tpu.memory_space<vmem>>, vector<16xf32>,
      %mul3A_306 = arith.mulf %get3A_268, %select_n3A_299 : vector<16xf32>
      %mul3A_307 = arith.constant 2 : i32
      %mul3A_308 = arith.muli %mul3A_307, %scan3A_154 : i32
      %add3A_309 = arith.constant 1 : i32
      %add3A_310 = arith.addi %mul3A_308, %add3A_309 : i32
      %swap3A_311 = arith.index_cast %add3A_310 : i32 to index
      %swap3A_312 = arith.constant 32 : index
      %swap3A_313 = tpu.vector_load %arg9[%swap3A_311, %swap3A_312] {strides = array<i32>} : memref<124x128xf32, #tpu.memory_space<vmem>>, vector<16xf32>,
      tpu.vector_store %arg9[%swap3A_311, %swap3A_312], %mul3A_306 {strides = array<i32>} : memref<124x128xf32, #tpu.memory_space<vmem>>, vector<16xf32>,
      %get3A_314 = arith.constant 0 : i32
      %get3A_315 = arith.index_cast %scan3A_154 : i32 to index
      %get3A_316 = arith.index_cast %get3A_314 : i32 to index
      %get3A_317 = arith.constant 48 : index
      %get3A_318 = tpu.vector_load %arg6[%get3A_315, %get3A_316, %get3A_317] {strides = array<i32>} : memref<62x2x128xf32, #tpu.memory_space<vmem>>, vector<16xf32>,
      %get3A_319 = arith.constant 1 : i32
      %get3A_320 = arith.index_cast %scan3A_154 : i32 to index
      %get3A_321 = arith.index_cast %get3A_319 : i32 to index
      %get3A_322 = arith.constant 48 : index
      %get3A_323 = tpu.vector_load %arg6[%get3A_320, %get3A_321, %get3A_322] {strides = array<i32>} : memref<62x2x128xf32, #tpu.memory_space<vmem>>, vector<16xf32>,
      %mul3A_324 = arith.mulf %get3A_318, %get3A_318 : vector<16xf32>
      %mul3A_325 = arith.mulf %get3A_323, %get3A_323 : vector<16xf32>
      %add3A_326 = arith.addf %mul3A_324, %mul3A_325 : vector<16xf32>
      %mul3A_327 = arith.constant 5.000000e-01 : f32
      %mul3A_328 = vector.broadcast %mul3A_327 : f32 to vector<16xf32>
      %mul3A_329 = arith.mulf %mul3A_328, %add3A_326 : vector<16xf32>
      %bitcast3A_330 = vector.bitcast %add3A_326 : vector<16xf32> to vector<16xi32>
      %shift_right_logical3A_331 = arith.constant 1 : i32
      %shift_right_logical3A_332 = vector.broadcast %shift_right_logical3A_331 : i32 to vector<16xi32>
      %shift_right_logical3A_333 = arith.shrui %bitcast3A_330, %shift_right_logical3A_332 : vector<16xi32>
      %sub3A_334 = arith.constant 1597463007 : i32
      %sub3A_335 = vector.broadcast %sub3A_334 : i32 to vector<16xi32>
      %sub3A_336 = arith.subi %sub3A_335, %shift_right_logical3A_333 : vector<16xi32>
      %bitcast3A_337 = vector.bitcast %sub3A_336 : vector<16xi32> to vector<16xf32>
      %mul3A_338 = arith.mulf %bitcast3A_337, %bitcast3A_337 : vector<16xf32>
      %mul3A_339 = arith.mulf %mul3A_329, %mul3A_338 : vector<16xf32>
      %sub3A_340 = arith.constant 1.500000e+00 : f32
      %sub3A_341 = vector.broadcast %sub3A_340 : f32 to vector<16xf32>
      %sub3A_342 = arith.subf %sub3A_341, %mul3A_339 : vector<16xf32>
      %mul3A_343 = arith.mulf %bitcast3A_337, %sub3A_342 : vector<16xf32>
      %mul3A_344 = arith.mulf %mul3A_343, %mul3A_343 : vector<16xf32>
      %mul3A_345 = arith.mulf %mul3A_329, %mul3A_344 : vector<16xf32>
      %sub3A_346 = arith.constant 1.500000e+00 : f32
      %sub3A_347 = vector.broadcast %sub3A_346 : f32 to vector<16xf32>
      %sub3A_348 = arith.subf %sub3A_347, %mul3A_345 : vector<16xf32>
      %mul3A_349 = arith.mulf %mul3A_343, %sub3A_348 : vector<16xf32>
      %ge3A_350 = arith.constant 1.000000e-24 : f32
      %ge3A_351 = vector.broadcast %ge3A_350 : f32 to vector<16xf32>
      %ge3A_352 = arith.cmpf oge, %add3A_326, %ge3A_351 : vector<16xf32>
      %mul3A_353 = arith.mulf %min3A_4, %mul3A_349 : vector<16xf32>
      %select_n3A_354 = arith.select %ge3A_352, %mul3A_353, %mul3A_38 : vector<16xi1>, vector<16xf32>
      %mul3A_355 = arith.mulf %get3A_318, %select_n3A_354 : vector<16xf32>
      %mul3A_356 = arith.constant 2 : i32
      %mul3A_357 = arith.muli %mul3A_356, %scan3A_154 : i32
      %swap3A_358 = arith.index_cast %mul3A_357 : i32 to index
      %swap3A_359 = arith.constant 48 : index
      %swap3A_360 = tpu.vector_load %arg9[%swap3A_358, %swap3A_359] {strides = array<i32>} : memref<124x128xf32, #tpu.memory_space<vmem>>, vector<16xf32>,
      tpu.vector_store %arg9[%swap3A_358, %swap3A_359], %mul3A_355 {strides = array<i32>} : memref<124x128xf32, #tpu.memory_space<vmem>>, vector<16xf32>,
      %mul3A_361 = arith.mulf %get3A_323, %select_n3A_354 : vector<16xf32>
      %mul3A_362 = arith.constant 2 : i32
      %mul3A_363 = arith.muli %mul3A_362, %scan3A_154 : i32
      %add3A_364 = arith.constant 1 : i32
      %add3A_365 = arith.addi %mul3A_363, %add3A_364 : i32
      %swap3A_366 = arith.index_cast %add3A_365 : i32 to index
      %swap3A_367 = arith.constant 48 : index
      %swap3A_368 = tpu.vector_load %arg9[%swap3A_366, %swap3A_367] {strides = array<i32>} : memref<124x128xf32, #tpu.memory_space<vmem>>, vector<16xf32>,
      tpu.vector_store %arg9[%swap3A_366, %swap3A_367], %mul3A_361 {strides = array<i32>} : memref<124x128xf32, #tpu.memory_space<vmem>>, vector<16xf32>,
      %get3A_369 = arith.constant 0 : i32
      %get3A_370 = arith.index_cast %scan3A_154 : i32 to index
      %get3A_371 = arith.index_cast %get3A_369 : i32 to index
      %get3A_372 = arith.constant 64 : index
      %get3A_373 = tpu.vector_load %arg6[%get3A_370, %get3A_371, %get3A_372] {strides = array<i32>} : memref<62x2x128xf32, #tpu.memory_space<vmem>>, vector<16xf32>,
      %get3A_374 = arith.constant 1 : i32
      %get3A_375 = arith.index_cast %scan3A_154 : i32 to index
      %get3A_376 = arith.index_cast %get3A_374 : i32 to index
      %get3A_377 = arith.constant 64 : index
      %get3A_378 = tpu.vector_load %arg6[%get3A_375, %get3A_376, %get3A_377] {strides = array<i32>} : memref<62x2x128xf32, #tpu.memory_space<vmem>>, vector<16xf32>,
      %mul3A_379 = arith.mulf %get3A_373, %get3A_373 : vector<16xf32>
      %mul3A_380 = arith.mulf %get3A_378, %get3A_378 : vector<16xf32>
      %add3A_381 = arith.addf %mul3A_379, %mul3A_380 : vector<16xf32>
      %mul3A_382 = arith.constant 5.000000e-01 : f32
      %mul3A_383 = vector.broadcast %mul3A_382 : f32 to vector<16xf32>
      %mul3A_384 = arith.mulf %mul3A_383, %add3A_381 : vector<16xf32>
      %bitcast3A_385 = vector.bitcast %add3A_381 : vector<16xf32> to vector<16xi32>
      %shift_right_logical3A_386 = arith.constant 1 : i32
      %shift_right_logical3A_387 = vector.broadcast %shift_right_logical3A_386 : i32 to vector<16xi32>
      %shift_right_logical3A_388 = arith.shrui %bitcast3A_385, %shift_right_logical3A_387 : vector<16xi32>
      %sub3A_389 = arith.constant 1597463007 : i32
      %sub3A_390 = vector.broadcast %sub3A_389 : i32 to vector<16xi32>
      %sub3A_391 = arith.subi %sub3A_390, %shift_right_logical3A_388 : vector<16xi32>
      %bitcast3A_392 = vector.bitcast %sub3A_391 : vector<16xi32> to vector<16xf32>
      %mul3A_393 = arith.mulf %bitcast3A_392, %bitcast3A_392 : vector<16xf32>
      %mul3A_394 = arith.mulf %mul3A_384, %mul3A_393 : vector<16xf32>
      %sub3A_395 = arith.constant 1.500000e+00 : f32
      %sub3A_396 = vector.broadcast %sub3A_395 : f32 to vector<16xf32>
      %sub3A_397 = arith.subf %sub3A_396, %mul3A_394 : vector<16xf32>
      %mul3A_398 = arith.mulf %bitcast3A_392, %sub3A_397 : vector<16xf32>
      %mul3A_399 = arith.mulf %mul3A_398, %mul3A_398 : vector<16xf32>
      %mul3A_400 = arith.mulf %mul3A_384, %mul3A_399 : vector<16xf32>
      %sub3A_401 = arith.constant 1.500000e+00 : f32
      %sub3A_402 = vector.broadcast %sub3A_401 : f32 to vector<16xf32>
      %sub3A_403 = arith.subf %sub3A_402, %mul3A_400 : vector<16xf32>
      %mul3A_404 = arith.mulf %mul3A_398, %sub3A_403 : vector<16xf32>
      %ge3A_405 = arith.constant 1.000000e-24 : f32
      %ge3A_406 = vector.broadcast %ge3A_405 : f32 to vector<16xf32>
      %ge3A_407 = arith.cmpf oge, %add3A_381, %ge3A_406 : vector<16xf32>
      %mul3A_408 = arith.mulf %min3A_4, %mul3A_404 : vector<16xf32>
      %select_n3A_409 = arith.select %ge3A_407, %mul3A_408, %mul3A_38 : vector<16xi1>, vector<16xf32>
      %mul3A_410 = arith.mulf %get3A_373, %select_n3A_409 : vector<16xf32>
      %mul3A_411 = arith.constant 2 : i32
      %mul3A_412 = arith.muli %mul3A_411, %scan3A_154 : i32
      %swap3A_413 = arith.index_cast %mul3A_412 : i32 to index
      %swap3A_414 = arith.constant 64 : index
      %swap3A_415 = tpu.vector_load %arg9[%swap3A_413, %swap3A_414] {strides = array<i32>} : memref<124x128xf32, #tpu.memory_space<vmem>>, vector<16xf32>,
      tpu.vector_store %arg9[%swap3A_413, %swap3A_414], %mul3A_410 {strides = array<i32>} : memref<124x128xf32, #tpu.memory_space<vmem>>, vector<16xf32>,
      %mul3A_416 = arith.mulf %get3A_378, %select_n3A_409 : vector<16xf32>
      %mul3A_417 = arith.constant 2 : i32
      %mul3A_418 = arith.muli %mul3A_417, %scan3A_154 : i32
      %add3A_419 = arith.constant 1 : i32
      %add3A_420 = arith.addi %mul3A_418, %add3A_419 : i32
      %swap3A_421 = arith.index_cast %add3A_420 : i32 to index
      %swap3A_422 = arith.constant 64 : index
      %swap3A_423 = tpu.vector_load %arg9[%swap3A_421, %swap3A_422] {strides = array<i32>} : memref<124x128xf32, #tpu.memory_space<vmem>>, vector<16xf32>,
      tpu.vector_store %arg9[%swap3A_421, %swap3A_422], %mul3A_416 {strides = array<i32>} : memref<124x128xf32, #tpu.memory_space<vmem>>, vector<16xf32>,
      %get3A_424 = arith.constant 0 : i32
      %get3A_425 = arith.index_cast %scan3A_154 : i32 to index
      %get3A_426 = arith.index_cast %get3A_424 : i32 to index
      %get3A_427 = arith.constant 80 : index
      %get3A_428 = tpu.vector_load %arg6[%get3A_425, %get3A_426, %get3A_427] {strides = array<i32>} : memref<62x2x128xf32, #tpu.memory_space<vmem>>, vector<16xf32>,
      %get3A_429 = arith.constant 1 : i32
      %get3A_430 = arith.index_cast %scan3A_154 : i32 to index
      %get3A_431 = arith.index_cast %get3A_429 : i32 to index
      %get3A_432 = arith.constant 80 : index
      %get3A_433 = tpu.vector_load %arg6[%get3A_430, %get3A_431, %get3A_432] {strides = array<i32>} : memref<62x2x128xf32, #tpu.memory_space<vmem>>, vector<16xf32>,
      %mul3A_434 = arith.mulf %get3A_428, %get3A_428 : vector<16xf32>
      %mul3A_435 = arith.mulf %get3A_433, %get3A_433 : vector<16xf32>
      %add3A_436 = arith.addf %mul3A_434, %mul3A_435 : vector<16xf32>
      %mul3A_437 = arith.constant 5.000000e-01 : f32
      %mul3A_438 = vector.broadcast %mul3A_437 : f32 to vector<16xf32>
      %mul3A_439 = arith.mulf %mul3A_438, %add3A_436 : vector<16xf32>
      %bitcast3A_440 = vector.bitcast %add3A_436 : vector<16xf32> to vector<16xi32>
      %shift_right_logical3A_441 = arith.constant 1 : i32
      %shift_right_logical3A_442 = vector.broadcast %shift_right_logical3A_441 : i32 to vector<16xi32>
      %shift_right_logical3A_443 = arith.shrui %bitcast3A_440, %shift_right_logical3A_442 : vector<16xi32>
      %sub3A_444 = arith.constant 1597463007 : i32
      %sub3A_445 = vector.broadcast %sub3A_444 : i32 to vector<16xi32>
      %sub3A_446 = arith.subi %sub3A_445, %shift_right_logical3A_443 : vector<16xi32>
      %bitcast3A_447 = vector.bitcast %sub3A_446 : vector<16xi32> to vector<16xf32>
      %mul3A_448 = arith.mulf %bitcast3A_447, %bitcast3A_447 : vector<16xf32>
      %mul3A_449 = arith.mulf %mul3A_439, %mul3A_448 : vector<16xf32>
      %sub3A_450 = arith.constant 1.500000e+00 : f32
      %sub3A_451 = vector.broadcast %sub3A_450 : f32 to vector<16xf32>
      %sub3A_452 = arith.subf %sub3A_451, %mul3A_449 : vector<16xf32>
      %mul3A_453 = arith.mulf %bitcast3A_447, %sub3A_452 : vector<16xf32>
      %mul3A_454 = arith.mulf %mul3A_453, %mul3A_453 : vector<16xf32>
      %mul3A_455 = arith.mulf %mul3A_439, %mul3A_454 : vector<16xf32>
      %sub3A_456 = arith.constant 1.500000e+00 : f32
      %sub3A_457 = vector.broadcast %sub3A_456 : f32 to vector<16xf32>
      %sub3A_458 = arith.subf %sub3A_457, %mul3A_455 : vector<16xf32>
      %mul3A_459 = arith.mulf %mul3A_453, %sub3A_458 : vector<16xf32>
      %ge3A_460 = arith.constant 1.000000e-24 : f32
      %ge3A_461 = vector.broadcast %ge3A_460 : f32 to vector<16xf32>
      %ge3A_462 = arith.cmpf oge, %add3A_436, %ge3A_461 : vector<16xf32>
      %mul3A_463 = arith.mulf %min3A_4, %mul3A_459 : vector<16xf32>
      %select_n3A_464 = arith.select %ge3A_462, %mul3A_463, %mul3A_38 : vector<16xi1>, vector<16xf32>
      %mul3A_465 = arith.mulf %get3A_428, %select_n3A_464 : vector<16xf32>
      %mul3A_466 = arith.constant 2 : i32
      %mul3A_467 = arith.muli %mul3A_466, %scan3A_154 : i32
      %swap3A_468 = arith.index_cast %mul3A_467 : i32 to index
      %swap3A_469 = arith.constant 80 : index
      %swap3A_470 = tpu.vector_load %arg9[%swap3A_468, %swap3A_469] {strides = array<i32>} : memref<124x128xf32, #tpu.memory_space<vmem>>, vector<16xf32>,
      tpu.vector_store %arg9[%swap3A_468, %swap3A_469], %mul3A_465 {strides = array<i32>} : memref<124x128xf32, #tpu.memory_space<vmem>>, vector<16xf32>,
      %mul3A_471 = arith.mulf %get3A_433, %select_n3A_464 : vector<16xf32>
      %mul3A_472 = arith.constant 2 : i32
      %mul3A_473 = arith.muli %mul3A_472, %scan3A_154 : i32
      %add3A_474 = arith.constant 1 : i32
      %add3A_475 = arith.addi %mul3A_473, %add3A_474 : i32
      %swap3A_476 = arith.index_cast %add3A_475 : i32 to index
      %swap3A_477 = arith.constant 80 : index
      %swap3A_478 = tpu.vector_load %arg9[%swap3A_476, %swap3A_477] {strides = array<i32>} : memref<124x128xf32, #tpu.memory_space<vmem>>, vector<16xf32>,
      tpu.vector_store %arg9[%swap3A_476, %swap3A_477], %mul3A_471 {strides = array<i32>} : memref<124x128xf32, #tpu.memory_space<vmem>>, vector<16xf32>,
      %get3A_479 = arith.constant 0 : i32
      %get3A_480 = arith.index_cast %scan3A_154 : i32 to index
      %get3A_481 = arith.index_cast %get3A_479 : i32 to index
      %get3A_482 = arith.constant 96 : index
      %get3A_483 = tpu.vector_load %arg6[%get3A_480, %get3A_481, %get3A_482] {strides = array<i32>} : memref<62x2x128xf32, #tpu.memory_space<vmem>>, vector<16xf32>,
      %get3A_484 = arith.constant 1 : i32
      %get3A_485 = arith.index_cast %scan3A_154 : i32 to index
      %get3A_486 = arith.index_cast %get3A_484 : i32 to index
      %get3A_487 = arith.constant 96 : index
      %get3A_488 = tpu.vector_load %arg6[%get3A_485, %get3A_486, %get3A_487] {strides = array<i32>} : memref<62x2x128xf32, #tpu.memory_space<vmem>>, vector<16xf32>,
      %mul3A_489 = arith.mulf %get3A_483, %get3A_483 : vector<16xf32>
      %mul3A_490 = arith.mulf %get3A_488, %get3A_488 : vector<16xf32>
      %add3A_491 = arith.addf %mul3A_489, %mul3A_490 : vector<16xf32>
      %mul3A_492 = arith.constant 5.000000e-01 : f32
      %mul3A_493 = vector.broadcast %mul3A_492 : f32 to vector<16xf32>
      %mul3A_494 = arith.mulf %mul3A_493, %add3A_491 : vector<16xf32>
      %bitcast3A_495 = vector.bitcast %add3A_491 : vector<16xf32> to vector<16xi32>
      %shift_right_logical3A_496 = arith.constant 1 : i32
      %shift_right_logical3A_497 = vector.broadcast %shift_right_logical3A_496 : i32 to vector<16xi32>
      %shift_right_logical3A_498 = arith.shrui %bitcast3A_495, %shift_right_logical3A_497 : vector<16xi32>
      %sub3A_499 = arith.constant 1597463007 : i32
      %sub3A_500 = vector.broadcast %sub3A_499 : i32 to vector<16xi32>
      %sub3A_501 = arith.subi %sub3A_500, %shift_right_logical3A_498 : vector<16xi32>
      %bitcast3A_502 = vector.bitcast %sub3A_501 : vector<16xi32> to vector<16xf32>
      %mul3A_503 = arith.mulf %bitcast3A_502, %bitcast3A_502 : vector<16xf32>
      %mul3A_504 = arith.mulf %mul3A_494, %mul3A_503 : vector<16xf32>
      %sub3A_505 = arith.constant 1.500000e+00 : f32
      %sub3A_506 = vector.broadcast %sub3A_505 : f32 to vector<16xf32>
      %sub3A_507 = arith.subf %sub3A_506, %mul3A_504 : vector<16xf32>
      %mul3A_508 = arith.mulf %bitcast3A_502, %sub3A_507 : vector<16xf32>
      %mul3A_509 = arith.mulf %mul3A_508, %mul3A_508 : vector<16xf32>
      %mul3A_510 = arith.mulf %mul3A_494, %mul3A_509 : vector<16xf32>
      %sub3A_511 = arith.constant 1.500000e+00 : f32
      %sub3A_512 = vector.broadcast %sub3A_511 : f32 to vector<16xf32>
      %sub3A_513 = arith.subf %sub3A_512, %mul3A_510 : vector<16xf32>
      %mul3A_514 = arith.mulf %mul3A_508, %sub3A_513 : vector<16xf32>
      %ge3A_515 = arith.constant 1.000000e-24 : f32
      %ge3A_516 = vector.broadcast %ge3A_515 : f32 to vector<16xf32>
      %ge3A_517 = arith.cmpf oge, %add3A_491, %ge3A_516 : vector<16xf32>
      %mul3A_518 = arith.mulf %min3A_4, %mul3A_514 : vector<16xf32>
      %select_n3A_519 = arith.select %ge3A_517, %mul3A_518, %mul3A_38 : vector<16xi1>, vector<16xf32>
      %mul3A_520 = arith.mulf %get3A_483, %select_n3A_519 : vector<16xf32>
      %mul3A_521 = arith.constant 2 : i32
      %mul3A_522 = arith.muli %mul3A_521, %scan3A_154 : i32
      %swap3A_523 = arith.index_cast %mul3A_522 : i32 to index
      %swap3A_524 = arith.constant 96 : index
      %swap3A_525 = tpu.vector_load %arg9[%swap3A_523, %swap3A_524] {strides = array<i32>} : memref<124x128xf32, #tpu.memory_space<vmem>>, vector<16xf32>,
      tpu.vector_store %arg9[%swap3A_523, %swap3A_524], %mul3A_520 {strides = array<i32>} : memref<124x128xf32, #tpu.memory_space<vmem>>, vector<16xf32>,
      %mul3A_526 = arith.mulf %get3A_488, %select_n3A_519 : vector<16xf32>
      %mul3A_527 = arith.constant 2 : i32
      %mul3A_528 = arith.muli %mul3A_527, %scan3A_154 : i32
      %add3A_529 = arith.constant 1 : i32
      %add3A_530 = arith.addi %mul3A_528, %add3A_529 : i32
      %swap3A_531 = arith.index_cast %add3A_530 : i32 to index
      %swap3A_532 = arith.constant 96 : index
      %swap3A_533 = tpu.vector_load %arg9[%swap3A_531, %swap3A_532] {strides = array<i32>} : memref<124x128xf32, #tpu.memory_space<vmem>>, vector<16xf32>,
      tpu.vector_store %arg9[%swap3A_531, %swap3A_532], %mul3A_526 {strides = array<i32>} : memref<124x128xf32, #tpu.memory_space<vmem>>, vector<16xf32>,
      %get3A_534 = arith.constant 0 : i32
      %get3A_535 = arith.index_cast %scan3A_154 : i32 to index
      %get3A_536 = arith.index_cast %get3A_534 : i32 to index
      %get3A_537 = arith.constant 112 : index
      %get3A_538 = tpu.vector_load %arg6[%get3A_535, %get3A_536, %get3A_537] {strides = array<i32>} : memref<62x2x128xf32, #tpu.memory_space<vmem>>, vector<16xf32>,
      %get3A_539 = arith.constant 1 : i32
      %get3A_540 = arith.index_cast %scan3A_154 : i32 to index
      %get3A_541 = arith.index_cast %get3A_539 : i32 to index
      %get3A_542 = arith.constant 112 : index
      %get3A_543 = tpu.vector_load %arg6[%get3A_540, %get3A_541, %get3A_542] {strides = array<i32>} : memref<62x2x128xf32, #tpu.memory_space<vmem>>, vector<16xf32>,
      %mul3A_544 = arith.mulf %get3A_538, %get3A_538 : vector<16xf32>
      %mul3A_545 = arith.mulf %get3A_543, %get3A_543 : vector<16xf32>
      %add3A_546 = arith.addf %mul3A_544, %mul3A_545 : vector<16xf32>
      %mul3A_547 = arith.constant 5.000000e-01 : f32
      %mul3A_548 = vector.broadcast %mul3A_547 : f32 to vector<16xf32>
      %mul3A_549 = arith.mulf %mul3A_548, %add3A_546 : vector<16xf32>
      %bitcast3A_550 = vector.bitcast %add3A_546 : vector<16xf32> to vector<16xi32>
      %shift_right_logical3A_551 = arith.constant 1 : i32
      %shift_right_logical3A_552 = vector.broadcast %shift_right_logical3A_551 : i32 to vector<16xi32>
      %shift_right_logical3A_553 = arith.shrui %bitcast3A_550, %shift_right_logical3A_552 : vector<16xi32>
      %sub3A_554 = arith.constant 1597463007 : i32
      %sub3A_555 = vector.broadcast %sub3A_554 : i32 to vector<16xi32>
      %sub3A_556 = arith.subi %sub3A_555, %shift_right_logical3A_553 : vector<16xi32>
      %bitcast3A_557 = vector.bitcast %sub3A_556 : vector<16xi32> to vector<16xf32>
      %mul3A_558 = arith.mulf %bitcast3A_557, %bitcast3A_557 : vector<16xf32>
      %mul3A_559 = arith.mulf %mul3A_549, %mul3A_558 : vector<16xf32>
      %sub3A_560 = arith.constant 1.500000e+00 : f32
      %sub3A_561 = vector.broadcast %sub3A_560 : f32 to vector<16xf32>
      %sub3A_562 = arith.subf %sub3A_561, %mul3A_559 : vector<16xf32>
      %mul3A_563 = arith.mulf %bitcast3A_557, %sub3A_562 : vector<16xf32>
      %mul3A_564 = arith.mulf %mul3A_563, %mul3A_563 : vector<16xf32>
      %mul3A_565 = arith.mulf %mul3A_549, %mul3A_564 : vector<16xf32>
      %sub3A_566 = arith.constant 1.500000e+00 : f32
      %sub3A_567 = vector.broadcast %sub3A_566 : f32 to vector<16xf32>
      %sub3A_568 = arith.subf %sub3A_567, %mul3A_565 : vector<16xf32>
      %mul3A_569 = arith.mulf %mul3A_563, %sub3A_568 : vector<16xf32>
      %ge3A_570 = arith.constant 1.000000e-24 : f32
      %ge3A_571 = vector.broadcast %ge3A_570 : f32 to vector<16xf32>
      %ge3A_572 = arith.cmpf oge, %add3A_546, %ge3A_571 : vector<16xf32>
      %mul3A_573 = arith.mulf %min3A_4, %mul3A_569 : vector<16xf32>
      %select_n3A_574 = arith.select %ge3A_572, %mul3A_573, %mul3A_38 : vector<16xi1>, vector<16xf32>
      %mul3A_575 = arith.mulf %get3A_538, %select_n3A_574 : vector<16xf32>
      %mul3A_576 = arith.constant 2 : i32
      %mul3A_577 = arith.muli %mul3A_576, %scan3A_154 : i32
      %swap3A_578 = arith.index_cast %mul3A_577 : i32 to index
      %swap3A_579 = arith.constant 112 : index
      %swap3A_580 = tpu.vector_load %arg9[%swap3A_578, %swap3A_579] {strides = array<i32>} : memref<124x128xf32, #tpu.memory_space<vmem>>, vector<16xf32>,
      tpu.vector_store %arg9[%swap3A_578, %swap3A_579], %mul3A_575 {strides = array<i32>} : memref<124x128xf32, #tpu.memory_space<vmem>>, vector<16xf32>,
      %mul3A_581 = arith.mulf %get3A_543, %select_n3A_574 : vector<16xf32>
      %mul3A_582 = arith.constant 2 : i32
      %mul3A_583 = arith.muli %mul3A_582, %scan3A_154 : i32
      %add3A_584 = arith.constant 1 : i32
      %add3A_585 = arith.addi %mul3A_583, %add3A_584 : i32
      %swap3A_586 = arith.index_cast %add3A_585 : i32 to index
      %swap3A_587 = arith.constant 112 : index
      %swap3A_588 = tpu.vector_load %arg9[%swap3A_586, %swap3A_587] {strides = array<i32>} : memref<124x128xf32, #tpu.memory_space<vmem>>, vector<16xf32>,
      tpu.vector_store %arg9[%swap3A_586, %swap3A_587], %mul3A_581 {strides = array<i32>} : memref<124x128xf32, #tpu.memory_space<vmem>>, vector<16xf32>,
    }
    %scan3A_43 = arith.constant 62 : i32
    %add3A_44 = arith.constant 0 : i32
    %add3A_45 = arith.addi %add3A_44, %add3A : i32
    %mul3A_46 = arith.constant 2 : i32
    %mul3A_47 = arith.muli %add3A_45, %mul3A_46 : i32
    %mul3A_48 = arith.constant 62 : i32
    %mul3A_49 = arith.muli %mul3A_47, %mul3A_48 : i32
    %multiple_of3A_50 = tpu.assume_multiple %mul3A_49, 124 : i32
    %dma_start3A_51 = arith.constant 0 : i32
    %dma_start3A_52 = tpu.memref_slice %arg5[%multiple_of3A_50, %dma_start3A_51] : memref<15632x128xf32, #tpu.memory_space<hbm>> -> memref<124x128xf32, #tpu.memory_space<hbm>>
    %dma_start3A_53 = arith.constant 0 : i32
    %dma_start3A_54 = tpu.memref_slice %arg5[%multiple_of3A_50, %dma_start3A_53] : memref<15632x128xf32, #tpu.memory_space<hbm>> -> memref<124x128xf32, #tpu.memory_space<hbm>>
    tpu.enqueue_dma source(%arg9 : memref<124x128xf32, #tpu.memory_space<vmem>>) target(%dma_start3A_54 : memref<124x128xf32, #tpu.memory_space<hbm>>) target_semaphore(%arg18 : memref<!tpu.dma_semaphore, #tpu.memory_space<semaphore_mem>>)
    %dma_wait3A_55 = arith.constant 0 : i32
    %dma_wait3A_56 = arith.constant 0 : i32
    %dma_wait3A_57 = tpu.memref_slice %arg5[%dma_wait3A_55, %dma_wait3A_56] : memref<15632x128xf32, #tpu.memory_space<hbm>> -> memref<124x128xf32, #tpu.memory_space<hbm>>
    %dma_wait3A_58 = arith.constant 0 : i32
    %dma_wait3A_59 = arith.constant 0 : i32
    %dma_wait3A_60 = tpu.memref_slice %arg5[%dma_wait3A_58, %dma_wait3A_59] : memref<15632x128xf32, #tpu.memory_space<hbm>> -> memref<124x128xf32, #tpu.memory_space<hbm>>
    tpu.wait_dma2 semaphore(%arg18 : memref<!tpu.dma_semaphore, #tpu.memory_space<semaphore_mem>>) src(%arg9 : memref<124x128xf32, #tpu.memory_space<vmem>>) dst(%dma_wait3A_60 : memref<124x128xf32, #tpu.memory_space<hbm>>)
    %add3A_61 = arith.constant 96 : i32
    %add3A_62 = arith.addi %add3A_61, %add3A : i32
    %lt3A_63 = arith.constant 126 : i32
    %lt3A_64 = arith.cmpi slt, %add3A_62, %lt3A_63 : i32
    %convert_element_type3A_65 = arith.extui %lt3A_64 : i1 to i32
    %cond3A_66 = arith.constant 0 : i32
    %cond3A_67 = arith.cmpi ne, %convert_element_type3A_65, %cond3A_66 : i32
    scf.if %cond3A_67 {
      %add3A_154 = arith.constant 96 : i32
      %add3A_155 = arith.addi %add3A_154, %add3A : i32
      %mul3A_156 = arith.constant 62 : i32
      %mul3A_157 = arith.muli %add3A_155, %mul3A_156 : i32
      %multiple_of3A_158 = tpu.assume_multiple %mul3A_157, 62 : i32
      %dma_start3A_159 = arith.constant 0 : i32
      %dma_start3A_160 = arith.constant 0 : i32
      %dma_start3A_161 = tpu.memref_slice %arg2[%multiple_of3A_158, %dma_start3A_159, %dma_start3A_160] : memref<7812x2x128xf32, #tpu.memory_space<hbm>> -> memref<62x2x128xf32, #tpu.memory_space<hbm>>
      %dma_start3A_162 = arith.constant 0 : i32
      %dma_start3A_163 = arith.constant 0 : i32
      %dma_start3A_164 = tpu.memref_slice %arg2[%multiple_of3A_158, %dma_start3A_162, %dma_start3A_163] : memref<7812x2x128xf32, #tpu.memory_space<hbm>> -> memref<62x2x128xf32, #tpu.memory_space<hbm>>
      tpu.enqueue_dma source(%dma_start3A_164 : memref<62x2x128xf32, #tpu.memory_space<hbm>>) target(%arg6 : memref<62x2x128xf32, #tpu.memory_space<vmem>>) target_semaphore(%arg15 : memref<!tpu.dma_semaphore, #tpu.memory_space<semaphore_mem>>)
    } else {
    }
    %dma_wait3A_68 = arith.constant 0 : i32
    %dma_wait3A_69 = arith.constant 0 : i32
    %dma_wait3A_70 = arith.constant 0 : i32
    %dma_wait3A_71 = tpu.memref_slice %arg2[%dma_wait3A_68, %dma_wait3A_69, %dma_wait3A_70] : memref<7812x2x128xf32, #tpu.memory_space<hbm>> -> memref<62x2x128xf32, #tpu.memory_space<hbm>>
    %dma_wait3A_72 = arith.constant 0 : i32
    %dma_wait3A_73 = arith.constant 0 : i32
    %dma_wait3A_74 = arith.constant 0 : i32
    %dma_wait3A_75 = tpu.memref_slice %arg2[%dma_wait3A_72, %dma_wait3A_73, %dma_wait3A_74] : memref<7812x2x128xf32, #tpu.memory_space<hbm>> -> memref<62x2x128xf32, #tpu.memory_space<hbm>>
    tpu.wait_dma2 semaphore(%arg16 : memref<!tpu.dma_semaphore, #tpu.memory_space<semaphore_mem>>) src(%dma_wait3A_75 : memref<62x2x128xf32, #tpu.memory_space<hbm>>) dst(%arg7 : memref<62x2x128xf32, #tpu.memory_space<vmem>>)
    %mul3A_76 = arith.constant 9.99999995E+11 : f32
    %mul3A_77 = vector.broadcast %mul3A_76 : f32 to vector<16xf32>
    %mul3A_78 = arith.mulf %min3A_4, %mul3A_77 : vector<16xf32>
    %scan3A_79 = arith.constant 0 : i32
    %scan3A_80 = arith.constant 0 : i32
    %scan3A_81 = arith.constant 62 : i32
    %scan3A_82 = arith.addi %scan3A_80, %scan3A_81 : i32
    %scan3A_83 = arith.constant 1 : i32
    scf.for %scan3A_154 = %scan3A_80 to %scan3A_82 step %scan3A_83  : i32 {
      %get3A_155 = arith.constant 0 : i32
      %get3A_156 = arith.index_cast %scan3A_154 : i32 to index
      %get3A_157 = arith.index_cast %get3A_155 : i32 to index
      %get3A_158 = arith.constant 0 : index
      %get3A_159 = tpu.vector_load %arg7[%get3A_156, %get3A_157, %get3A_158] {strides = array<i32>} : memref<62x2x128xf32, #tpu.memory_space<vmem>>, vector<16xf32>,
      %get3A_160 = arith.constant 1 : i32
      %get3A_161 = arith.index_cast %scan3A_154 : i32 to index
      %get3A_162 = arith.index_cast %get3A_160 : i32 to index
      %get3A_163 = arith.constant 0 : index
      %get3A_164 = tpu.vector_load %arg7[%get3A_161, %get3A_162, %get3A_163] {strides = array<i32>} : memref<62x2x128xf32, #tpu.memory_space<vmem>>, vector<16xf32>,
      %mul3A_165 = arith.mulf %get3A_159, %get3A_159 : vector<16xf32>
      %mul3A_166 = arith.mulf %get3A_164, %get3A_164 : vector<16xf32>
      %add3A_167 = arith.addf %mul3A_165, %mul3A_166 : vector<16xf32>
      %mul3A_168 = arith.constant 5.000000e-01 : f32
      %mul3A_169 = vector.broadcast %mul3A_168 : f32 to vector<16xf32>
      %mul3A_170 = arith.mulf %mul3A_169, %add3A_167 : vector<16xf32>
      %bitcast3A = vector.bitcast %add3A_167 : vector<16xf32> to vector<16xi32>
      %shift_right_logical3A = arith.constant 1 : i32
      %shift_right_logical3A_171 = vector.broadcast %shift_right_logical3A : i32 to vector<16xi32>
      %shift_right_logical3A_172 = arith.shrui %bitcast3A, %shift_right_logical3A_171 : vector<16xi32>
      %sub3A = arith.constant 1597463007 : i32
      %sub3A_173 = vector.broadcast %sub3A : i32 to vector<16xi32>
      %sub3A_174 = arith.subi %sub3A_173, %shift_right_logical3A_172 : vector<16xi32>
      %bitcast3A_175 = vector.bitcast %sub3A_174 : vector<16xi32> to vector<16xf32>
      %mul3A_176 = arith.mulf %bitcast3A_175, %bitcast3A_175 : vector<16xf32>
      %mul3A_177 = arith.mulf %mul3A_170, %mul3A_176 : vector<16xf32>
      %sub3A_178 = arith.constant 1.500000e+00 : f32
      %sub3A_179 = vector.broadcast %sub3A_178 : f32 to vector<16xf32>
      %sub3A_180 = arith.subf %sub3A_179, %mul3A_177 : vector<16xf32>
      %mul3A_181 = arith.mulf %bitcast3A_175, %sub3A_180 : vector<16xf32>
      %mul3A_182 = arith.mulf %mul3A_181, %mul3A_181 : vector<16xf32>
      %mul3A_183 = arith.mulf %mul3A_170, %mul3A_182 : vector<16xf32>
      %sub3A_184 = arith.constant 1.500000e+00 : f32
      %sub3A_185 = vector.broadcast %sub3A_184 : f32 to vector<16xf32>
      %sub3A_186 = arith.subf %sub3A_185, %mul3A_183 : vector<16xf32>
      %mul3A_187 = arith.mulf %mul3A_181, %sub3A_186 : vector<16xf32>
      %ge3A = arith.constant 1.000000e-24 : f32
      %ge3A_188 = vector.broadcast %ge3A : f32 to vector<16xf32>
      %ge3A_189 = arith.cmpf oge, %add3A_167, %ge3A_188 : vector<16xf32>
      %mul3A_190 = arith.mulf %min3A_4, %mul3A_187 : vector<16xf32>
      %select_n3A = arith.select %ge3A_189, %mul3A_190, %mul3A_78 : vector<16xi1>, vector<16xf32>
      %mul3A_191 = arith.mulf %get3A_159, %select_n3A : vector<16xf32>
      %mul3A_192 = arith.constant 2 : i32
      %mul3A_193 = arith.muli %mul3A_192, %scan3A_154 : i32
      %swap3A = arith.index_cast %mul3A_193 : i32 to index
      %swap3A_194 = arith.constant 0 : index
      %swap3A_195 = tpu.vector_load %arg10[%swap3A, %swap3A_194] {strides = array<i32>} : memref<124x128xf32, #tpu.memory_space<vmem>>, vector<16xf32>,
      tpu.vector_store %arg10[%swap3A, %swap3A_194], %mul3A_191 {strides = array<i32>} : memref<124x128xf32, #tpu.memory_space<vmem>>, vector<16xf32>,
      %mul3A_196 = arith.mulf %get3A_164, %select_n3A : vector<16xf32>
      %mul3A_197 = arith.constant 2 : i32
      %mul3A_198 = arith.muli %mul3A_197, %scan3A_154 : i32
      %add3A_199 = arith.constant 1 : i32
      %add3A_200 = arith.addi %mul3A_198, %add3A_199 : i32
      %swap3A_201 = arith.index_cast %add3A_200 : i32 to index
      %swap3A_202 = arith.constant 0 : index
      %swap3A_203 = tpu.vector_load %arg10[%swap3A_201, %swap3A_202] {strides = array<i32>} : memref<124x128xf32, #tpu.memory_space<vmem>>, vector<16xf32>,
      tpu.vector_store %arg10[%swap3A_201, %swap3A_202], %mul3A_196 {strides = array<i32>} : memref<124x128xf32, #tpu.memory_space<vmem>>, vector<16xf32>,
      %get3A_204 = arith.constant 0 : i32
      %get3A_205 = arith.index_cast %scan3A_154 : i32 to index
      %get3A_206 = arith.index_cast %get3A_204 : i32 to index
      %get3A_207 = arith.constant 16 : index
      %get3A_208 = tpu.vector_load %arg7[%get3A_205, %get3A_206, %get3A_207] {strides = array<i32>} : memref<62x2x128xf32, #tpu.memory_space<vmem>>, vector<16xf32>,
      %get3A_209 = arith.constant 1 : i32
      %get3A_210 = arith.index_cast %scan3A_154 : i32 to index
      %get3A_211 = arith.index_cast %get3A_209 : i32 to index
      %get3A_212 = arith.constant 16 : index
      %get3A_213 = tpu.vector_load %arg7[%get3A_210, %get3A_211, %get3A_212] {strides = array<i32>} : memref<62x2x128xf32, #tpu.memory_space<vmem>>, vector<16xf32>,
      %mul3A_214 = arith.mulf %get3A_208, %get3A_208 : vector<16xf32>
      %mul3A_215 = arith.mulf %get3A_213, %get3A_213 : vector<16xf32>
      %add3A_216 = arith.addf %mul3A_214, %mul3A_215 : vector<16xf32>
      %mul3A_217 = arith.constant 5.000000e-01 : f32
      %mul3A_218 = vector.broadcast %mul3A_217 : f32 to vector<16xf32>
      %mul3A_219 = arith.mulf %mul3A_218, %add3A_216 : vector<16xf32>
      %bitcast3A_220 = vector.bitcast %add3A_216 : vector<16xf32> to vector<16xi32>
      %shift_right_logical3A_221 = arith.constant 1 : i32
      %shift_right_logical3A_222 = vector.broadcast %shift_right_logical3A_221 : i32 to vector<16xi32>
      %shift_right_logical3A_223 = arith.shrui %bitcast3A_220, %shift_right_logical3A_222 : vector<16xi32>
      %sub3A_224 = arith.constant 1597463007 : i32
      %sub3A_225 = vector.broadcast %sub3A_224 : i32 to vector<16xi32>
      %sub3A_226 = arith.subi %sub3A_225, %shift_right_logical3A_223 : vector<16xi32>
      %bitcast3A_227 = vector.bitcast %sub3A_226 : vector<16xi32> to vector<16xf32>
      %mul3A_228 = arith.mulf %bitcast3A_227, %bitcast3A_227 : vector<16xf32>
      %mul3A_229 = arith.mulf %mul3A_219, %mul3A_228 : vector<16xf32>
      %sub3A_230 = arith.constant 1.500000e+00 : f32
      %sub3A_231 = vector.broadcast %sub3A_230 : f32 to vector<16xf32>
      %sub3A_232 = arith.subf %sub3A_231, %mul3A_229 : vector<16xf32>
      %mul3A_233 = arith.mulf %bitcast3A_227, %sub3A_232 : vector<16xf32>
      %mul3A_234 = arith.mulf %mul3A_233, %mul3A_233 : vector<16xf32>
      %mul3A_235 = arith.mulf %mul3A_219, %mul3A_234 : vector<16xf32>
      %sub3A_236 = arith.constant 1.500000e+00 : f32
      %sub3A_237 = vector.broadcast %sub3A_236 : f32 to vector<16xf32>
      %sub3A_238 = arith.subf %sub3A_237, %mul3A_235 : vector<16xf32>
      %mul3A_239 = arith.mulf %mul3A_233, %sub3A_238 : vector<16xf32>
      %ge3A_240 = arith.constant 1.000000e-24 : f32
      %ge3A_241 = vector.broadcast %ge3A_240 : f32 to vector<16xf32>
      %ge3A_242 = arith.cmpf oge, %add3A_216, %ge3A_241 : vector<16xf32>
      %mul3A_243 = arith.mulf %min3A_4, %mul3A_239 : vector<16xf32>
      %select_n3A_244 = arith.select %ge3A_242, %mul3A_243, %mul3A_78 : vector<16xi1>, vector<16xf32>
      %mul3A_245 = arith.mulf %get3A_208, %select_n3A_244 : vector<16xf32>
      %mul3A_246 = arith.constant 2 : i32
      %mul3A_247 = arith.muli %mul3A_246, %scan3A_154 : i32
      %swap3A_248 = arith.index_cast %mul3A_247 : i32 to index
      %swap3A_249 = arith.constant 16 : index
      %swap3A_250 = tpu.vector_load %arg10[%swap3A_248, %swap3A_249] {strides = array<i32>} : memref<124x128xf32, #tpu.memory_space<vmem>>, vector<16xf32>,
      tpu.vector_store %arg10[%swap3A_248, %swap3A_249], %mul3A_245 {strides = array<i32>} : memref<124x128xf32, #tpu.memory_space<vmem>>, vector<16xf32>,
      %mul3A_251 = arith.mulf %get3A_213, %select_n3A_244 : vector<16xf32>
      %mul3A_252 = arith.constant 2 : i32
      %mul3A_253 = arith.muli %mul3A_252, %scan3A_154 : i32
      %add3A_254 = arith.constant 1 : i32
      %add3A_255 = arith.addi %mul3A_253, %add3A_254 : i32
      %swap3A_256 = arith.index_cast %add3A_255 : i32 to index
      %swap3A_257 = arith.constant 16 : index
      %swap3A_258 = tpu.vector_load %arg10[%swap3A_256, %swap3A_257] {strides = array<i32>} : memref<124x128xf32, #tpu.memory_space<vmem>>, vector<16xf32>,
      tpu.vector_store %arg10[%swap3A_256, %swap3A_257], %mul3A_251 {strides = array<i32>} : memref<124x128xf32, #tpu.memory_space<vmem>>, vector<16xf32>,
      %get3A_259 = arith.constant 0 : i32
      %get3A_260 = arith.index_cast %scan3A_154 : i32 to index
      %get3A_261 = arith.index_cast %get3A_259 : i32 to index
      %get3A_262 = arith.constant 32 : index
      %get3A_263 = tpu.vector_load %arg7[%get3A_260, %get3A_261, %get3A_262] {strides = array<i32>} : memref<62x2x128xf32, #tpu.memory_space<vmem>>, vector<16xf32>,
      %get3A_264 = arith.constant 1 : i32
      %get3A_265 = arith.index_cast %scan3A_154 : i32 to index
      %get3A_266 = arith.index_cast %get3A_264 : i32 to index
      %get3A_267 = arith.constant 32 : index
      %get3A_268 = tpu.vector_load %arg7[%get3A_265, %get3A_266, %get3A_267] {strides = array<i32>} : memref<62x2x128xf32, #tpu.memory_space<vmem>>, vector<16xf32>,
      %mul3A_269 = arith.mulf %get3A_263, %get3A_263 : vector<16xf32>
      %mul3A_270 = arith.mulf %get3A_268, %get3A_268 : vector<16xf32>
      %add3A_271 = arith.addf %mul3A_269, %mul3A_270 : vector<16xf32>
      %mul3A_272 = arith.constant 5.000000e-01 : f32
      %mul3A_273 = vector.broadcast %mul3A_272 : f32 to vector<16xf32>
      %mul3A_274 = arith.mulf %mul3A_273, %add3A_271 : vector<16xf32>
      %bitcast3A_275 = vector.bitcast %add3A_271 : vector<16xf32> to vector<16xi32>
      %shift_right_logical3A_276 = arith.constant 1 : i32
      %shift_right_logical3A_277 = vector.broadcast %shift_right_logical3A_276 : i32 to vector<16xi32>
      %shift_right_logical3A_278 = arith.shrui %bitcast3A_275, %shift_right_logical3A_277 : vector<16xi32>
      %sub3A_279 = arith.constant 1597463007 : i32
      %sub3A_280 = vector.broadcast %sub3A_279 : i32 to vector<16xi32>
      %sub3A_281 = arith.subi %sub3A_280, %shift_right_logical3A_278 : vector<16xi32>
      %bitcast3A_282 = vector.bitcast %sub3A_281 : vector<16xi32> to vector<16xf32>
      %mul3A_283 = arith.mulf %bitcast3A_282, %bitcast3A_282 : vector<16xf32>
      %mul3A_284 = arith.mulf %mul3A_274, %mul3A_283 : vector<16xf32>
      %sub3A_285 = arith.constant 1.500000e+00 : f32
      %sub3A_286 = vector.broadcast %sub3A_285 : f32 to vector<16xf32>
      %sub3A_287 = arith.subf %sub3A_286, %mul3A_284 : vector<16xf32>
      %mul3A_288 = arith.mulf %bitcast3A_282, %sub3A_287 : vector<16xf32>
      %mul3A_289 = arith.mulf %mul3A_288, %mul3A_288 : vector<16xf32>
      %mul3A_290 = arith.mulf %mul3A_274, %mul3A_289 : vector<16xf32>
      %sub3A_291 = arith.constant 1.500000e+00 : f32
      %sub3A_292 = vector.broadcast %sub3A_291 : f32 to vector<16xf32>
      %sub3A_293 = arith.subf %sub3A_292, %mul3A_290 : vector<16xf32>
      %mul3A_294 = arith.mulf %mul3A_288, %sub3A_293 : vector<16xf32>
      %ge3A_295 = arith.constant 1.000000e-24 : f32
      %ge3A_296 = vector.broadcast %ge3A_295 : f32 to vector<16xf32>
      %ge3A_297 = arith.cmpf oge, %add3A_271, %ge3A_296 : vector<16xf32>
      %mul3A_298 = arith.mulf %min3A_4, %mul3A_294 : vector<16xf32>
      %select_n3A_299 = arith.select %ge3A_297, %mul3A_298, %mul3A_78 : vector<16xi1>, vector<16xf32>
      %mul3A_300 = arith.mulf %get3A_263, %select_n3A_299 : vector<16xf32>
      %mul3A_301 = arith.constant 2 : i32
      %mul3A_302 = arith.muli %mul3A_301, %scan3A_154 : i32
      %swap3A_303 = arith.index_cast %mul3A_302 : i32 to index
      %swap3A_304 = arith.constant 32 : index
      %swap3A_305 = tpu.vector_load %arg10[%swap3A_303, %swap3A_304] {strides = array<i32>} : memref<124x128xf32, #tpu.memory_space<vmem>>, vector<16xf32>,
      tpu.vector_store %arg10[%swap3A_303, %swap3A_304], %mul3A_300 {strides = array<i32>} : memref<124x128xf32, #tpu.memory_space<vmem>>, vector<16xf32>,
      %mul3A_306 = arith.mulf %get3A_268, %select_n3A_299 : vector<16xf32>
      %mul3A_307 = arith.constant 2 : i32
      %mul3A_308 = arith.muli %mul3A_307, %scan3A_154 : i32
      %add3A_309 = arith.constant 1 : i32
      %add3A_310 = arith.addi %mul3A_308, %add3A_309 : i32
      %swap3A_311 = arith.index_cast %add3A_310 : i32 to index
      %swap3A_312 = arith.constant 32 : index
      %swap3A_313 = tpu.vector_load %arg10[%swap3A_311, %swap3A_312] {strides = array<i32>} : memref<124x128xf32, #tpu.memory_space<vmem>>, vector<16xf32>,
      tpu.vector_store %arg10[%swap3A_311, %swap3A_312], %mul3A_306 {strides = array<i32>} : memref<124x128xf32, #tpu.memory_space<vmem>>, vector<16xf32>,
      %get3A_314 = arith.constant 0 : i32
      %get3A_315 = arith.index_cast %scan3A_154 : i32 to index
      %get3A_316 = arith.index_cast %get3A_314 : i32 to index
      %get3A_317 = arith.constant 48 : index
      %get3A_318 = tpu.vector_load %arg7[%get3A_315, %get3A_316, %get3A_317] {strides = array<i32>} : memref<62x2x128xf32, #tpu.memory_space<vmem>>, vector<16xf32>,
      %get3A_319 = arith.constant 1 : i32
      %get3A_320 = arith.index_cast %scan3A_154 : i32 to index
      %get3A_321 = arith.index_cast %get3A_319 : i32 to index
      %get3A_322 = arith.constant 48 : index
      %get3A_323 = tpu.vector_load %arg7[%get3A_320, %get3A_321, %get3A_322] {strides = array<i32>} : memref<62x2x128xf32, #tpu.memory_space<vmem>>, vector<16xf32>,
      %mul3A_324 = arith.mulf %get3A_318, %get3A_318 : vector<16xf32>
      %mul3A_325 = arith.mulf %get3A_323, %get3A_323 : vector<16xf32>
      %add3A_326 = arith.addf %mul3A_324, %mul3A_325 : vector<16xf32>
      %mul3A_327 = arith.constant 5.000000e-01 : f32
      %mul3A_328 = vector.broadcast %mul3A_327 : f32 to vector<16xf32>
      %mul3A_329 = arith.mulf %mul3A_328, %add3A_326 : vector<16xf32>
      %bitcast3A_330 = vector.bitcast %add3A_326 : vector<16xf32> to vector<16xi32>
      %shift_right_logical3A_331 = arith.constant 1 : i32
      %shift_right_logical3A_332 = vector.broadcast %shift_right_logical3A_331 : i32 to vector<16xi32>
      %shift_right_logical3A_333 = arith.shrui %bitcast3A_330, %shift_right_logical3A_332 : vector<16xi32>
      %sub3A_334 = arith.constant 1597463007 : i32
      %sub3A_335 = vector.broadcast %sub3A_334 : i32 to vector<16xi32>
      %sub3A_336 = arith.subi %sub3A_335, %shift_right_logical3A_333 : vector<16xi32>
      %bitcast3A_337 = vector.bitcast %sub3A_336 : vector<16xi32> to vector<16xf32>
      %mul3A_338 = arith.mulf %bitcast3A_337, %bitcast3A_337 : vector<16xf32>
      %mul3A_339 = arith.mulf %mul3A_329, %mul3A_338 : vector<16xf32>
      %sub3A_340 = arith.constant 1.500000e+00 : f32
      %sub3A_341 = vector.broadcast %sub3A_340 : f32 to vector<16xf32>
      %sub3A_342 = arith.subf %sub3A_341, %mul3A_339 : vector<16xf32>
      %mul3A_343 = arith.mulf %bitcast3A_337, %sub3A_342 : vector<16xf32>
      %mul3A_344 = arith.mulf %mul3A_343, %mul3A_343 : vector<16xf32>
      %mul3A_345 = arith.mulf %mul3A_329, %mul3A_344 : vector<16xf32>
      %sub3A_346 = arith.constant 1.500000e+00 : f32
      %sub3A_347 = vector.broadcast %sub3A_346 : f32 to vector<16xf32>
      %sub3A_348 = arith.subf %sub3A_347, %mul3A_345 : vector<16xf32>
      %mul3A_349 = arith.mulf %mul3A_343, %sub3A_348 : vector<16xf32>
      %ge3A_350 = arith.constant 1.000000e-24 : f32
      %ge3A_351 = vector.broadcast %ge3A_350 : f32 to vector<16xf32>
      %ge3A_352 = arith.cmpf oge, %add3A_326, %ge3A_351 : vector<16xf32>
      %mul3A_353 = arith.mulf %min3A_4, %mul3A_349 : vector<16xf32>
      %select_n3A_354 = arith.select %ge3A_352, %mul3A_353, %mul3A_78 : vector<16xi1>, vector<16xf32>
      %mul3A_355 = arith.mulf %get3A_318, %select_n3A_354 : vector<16xf32>
      %mul3A_356 = arith.constant 2 : i32
      %mul3A_357 = arith.muli %mul3A_356, %scan3A_154 : i32
      %swap3A_358 = arith.index_cast %mul3A_357 : i32 to index
      %swap3A_359 = arith.constant 48 : index
      %swap3A_360 = tpu.vector_load %arg10[%swap3A_358, %swap3A_359] {strides = array<i32>} : memref<124x128xf32, #tpu.memory_space<vmem>>, vector<16xf32>,
      tpu.vector_store %arg10[%swap3A_358, %swap3A_359], %mul3A_355 {strides = array<i32>} : memref<124x128xf32, #tpu.memory_space<vmem>>, vector<16xf32>,
      %mul3A_361 = arith.mulf %get3A_323, %select_n3A_354 : vector<16xf32>
      %mul3A_362 = arith.constant 2 : i32
      %mul3A_363 = arith.muli %mul3A_362, %scan3A_154 : i32
      %add3A_364 = arith.constant 1 : i32
      %add3A_365 = arith.addi %mul3A_363, %add3A_364 : i32
      %swap3A_366 = arith.index_cast %add3A_365 : i32 to index
      %swap3A_367 = arith.constant 48 : index
      %swap3A_368 = tpu.vector_load %arg10[%swap3A_366, %swap3A_367] {strides = array<i32>} : memref<124x128xf32, #tpu.memory_space<vmem>>, vector<16xf32>,
      tpu.vector_store %arg10[%swap3A_366, %swap3A_367], %mul3A_361 {strides = array<i32>} : memref<124x128xf32, #tpu.memory_space<vmem>>, vector<16xf32>,
      %get3A_369 = arith.constant 0 : i32
      %get3A_370 = arith.index_cast %scan3A_154 : i32 to index
      %get3A_371 = arith.index_cast %get3A_369 : i32 to index
      %get3A_372 = arith.constant 64 : index
      %get3A_373 = tpu.vector_load %arg7[%get3A_370, %get3A_371, %get3A_372] {strides = array<i32>} : memref<62x2x128xf32, #tpu.memory_space<vmem>>, vector<16xf32>,
      %get3A_374 = arith.constant 1 : i32
      %get3A_375 = arith.index_cast %scan3A_154 : i32 to index
      %get3A_376 = arith.index_cast %get3A_374 : i32 to index
      %get3A_377 = arith.constant 64 : index
      %get3A_378 = tpu.vector_load %arg7[%get3A_375, %get3A_376, %get3A_377] {strides = array<i32>} : memref<62x2x128xf32, #tpu.memory_space<vmem>>, vector<16xf32>,
      %mul3A_379 = arith.mulf %get3A_373, %get3A_373 : vector<16xf32>
      %mul3A_380 = arith.mulf %get3A_378, %get3A_378 : vector<16xf32>
      %add3A_381 = arith.addf %mul3A_379, %mul3A_380 : vector<16xf32>
      %mul3A_382 = arith.constant 5.000000e-01 : f32
      %mul3A_383 = vector.broadcast %mul3A_382 : f32 to vector<16xf32>
      %mul3A_384 = arith.mulf %mul3A_383, %add3A_381 : vector<16xf32>
      %bitcast3A_385 = vector.bitcast %add3A_381 : vector<16xf32> to vector<16xi32>
      %shift_right_logical3A_386 = arith.constant 1 : i32
      %shift_right_logical3A_387 = vector.broadcast %shift_right_logical3A_386 : i32 to vector<16xi32>
      %shift_right_logical3A_388 = arith.shrui %bitcast3A_385, %shift_right_logical3A_387 : vector<16xi32>
      %sub3A_389 = arith.constant 1597463007 : i32
      %sub3A_390 = vector.broadcast %sub3A_389 : i32 to vector<16xi32>
      %sub3A_391 = arith.subi %sub3A_390, %shift_right_logical3A_388 : vector<16xi32>
      %bitcast3A_392 = vector.bitcast %sub3A_391 : vector<16xi32> to vector<16xf32>
      %mul3A_393 = arith.mulf %bitcast3A_392, %bitcast3A_392 : vector<16xf32>
      %mul3A_394 = arith.mulf %mul3A_384, %mul3A_393 : vector<16xf32>
      %sub3A_395 = arith.constant 1.500000e+00 : f32
      %sub3A_396 = vector.broadcast %sub3A_395 : f32 to vector<16xf32>
      %sub3A_397 = arith.subf %sub3A_396, %mul3A_394 : vector<16xf32>
      %mul3A_398 = arith.mulf %bitcast3A_392, %sub3A_397 : vector<16xf32>
      %mul3A_399 = arith.mulf %mul3A_398, %mul3A_398 : vector<16xf32>
      %mul3A_400 = arith.mulf %mul3A_384, %mul3A_399 : vector<16xf32>
      %sub3A_401 = arith.constant 1.500000e+00 : f32
      %sub3A_402 = vector.broadcast %sub3A_401 : f32 to vector<16xf32>
      %sub3A_403 = arith.subf %sub3A_402, %mul3A_400 : vector<16xf32>
      %mul3A_404 = arith.mulf %mul3A_398, %sub3A_403 : vector<16xf32>
      %ge3A_405 = arith.constant 1.000000e-24 : f32
      %ge3A_406 = vector.broadcast %ge3A_405 : f32 to vector<16xf32>
      %ge3A_407 = arith.cmpf oge, %add3A_381, %ge3A_406 : vector<16xf32>
      %mul3A_408 = arith.mulf %min3A_4, %mul3A_404 : vector<16xf32>
      %select_n3A_409 = arith.select %ge3A_407, %mul3A_408, %mul3A_78 : vector<16xi1>, vector<16xf32>
      %mul3A_410 = arith.mulf %get3A_373, %select_n3A_409 : vector<16xf32>
      %mul3A_411 = arith.constant 2 : i32
      %mul3A_412 = arith.muli %mul3A_411, %scan3A_154 : i32
      %swap3A_413 = arith.index_cast %mul3A_412 : i32 to index
      %swap3A_414 = arith.constant 64 : index
      %swap3A_415 = tpu.vector_load %arg10[%swap3A_413, %swap3A_414] {strides = array<i32>} : memref<124x128xf32, #tpu.memory_space<vmem>>, vector<16xf32>,
      tpu.vector_store %arg10[%swap3A_413, %swap3A_414], %mul3A_410 {strides = array<i32>} : memref<124x128xf32, #tpu.memory_space<vmem>>, vector<16xf32>,
      %mul3A_416 = arith.mulf %get3A_378, %select_n3A_409 : vector<16xf32>
      %mul3A_417 = arith.constant 2 : i32
      %mul3A_418 = arith.muli %mul3A_417, %scan3A_154 : i32
      %add3A_419 = arith.constant 1 : i32
      %add3A_420 = arith.addi %mul3A_418, %add3A_419 : i32
      %swap3A_421 = arith.index_cast %add3A_420 : i32 to index
      %swap3A_422 = arith.constant 64 : index
      %swap3A_423 = tpu.vector_load %arg10[%swap3A_421, %swap3A_422] {strides = array<i32>} : memref<124x128xf32, #tpu.memory_space<vmem>>, vector<16xf32>,
      tpu.vector_store %arg10[%swap3A_421, %swap3A_422], %mul3A_416 {strides = array<i32>} : memref<124x128xf32, #tpu.memory_space<vmem>>, vector<16xf32>,
      %get3A_424 = arith.constant 0 : i32
      %get3A_425 = arith.index_cast %scan3A_154 : i32 to index
      %get3A_426 = arith.index_cast %get3A_424 : i32 to index
      %get3A_427 = arith.constant 80 : index
      %get3A_428 = tpu.vector_load %arg7[%get3A_425, %get3A_426, %get3A_427] {strides = array<i32>} : memref<62x2x128xf32, #tpu.memory_space<vmem>>, vector<16xf32>,
      %get3A_429 = arith.constant 1 : i32
      %get3A_430 = arith.index_cast %scan3A_154 : i32 to index
      %get3A_431 = arith.index_cast %get3A_429 : i32 to index
      %get3A_432 = arith.constant 80 : index
      %get3A_433 = tpu.vector_load %arg7[%get3A_430, %get3A_431, %get3A_432] {strides = array<i32>} : memref<62x2x128xf32, #tpu.memory_space<vmem>>, vector<16xf32>,
      %mul3A_434 = arith.mulf %get3A_428, %get3A_428 : vector<16xf32>
      %mul3A_435 = arith.mulf %get3A_433, %get3A_433 : vector<16xf32>
      %add3A_436 = arith.addf %mul3A_434, %mul3A_435 : vector<16xf32>
      %mul3A_437 = arith.constant 5.000000e-01 : f32
      %mul3A_438 = vector.broadcast %mul3A_437 : f32 to vector<16xf32>
      %mul3A_439 = arith.mulf %mul3A_438, %add3A_436 : vector<16xf32>
      %bitcast3A_440 = vector.bitcast %add3A_436 : vector<16xf32> to vector<16xi32>
      %shift_right_logical3A_441 = arith.constant 1 : i32
      %shift_right_logical3A_442 = vector.broadcast %shift_right_logical3A_441 : i32 to vector<16xi32>
      %shift_right_logical3A_443 = arith.shrui %bitcast3A_440, %shift_right_logical3A_442 : vector<16xi32>
      %sub3A_444 = arith.constant 1597463007 : i32
      %sub3A_445 = vector.broadcast %sub3A_444 : i32 to vector<16xi32>
      %sub3A_446 = arith.subi %sub3A_445, %shift_right_logical3A_443 : vector<16xi32>
      %bitcast3A_447 = vector.bitcast %sub3A_446 : vector<16xi32> to vector<16xf32>
      %mul3A_448 = arith.mulf %bitcast3A_447, %bitcast3A_447 : vector<16xf32>
      %mul3A_449 = arith.mulf %mul3A_439, %mul3A_448 : vector<16xf32>
      %sub3A_450 = arith.constant 1.500000e+00 : f32
      %sub3A_451 = vector.broadcast %sub3A_450 : f32 to vector<16xf32>
      %sub3A_452 = arith.subf %sub3A_451, %mul3A_449 : vector<16xf32>
      %mul3A_453 = arith.mulf %bitcast3A_447, %sub3A_452 : vector<16xf32>
      %mul3A_454 = arith.mulf %mul3A_453, %mul3A_453 : vector<16xf32>
      %mul3A_455 = arith.mulf %mul3A_439, %mul3A_454 : vector<16xf32>
      %sub3A_456 = arith.constant 1.500000e+00 : f32
      %sub3A_457 = vector.broadcast %sub3A_456 : f32 to vector<16xf32>
      %sub3A_458 = arith.subf %sub3A_457, %mul3A_455 : vector<16xf32>
      %mul3A_459 = arith.mulf %mul3A_453, %sub3A_458 : vector<16xf32>
      %ge3A_460 = arith.constant 1.000000e-24 : f32
      %ge3A_461 = vector.broadcast %ge3A_460 : f32 to vector<16xf32>
      %ge3A_462 = arith.cmpf oge, %add3A_436, %ge3A_461 : vector<16xf32>
      %mul3A_463 = arith.mulf %min3A_4, %mul3A_459 : vector<16xf32>
      %select_n3A_464 = arith.select %ge3A_462, %mul3A_463, %mul3A_78 : vector<16xi1>, vector<16xf32>
      %mul3A_465 = arith.mulf %get3A_428, %select_n3A_464 : vector<16xf32>
      %mul3A_466 = arith.constant 2 : i32
      %mul3A_467 = arith.muli %mul3A_466, %scan3A_154 : i32
      %swap3A_468 = arith.index_cast %mul3A_467 : i32 to index
      %swap3A_469 = arith.constant 80 : index
      %swap3A_470 = tpu.vector_load %arg10[%swap3A_468, %swap3A_469] {strides = array<i32>} : memref<124x128xf32, #tpu.memory_space<vmem>>, vector<16xf32>,
      tpu.vector_store %arg10[%swap3A_468, %swap3A_469], %mul3A_465 {strides = array<i32>} : memref<124x128xf32, #tpu.memory_space<vmem>>, vector<16xf32>,
      %mul3A_471 = arith.mulf %get3A_433, %select_n3A_464 : vector<16xf32>
      %mul3A_472 = arith.constant 2 : i32
      %mul3A_473 = arith.muli %mul3A_472, %scan3A_154 : i32
      %add3A_474 = arith.constant 1 : i32
      %add3A_475 = arith.addi %mul3A_473, %add3A_474 : i32
      %swap3A_476 = arith.index_cast %add3A_475 : i32 to index
      %swap3A_477 = arith.constant 80 : index
      %swap3A_478 = tpu.vector_load %arg10[%swap3A_476, %swap3A_477] {strides = array<i32>} : memref<124x128xf32, #tpu.memory_space<vmem>>, vector<16xf32>,
      tpu.vector_store %arg10[%swap3A_476, %swap3A_477], %mul3A_471 {strides = array<i32>} : memref<124x128xf32, #tpu.memory_space<vmem>>, vector<16xf32>,
      %get3A_479 = arith.constant 0 : i32
      %get3A_480 = arith.index_cast %scan3A_154 : i32 to index
      %get3A_481 = arith.index_cast %get3A_479 : i32 to index
      %get3A_482 = arith.constant 96 : index
      %get3A_483 = tpu.vector_load %arg7[%get3A_480, %get3A_481, %get3A_482] {strides = array<i32>} : memref<62x2x128xf32, #tpu.memory_space<vmem>>, vector<16xf32>,
      %get3A_484 = arith.constant 1 : i32
      %get3A_485 = arith.index_cast %scan3A_154 : i32 to index
      %get3A_486 = arith.index_cast %get3A_484 : i32 to index
      %get3A_487 = arith.constant 96 : index
      %get3A_488 = tpu.vector_load %arg7[%get3A_485, %get3A_486, %get3A_487] {strides = array<i32>} : memref<62x2x128xf32, #tpu.memory_space<vmem>>, vector<16xf32>,
      %mul3A_489 = arith.mulf %get3A_483, %get3A_483 : vector<16xf32>
      %mul3A_490 = arith.mulf %get3A_488, %get3A_488 : vector<16xf32>
      %add3A_491 = arith.addf %mul3A_489, %mul3A_490 : vector<16xf32>
      %mul3A_492 = arith.constant 5.000000e-01 : f32
      %mul3A_493 = vector.broadcast %mul3A_492 : f32 to vector<16xf32>
      %mul3A_494 = arith.mulf %mul3A_493, %add3A_491 : vector<16xf32>
      %bitcast3A_495 = vector.bitcast %add3A_491 : vector<16xf32> to vector<16xi32>
      %shift_right_logical3A_496 = arith.constant 1 : i32
      %shift_right_logical3A_497 = vector.broadcast %shift_right_logical3A_496 : i32 to vector<16xi32>
      %shift_right_logical3A_498 = arith.shrui %bitcast3A_495, %shift_right_logical3A_497 : vector<16xi32>
      %sub3A_499 = arith.constant 1597463007 : i32
      %sub3A_500 = vector.broadcast %sub3A_499 : i32 to vector<16xi32>
      %sub3A_501 = arith.subi %sub3A_500, %shift_right_logical3A_498 : vector<16xi32>
      %bitcast3A_502 = vector.bitcast %sub3A_501 : vector<16xi32> to vector<16xf32>
      %mul3A_503 = arith.mulf %bitcast3A_502, %bitcast3A_502 : vector<16xf32>
      %mul3A_504 = arith.mulf %mul3A_494, %mul3A_503 : vector<16xf32>
      %sub3A_505 = arith.constant 1.500000e+00 : f32
      %sub3A_506 = vector.broadcast %sub3A_505 : f32 to vector<16xf32>
      %sub3A_507 = arith.subf %sub3A_506, %mul3A_504 : vector<16xf32>
      %mul3A_508 = arith.mulf %bitcast3A_502, %sub3A_507 : vector<16xf32>
      %mul3A_509 = arith.mulf %mul3A_508, %mul3A_508 : vector<16xf32>
      %mul3A_510 = arith.mulf %mul3A_494, %mul3A_509 : vector<16xf32>
      %sub3A_511 = arith.constant 1.500000e+00 : f32
      %sub3A_512 = vector.broadcast %sub3A_511 : f32 to vector<16xf32>
      %sub3A_513 = arith.subf %sub3A_512, %mul3A_510 : vector<16xf32>
      %mul3A_514 = arith.mulf %mul3A_508, %sub3A_513 : vector<16xf32>
      %ge3A_515 = arith.constant 1.000000e-24 : f32
      %ge3A_516 = vector.broadcast %ge3A_515 : f32 to vector<16xf32>
      %ge3A_517 = arith.cmpf oge, %add3A_491, %ge3A_516 : vector<16xf32>
      %mul3A_518 = arith.mulf %min3A_4, %mul3A_514 : vector<16xf32>
      %select_n3A_519 = arith.select %ge3A_517, %mul3A_518, %mul3A_78 : vector<16xi1>, vector<16xf32>
      %mul3A_520 = arith.mulf %get3A_483, %select_n3A_519 : vector<16xf32>
      %mul3A_521 = arith.constant 2 : i32
      %mul3A_522 = arith.muli %mul3A_521, %scan3A_154 : i32
      %swap3A_523 = arith.index_cast %mul3A_522 : i32 to index
      %swap3A_524 = arith.constant 96 : index
      %swap3A_525 = tpu.vector_load %arg10[%swap3A_523, %swap3A_524] {strides = array<i32>} : memref<124x128xf32, #tpu.memory_space<vmem>>, vector<16xf32>,
      tpu.vector_store %arg10[%swap3A_523, %swap3A_524], %mul3A_520 {strides = array<i32>} : memref<124x128xf32, #tpu.memory_space<vmem>>, vector<16xf32>,
      %mul3A_526 = arith.mulf %get3A_488, %select_n3A_519 : vector<16xf32>
      %mul3A_527 = arith.constant 2 : i32
      %mul3A_528 = arith.muli %mul3A_527, %scan3A_154 : i32
      %add3A_529 = arith.constant 1 : i32
      %add3A_530 = arith.addi %mul3A_528, %add3A_529 : i32
      %swap3A_531 = arith.index_cast %add3A_530 : i32 to index
      %swap3A_532 = arith.constant 96 : index
      %swap3A_533 = tpu.vector_load %arg10[%swap3A_531, %swap3A_532] {strides = array<i32>} : memref<124x128xf32, #tpu.memory_space<vmem>>, vector<16xf32>,
      tpu.vector_store %arg10[%swap3A_531, %swap3A_532], %mul3A_526 {strides = array<i32>} : memref<124x128xf32, #tpu.memory_space<vmem>>, vector<16xf32>,
      %get3A_534 = arith.constant 0 : i32
      %get3A_535 = arith.index_cast %scan3A_154 : i32 to index
      %get3A_536 = arith.index_cast %get3A_534 : i32 to index
      %get3A_537 = arith.constant 112 : index
      %get3A_538 = tpu.vector_load %arg7[%get3A_535, %get3A_536, %get3A_537] {strides = array<i32>} : memref<62x2x128xf32, #tpu.memory_space<vmem>>, vector<16xf32>,
      %get3A_539 = arith.constant 1 : i32
      %get3A_540 = arith.index_cast %scan3A_154 : i32 to index
      %get3A_541 = arith.index_cast %get3A_539 : i32 to index
      %get3A_542 = arith.constant 112 : index
      %get3A_543 = tpu.vector_load %arg7[%get3A_540, %get3A_541, %get3A_542] {strides = array<i32>} : memref<62x2x128xf32, #tpu.memory_space<vmem>>, vector<16xf32>,
      %mul3A_544 = arith.mulf %get3A_538, %get3A_538 : vector<16xf32>
      %mul3A_545 = arith.mulf %get3A_543, %get3A_543 : vector<16xf32>
      %add3A_546 = arith.addf %mul3A_544, %mul3A_545 : vector<16xf32>
      %mul3A_547 = arith.constant 5.000000e-01 : f32
      %mul3A_548 = vector.broadcast %mul3A_547 : f32 to vector<16xf32>
      %mul3A_549 = arith.mulf %mul3A_548, %add3A_546 : vector<16xf32>
      %bitcast3A_550 = vector.bitcast %add3A_546 : vector<16xf32> to vector<16xi32>
      %shift_right_logical3A_551 = arith.constant 1 : i32
      %shift_right_logical3A_552 = vector.broadcast %shift_right_logical3A_551 : i32 to vector<16xi32>
      %shift_right_logical3A_553 = arith.shrui %bitcast3A_550, %shift_right_logical3A_552 : vector<16xi32>
      %sub3A_554 = arith.constant 1597463007 : i32
      %sub3A_555 = vector.broadcast %sub3A_554 : i32 to vector<16xi32>
      %sub3A_556 = arith.subi %sub3A_555, %shift_right_logical3A_553 : vector<16xi32>
      %bitcast3A_557 = vector.bitcast %sub3A_556 : vector<16xi32> to vector<16xf32>
      %mul3A_558 = arith.mulf %bitcast3A_557, %bitcast3A_557 : vector<16xf32>
      %mul3A_559 = arith.mulf %mul3A_549, %mul3A_558 : vector<16xf32>
      %sub3A_560 = arith.constant 1.500000e+00 : f32
      %sub3A_561 = vector.broadcast %sub3A_560 : f32 to vector<16xf32>
      %sub3A_562 = arith.subf %sub3A_561, %mul3A_559 : vector<16xf32>
      %mul3A_563 = arith.mulf %bitcast3A_557, %sub3A_562 : vector<16xf32>
      %mul3A_564 = arith.mulf %mul3A_563, %mul3A_563 : vector<16xf32>
      %mul3A_565 = arith.mulf %mul3A_549, %mul3A_564 : vector<16xf32>
      %sub3A_566 = arith.constant 1.500000e+00 : f32
      %sub3A_567 = vector.broadcast %sub3A_566 : f32 to vector<16xf32>
      %sub3A_568 = arith.subf %sub3A_567, %mul3A_565 : vector<16xf32>
      %mul3A_569 = arith.mulf %mul3A_563, %sub3A_568 : vector<16xf32>
      %ge3A_570 = arith.constant 1.000000e-24 : f32
      %ge3A_571 = vector.broadcast %ge3A_570 : f32 to vector<16xf32>
      %ge3A_572 = arith.cmpf oge, %add3A_546, %ge3A_571 : vector<16xf32>
      %mul3A_573 = arith.mulf %min3A_4, %mul3A_569 : vector<16xf32>
      %select_n3A_574 = arith.select %ge3A_572, %mul3A_573, %mul3A_78 : vector<16xi1>, vector<16xf32>
      %mul3A_575 = arith.mulf %get3A_538, %select_n3A_574 : vector<16xf32>
      %mul3A_576 = arith.constant 2 : i32
      %mul3A_577 = arith.muli %mul3A_576, %scan3A_154 : i32
      %swap3A_578 = arith.index_cast %mul3A_577 : i32 to index
      %swap3A_579 = arith.constant 112 : index
      %swap3A_580 = tpu.vector_load %arg10[%swap3A_578, %swap3A_579] {strides = array<i32>} : memref<124x128xf32, #tpu.memory_space<vmem>>, vector<16xf32>,
      tpu.vector_store %arg10[%swap3A_578, %swap3A_579], %mul3A_575 {strides = array<i32>} : memref<124x128xf32, #tpu.memory_space<vmem>>, vector<16xf32>,
      %mul3A_581 = arith.mulf %get3A_543, %select_n3A_574 : vector<16xf32>
      %mul3A_582 = arith.constant 2 : i32
      %mul3A_583 = arith.muli %mul3A_582, %scan3A_154 : i32
      %add3A_584 = arith.constant 1 : i32
      %add3A_585 = arith.addi %mul3A_583, %add3A_584 : i32
      %swap3A_586 = arith.index_cast %add3A_585 : i32 to index
      %swap3A_587 = arith.constant 112 : index
      %swap3A_588 = tpu.vector_load %arg10[%swap3A_586, %swap3A_587] {strides = array<i32>} : memref<124x128xf32, #tpu.memory_space<vmem>>, vector<16xf32>,
      tpu.vector_store %arg10[%swap3A_586, %swap3A_587], %mul3A_581 {strides = array<i32>} : memref<124x128xf32, #tpu.memory_space<vmem>>, vector<16xf32>,
    }
    %scan3A_84 = arith.constant 62 : i32
    %add3A_85 = arith.constant 32 : i32
    %add3A_86 = arith.addi %add3A_85, %add3A : i32
    %mul3A_87 = arith.constant 2 : i32
    %mul3A_88 = arith.muli %add3A_86, %mul3A_87 : i32
    %mul3A_89 = arith.constant 62 : i32
    %mul3A_90 = arith.muli %mul3A_88, %mul3A_89 : i32
    %multiple_of3A_91 = tpu.assume_multiple %mul3A_90, 124 : i32
    %dma_start3A_92 = arith.constant 0 : i32
    %dma_start3A_93 = tpu.memref_slice %arg5[%multiple_of3A_91, %dma_start3A_92] : memref<15632x128xf32, #tpu.memory_space<hbm>> -> memref<124x128xf32, #tpu.memory_space<hbm>>
    %dma_start3A_94 = arith.constant 0 : i32
    %dma_start3A_95 = tpu.memref_slice %arg5[%multiple_of3A_91, %dma_start3A_94] : memref<15632x128xf32, #tpu.memory_space<hbm>> -> memref<124x128xf32, #tpu.memory_space<hbm>>
    tpu.enqueue_dma source(%arg10 : memref<124x128xf32, #tpu.memory_space<vmem>>) target(%dma_start3A_95 : memref<124x128xf32, #tpu.memory_space<hbm>>) target_semaphore(%arg19 : memref<!tpu.dma_semaphore, #tpu.memory_space<semaphore_mem>>)
    %dma_wait3A_96 = arith.constant 0 : i32
    %dma_wait3A_97 = arith.constant 0 : i32
    %dma_wait3A_98 = arith.constant 0 : i32
    %dma_wait3A_99 = tpu.memref_slice %arg2[%dma_wait3A_96, %dma_wait3A_97, %dma_wait3A_98] : memref<7812x2x128xf32, #tpu.memory_space<hbm>> -> memref<62x2x128xf32, #tpu.memory_space<hbm>>
    %dma_wait3A_100 = arith.constant 0 : i32
    %dma_wait3A_101 = arith.constant 0 : i32
    %dma_wait3A_102 = arith.constant 0 : i32
    %dma_wait3A_103 = tpu.memref_slice %arg2[%dma_wait3A_100, %dma_wait3A_101, %dma_wait3A_102] : memref<7812x2x128xf32, #tpu.memory_space<hbm>> -> memref<62x2x128xf32, #tpu.memory_space<hbm>>
    tpu.wait_dma2 semaphore(%arg17 : memref<!tpu.dma_semaphore, #tpu.memory_space<semaphore_mem>>) src(%dma_wait3A_103 : memref<62x2x128xf32, #tpu.memory_space<hbm>>) dst(%arg8 : memref<62x2x128xf32, #tpu.memory_space<vmem>>)
    %mul3A_104 = arith.constant 9.99999995E+11 : f32
    %mul3A_105 = vector.broadcast %mul3A_104 : f32 to vector<16xf32>
    %mul3A_106 = arith.mulf %min3A_4, %mul3A_105 : vector<16xf32>
    %scan3A_107 = arith.constant 0 : i32
    %scan3A_108 = arith.constant 0 : i32
    %scan3A_109 = arith.constant 62 : i32
    %scan3A_110 = arith.addi %scan3A_108, %scan3A_109 : i32
    %scan3A_111 = arith.constant 1 : i32
    scf.for %scan3A_154 = %scan3A_108 to %scan3A_110 step %scan3A_111  : i32 {
      %get3A_155 = arith.constant 0 : i32
      %get3A_156 = arith.index_cast %scan3A_154 : i32 to index
      %get3A_157 = arith.index_cast %get3A_155 : i32 to index
      %get3A_158 = arith.constant 0 : index
      %get3A_159 = tpu.vector_load %arg8[%get3A_156, %get3A_157, %get3A_158] {strides = array<i32>} : memref<62x2x128xf32, #tpu.memory_space<vmem>>, vector<16xf32>,
      %get3A_160 = arith.constant 1 : i32
      %get3A_161 = arith.index_cast %scan3A_154 : i32 to index
      %get3A_162 = arith.index_cast %get3A_160 : i32 to index
      %get3A_163 = arith.constant 0 : index
      %get3A_164 = tpu.vector_load %arg8[%get3A_161, %get3A_162, %get3A_163] {strides = array<i32>} : memref<62x2x128xf32, #tpu.memory_space<vmem>>, vector<16xf32>,
      %mul3A_165 = arith.mulf %get3A_159, %get3A_159 : vector<16xf32>
      %mul3A_166 = arith.mulf %get3A_164, %get3A_164 : vector<16xf32>
      %add3A_167 = arith.addf %mul3A_165, %mul3A_166 : vector<16xf32>
      %mul3A_168 = arith.constant 5.000000e-01 : f32
      %mul3A_169 = vector.broadcast %mul3A_168 : f32 to vector<16xf32>
      %mul3A_170 = arith.mulf %mul3A_169, %add3A_167 : vector<16xf32>
      %bitcast3A = vector.bitcast %add3A_167 : vector<16xf32> to vector<16xi32>
      %shift_right_logical3A = arith.constant 1 : i32
      %shift_right_logical3A_171 = vector.broadcast %shift_right_logical3A : i32 to vector<16xi32>
      %shift_right_logical3A_172 = arith.shrui %bitcast3A, %shift_right_logical3A_171 : vector<16xi32>
      %sub3A = arith.constant 1597463007 : i32
      %sub3A_173 = vector.broadcast %sub3A : i32 to vector<16xi32>
      %sub3A_174 = arith.subi %sub3A_173, %shift_right_logical3A_172 : vector<16xi32>
      %bitcast3A_175 = vector.bitcast %sub3A_174 : vector<16xi32> to vector<16xf32>
      %mul3A_176 = arith.mulf %bitcast3A_175, %bitcast3A_175 : vector<16xf32>
      %mul3A_177 = arith.mulf %mul3A_170, %mul3A_176 : vector<16xf32>
      %sub3A_178 = arith.constant 1.500000e+00 : f32
      %sub3A_179 = vector.broadcast %sub3A_178 : f32 to vector<16xf32>
      %sub3A_180 = arith.subf %sub3A_179, %mul3A_177 : vector<16xf32>
      %mul3A_181 = arith.mulf %bitcast3A_175, %sub3A_180 : vector<16xf32>
      %mul3A_182 = arith.mulf %mul3A_181, %mul3A_181 : vector<16xf32>
      %mul3A_183 = arith.mulf %mul3A_170, %mul3A_182 : vector<16xf32>
      %sub3A_184 = arith.constant 1.500000e+00 : f32
      %sub3A_185 = vector.broadcast %sub3A_184 : f32 to vector<16xf32>
      %sub3A_186 = arith.subf %sub3A_185, %mul3A_183 : vector<16xf32>
      %mul3A_187 = arith.mulf %mul3A_181, %sub3A_186 : vector<16xf32>
      %ge3A = arith.constant 1.000000e-24 : f32
      %ge3A_188 = vector.broadcast %ge3A : f32 to vector<16xf32>
      %ge3A_189 = arith.cmpf oge, %add3A_167, %ge3A_188 : vector<16xf32>
      %mul3A_190 = arith.mulf %min3A_4, %mul3A_187 : vector<16xf32>
      %select_n3A = arith.select %ge3A_189, %mul3A_190, %mul3A_106 : vector<16xi1>, vector<16xf32>
      %mul3A_191 = arith.mulf %get3A_159, %select_n3A : vector<16xf32>
      %mul3A_192 = arith.constant 2 : i32
      %mul3A_193 = arith.muli %mul3A_192, %scan3A_154 : i32
      %swap3A = arith.index_cast %mul3A_193 : i32 to index
      %swap3A_194 = arith.constant 0 : index
      %swap3A_195 = tpu.vector_load %arg11[%swap3A, %swap3A_194] {strides = array<i32>} : memref<124x128xf32, #tpu.memory_space<vmem>>, vector<16xf32>,
      tpu.vector_store %arg11[%swap3A, %swap3A_194], %mul3A_191 {strides = array<i32>} : memref<124x128xf32, #tpu.memory_space<vmem>>, vector<16xf32>,
      %mul3A_196 = arith.mulf %get3A_164, %select_n3A : vector<16xf32>
      %mul3A_197 = arith.constant 2 : i32
      %mul3A_198 = arith.muli %mul3A_197, %scan3A_154 : i32
      %add3A_199 = arith.constant 1 : i32
      %add3A_200 = arith.addi %mul3A_198, %add3A_199 : i32
      %swap3A_201 = arith.index_cast %add3A_200 : i32 to index
      %swap3A_202 = arith.constant 0 : index
      %swap3A_203 = tpu.vector_load %arg11[%swap3A_201, %swap3A_202] {strides = array<i32>} : memref<124x128xf32, #tpu.memory_space<vmem>>, vector<16xf32>,
      tpu.vector_store %arg11[%swap3A_201, %swap3A_202], %mul3A_196 {strides = array<i32>} : memref<124x128xf32, #tpu.memory_space<vmem>>, vector<16xf32>,
      %get3A_204 = arith.constant 0 : i32
      %get3A_205 = arith.index_cast %scan3A_154 : i32 to index
      %get3A_206 = arith.index_cast %get3A_204 : i32 to index
      %get3A_207 = arith.constant 16 : index
      %get3A_208 = tpu.vector_load %arg8[%get3A_205, %get3A_206, %get3A_207] {strides = array<i32>} : memref<62x2x128xf32, #tpu.memory_space<vmem>>, vector<16xf32>,
      %get3A_209 = arith.constant 1 : i32
      %get3A_210 = arith.index_cast %scan3A_154 : i32 to index
      %get3A_211 = arith.index_cast %get3A_209 : i32 to index
      %get3A_212 = arith.constant 16 : index
      %get3A_213 = tpu.vector_load %arg8[%get3A_210, %get3A_211, %get3A_212] {strides = array<i32>} : memref<62x2x128xf32, #tpu.memory_space<vmem>>, vector<16xf32>,
      %mul3A_214 = arith.mulf %get3A_208, %get3A_208 : vector<16xf32>
      %mul3A_215 = arith.mulf %get3A_213, %get3A_213 : vector<16xf32>
      %add3A_216 = arith.addf %mul3A_214, %mul3A_215 : vector<16xf32>
      %mul3A_217 = arith.constant 5.000000e-01 : f32
      %mul3A_218 = vector.broadcast %mul3A_217 : f32 to vector<16xf32>
      %mul3A_219 = arith.mulf %mul3A_218, %add3A_216 : vector<16xf32>
      %bitcast3A_220 = vector.bitcast %add3A_216 : vector<16xf32> to vector<16xi32>
      %shift_right_logical3A_221 = arith.constant 1 : i32
      %shift_right_logical3A_222 = vector.broadcast %shift_right_logical3A_221 : i32 to vector<16xi32>
      %shift_right_logical3A_223 = arith.shrui %bitcast3A_220, %shift_right_logical3A_222 : vector<16xi32>
      %sub3A_224 = arith.constant 1597463007 : i32
      %sub3A_225 = vector.broadcast %sub3A_224 : i32 to vector<16xi32>
      %sub3A_226 = arith.subi %sub3A_225, %shift_right_logical3A_223 : vector<16xi32>
      %bitcast3A_227 = vector.bitcast %sub3A_226 : vector<16xi32> to vector<16xf32>
      %mul3A_228 = arith.mulf %bitcast3A_227, %bitcast3A_227 : vector<16xf32>
      %mul3A_229 = arith.mulf %mul3A_219, %mul3A_228 : vector<16xf32>
      %sub3A_230 = arith.constant 1.500000e+00 : f32
      %sub3A_231 = vector.broadcast %sub3A_230 : f32 to vector<16xf32>
      %sub3A_232 = arith.subf %sub3A_231, %mul3A_229 : vector<16xf32>
      %mul3A_233 = arith.mulf %bitcast3A_227, %sub3A_232 : vector<16xf32>
      %mul3A_234 = arith.mulf %mul3A_233, %mul3A_233 : vector<16xf32>
      %mul3A_235 = arith.mulf %mul3A_219, %mul3A_234 : vector<16xf32>
      %sub3A_236 = arith.constant 1.500000e+00 : f32
      %sub3A_237 = vector.broadcast %sub3A_236 : f32 to vector<16xf32>
      %sub3A_238 = arith.subf %sub3A_237, %mul3A_235 : vector<16xf32>
      %mul3A_239 = arith.mulf %mul3A_233, %sub3A_238 : vector<16xf32>
      %ge3A_240 = arith.constant 1.000000e-24 : f32
      %ge3A_241 = vector.broadcast %ge3A_240 : f32 to vector<16xf32>
      %ge3A_242 = arith.cmpf oge, %add3A_216, %ge3A_241 : vector<16xf32>
      %mul3A_243 = arith.mulf %min3A_4, %mul3A_239 : vector<16xf32>
      %select_n3A_244 = arith.select %ge3A_242, %mul3A_243, %mul3A_106 : vector<16xi1>, vector<16xf32>
      %mul3A_245 = arith.mulf %get3A_208, %select_n3A_244 : vector<16xf32>
      %mul3A_246 = arith.constant 2 : i32
      %mul3A_247 = arith.muli %mul3A_246, %scan3A_154 : i32
      %swap3A_248 = arith.index_cast %mul3A_247 : i32 to index
      %swap3A_249 = arith.constant 16 : index
      %swap3A_250 = tpu.vector_load %arg11[%swap3A_248, %swap3A_249] {strides = array<i32>} : memref<124x128xf32, #tpu.memory_space<vmem>>, vector<16xf32>,
      tpu.vector_store %arg11[%swap3A_248, %swap3A_249], %mul3A_245 {strides = array<i32>} : memref<124x128xf32, #tpu.memory_space<vmem>>, vector<16xf32>,
      %mul3A_251 = arith.mulf %get3A_213, %select_n3A_244 : vector<16xf32>
      %mul3A_252 = arith.constant 2 : i32
      %mul3A_253 = arith.muli %mul3A_252, %scan3A_154 : i32
      %add3A_254 = arith.constant 1 : i32
      %add3A_255 = arith.addi %mul3A_253, %add3A_254 : i32
      %swap3A_256 = arith.index_cast %add3A_255 : i32 to index
      %swap3A_257 = arith.constant 16 : index
      %swap3A_258 = tpu.vector_load %arg11[%swap3A_256, %swap3A_257] {strides = array<i32>} : memref<124x128xf32, #tpu.memory_space<vmem>>, vector<16xf32>,
      tpu.vector_store %arg11[%swap3A_256, %swap3A_257], %mul3A_251 {strides = array<i32>} : memref<124x128xf32, #tpu.memory_space<vmem>>, vector<16xf32>,
      %get3A_259 = arith.constant 0 : i32
      %get3A_260 = arith.index_cast %scan3A_154 : i32 to index
      %get3A_261 = arith.index_cast %get3A_259 : i32 to index
      %get3A_262 = arith.constant 32 : index
      %get3A_263 = tpu.vector_load %arg8[%get3A_260, %get3A_261, %get3A_262] {strides = array<i32>} : memref<62x2x128xf32, #tpu.memory_space<vmem>>, vector<16xf32>,
      %get3A_264 = arith.constant 1 : i32
      %get3A_265 = arith.index_cast %scan3A_154 : i32 to index
      %get3A_266 = arith.index_cast %get3A_264 : i32 to index
      %get3A_267 = arith.constant 32 : index
      %get3A_268 = tpu.vector_load %arg8[%get3A_265, %get3A_266, %get3A_267] {strides = array<i32>} : memref<62x2x128xf32, #tpu.memory_space<vmem>>, vector<16xf32>,
      %mul3A_269 = arith.mulf %get3A_263, %get3A_263 : vector<16xf32>
      %mul3A_270 = arith.mulf %get3A_268, %get3A_268 : vector<16xf32>
      %add3A_271 = arith.addf %mul3A_269, %mul3A_270 : vector<16xf32>
      %mul3A_272 = arith.constant 5.000000e-01 : f32
      %mul3A_273 = vector.broadcast %mul3A_272 : f32 to vector<16xf32>
      %mul3A_274 = arith.mulf %mul3A_273, %add3A_271 : vector<16xf32>
      %bitcast3A_275 = vector.bitcast %add3A_271 : vector<16xf32> to vector<16xi32>
      %shift_right_logical3A_276 = arith.constant 1 : i32
      %shift_right_logical3A_277 = vector.broadcast %shift_right_logical3A_276 : i32 to vector<16xi32>
      %shift_right_logical3A_278 = arith.shrui %bitcast3A_275, %shift_right_logical3A_277 : vector<16xi32>
      %sub3A_279 = arith.constant 1597463007 : i32
      %sub3A_280 = vector.broadcast %sub3A_279 : i32 to vector<16xi32>
      %sub3A_281 = arith.subi %sub3A_280, %shift_right_logical3A_278 : vector<16xi32>
      %bitcast3A_282 = vector.bitcast %sub3A_281 : vector<16xi32> to vector<16xf32>
      %mul3A_283 = arith.mulf %bitcast3A_282, %bitcast3A_282 : vector<16xf32>
      %mul3A_284 = arith.mulf %mul3A_274, %mul3A_283 : vector<16xf32>
      %sub3A_285 = arith.constant 1.500000e+00 : f32
      %sub3A_286 = vector.broadcast %sub3A_285 : f32 to vector<16xf32>
      %sub3A_287 = arith.subf %sub3A_286, %mul3A_284 : vector<16xf32>
      %mul3A_288 = arith.mulf %bitcast3A_282, %sub3A_287 : vector<16xf32>
      %mul3A_289 = arith.mulf %mul3A_288, %mul3A_288 : vector<16xf32>
      %mul3A_290 = arith.mulf %mul3A_274, %mul3A_289 : vector<16xf32>
      %sub3A_291 = arith.constant 1.500000e+00 : f32
      %sub3A_292 = vector.broadcast %sub3A_291 : f32 to vector<16xf32>
      %sub3A_293 = arith.subf %sub3A_292, %mul3A_290 : vector<16xf32>
      %mul3A_294 = arith.mulf %mul3A_288, %sub3A_293 : vector<16xf32>
      %ge3A_295 = arith.constant 1.000000e-24 : f32
      %ge3A_296 = vector.broadcast %ge3A_295 : f32 to vector<16xf32>
      %ge3A_297 = arith.cmpf oge, %add3A_271, %ge3A_296 : vector<16xf32>
      %mul3A_298 = arith.mulf %min3A_4, %mul3A_294 : vector<16xf32>
      %select_n3A_299 = arith.select %ge3A_297, %mul3A_298, %mul3A_106 : vector<16xi1>, vector<16xf32>
      %mul3A_300 = arith.mulf %get3A_263, %select_n3A_299 : vector<16xf32>
      %mul3A_301 = arith.constant 2 : i32
      %mul3A_302 = arith.muli %mul3A_301, %scan3A_154 : i32
      %swap3A_303 = arith.index_cast %mul3A_302 : i32 to index
      %swap3A_304 = arith.constant 32 : index
      %swap3A_305 = tpu.vector_load %arg11[%swap3A_303, %swap3A_304] {strides = array<i32>} : memref<124x128xf32, #tpu.memory_space<vmem>>, vector<16xf32>,
      tpu.vector_store %arg11[%swap3A_303, %swap3A_304], %mul3A_300 {strides = array<i32>} : memref<124x128xf32, #tpu.memory_space<vmem>>, vector<16xf32>,
      %mul3A_306 = arith.mulf %get3A_268, %select_n3A_299 : vector<16xf32>
      %mul3A_307 = arith.constant 2 : i32
      %mul3A_308 = arith.muli %mul3A_307, %scan3A_154 : i32
      %add3A_309 = arith.constant 1 : i32
      %add3A_310 = arith.addi %mul3A_308, %add3A_309 : i32
      %swap3A_311 = arith.index_cast %add3A_310 : i32 to index
      %swap3A_312 = arith.constant 32 : index
      %swap3A_313 = tpu.vector_load %arg11[%swap3A_311, %swap3A_312] {strides = array<i32>} : memref<124x128xf32, #tpu.memory_space<vmem>>, vector<16xf32>,
      tpu.vector_store %arg11[%swap3A_311, %swap3A_312], %mul3A_306 {strides = array<i32>} : memref<124x128xf32, #tpu.memory_space<vmem>>, vector<16xf32>,
      %get3A_314 = arith.constant 0 : i32
      %get3A_315 = arith.index_cast %scan3A_154 : i32 to index
      %get3A_316 = arith.index_cast %get3A_314 : i32 to index
      %get3A_317 = arith.constant 48 : index
      %get3A_318 = tpu.vector_load %arg8[%get3A_315, %get3A_316, %get3A_317] {strides = array<i32>} : memref<62x2x128xf32, #tpu.memory_space<vmem>>, vector<16xf32>,
      %get3A_319 = arith.constant 1 : i32
      %get3A_320 = arith.index_cast %scan3A_154 : i32 to index
      %get3A_321 = arith.index_cast %get3A_319 : i32 to index
      %get3A_322 = arith.constant 48 : index
      %get3A_323 = tpu.vector_load %arg8[%get3A_320, %get3A_321, %get3A_322] {strides = array<i32>} : memref<62x2x128xf32, #tpu.memory_space<vmem>>, vector<16xf32>,
      %mul3A_324 = arith.mulf %get3A_318, %get3A_318 : vector<16xf32>
      %mul3A_325 = arith.mulf %get3A_323, %get3A_323 : vector<16xf32>
      %add3A_326 = arith.addf %mul3A_324, %mul3A_325 : vector<16xf32>
      %mul3A_327 = arith.constant 5.000000e-01 : f32
      %mul3A_328 = vector.broadcast %mul3A_327 : f32 to vector<16xf32>
      %mul3A_329 = arith.mulf %mul3A_328, %add3A_326 : vector<16xf32>
      %bitcast3A_330 = vector.bitcast %add3A_326 : vector<16xf32> to vector<16xi32>
      %shift_right_logical3A_331 = arith.constant 1 : i32
      %shift_right_logical3A_332 = vector.broadcast %shift_right_logical3A_331 : i32 to vector<16xi32>
      %shift_right_logical3A_333 = arith.shrui %bitcast3A_330, %shift_right_logical3A_332 : vector<16xi32>
      %sub3A_334 = arith.constant 1597463007 : i32
      %sub3A_335 = vector.broadcast %sub3A_334 : i32 to vector<16xi32>
      %sub3A_336 = arith.subi %sub3A_335, %shift_right_logical3A_333 : vector<16xi32>
      %bitcast3A_337 = vector.bitcast %sub3A_336 : vector<16xi32> to vector<16xf32>
      %mul3A_338 = arith.mulf %bitcast3A_337, %bitcast3A_337 : vector<16xf32>
      %mul3A_339 = arith.mulf %mul3A_329, %mul3A_338 : vector<16xf32>
      %sub3A_340 = arith.constant 1.500000e+00 : f32
      %sub3A_341 = vector.broadcast %sub3A_340 : f32 to vector<16xf32>
      %sub3A_342 = arith.subf %sub3A_341, %mul3A_339 : vector<16xf32>
      %mul3A_343 = arith.mulf %bitcast3A_337, %sub3A_342 : vector<16xf32>
      %mul3A_344 = arith.mulf %mul3A_343, %mul3A_343 : vector<16xf32>
      %mul3A_345 = arith.mulf %mul3A_329, %mul3A_344 : vector<16xf32>
      %sub3A_346 = arith.constant 1.500000e+00 : f32
      %sub3A_347 = vector.broadcast %sub3A_346 : f32 to vector<16xf32>
      %sub3A_348 = arith.subf %sub3A_347, %mul3A_345 : vector<16xf32>
      %mul3A_349 = arith.mulf %mul3A_343, %sub3A_348 : vector<16xf32>
      %ge3A_350 = arith.constant 1.000000e-24 : f32
      %ge3A_351 = vector.broadcast %ge3A_350 : f32 to vector<16xf32>
      %ge3A_352 = arith.cmpf oge, %add3A_326, %ge3A_351 : vector<16xf32>
      %mul3A_353 = arith.mulf %min3A_4, %mul3A_349 : vector<16xf32>
      %select_n3A_354 = arith.select %ge3A_352, %mul3A_353, %mul3A_106 : vector<16xi1>, vector<16xf32>
      %mul3A_355 = arith.mulf %get3A_318, %select_n3A_354 : vector<16xf32>
      %mul3A_356 = arith.constant 2 : i32
      %mul3A_357 = arith.muli %mul3A_356, %scan3A_154 : i32
      %swap3A_358 = arith.index_cast %mul3A_357 : i32 to index
      %swap3A_359 = arith.constant 48 : index
      %swap3A_360 = tpu.vector_load %arg11[%swap3A_358, %swap3A_359] {strides = array<i32>} : memref<124x128xf32, #tpu.memory_space<vmem>>, vector<16xf32>,
      tpu.vector_store %arg11[%swap3A_358, %swap3A_359], %mul3A_355 {strides = array<i32>} : memref<124x128xf32, #tpu.memory_space<vmem>>, vector<16xf32>,
      %mul3A_361 = arith.mulf %get3A_323, %select_n3A_354 : vector<16xf32>
      %mul3A_362 = arith.constant 2 : i32
      %mul3A_363 = arith.muli %mul3A_362, %scan3A_154 : i32
      %add3A_364 = arith.constant 1 : i32
      %add3A_365 = arith.addi %mul3A_363, %add3A_364 : i32
      %swap3A_366 = arith.index_cast %add3A_365 : i32 to index
      %swap3A_367 = arith.constant 48 : index
      %swap3A_368 = tpu.vector_load %arg11[%swap3A_366, %swap3A_367] {strides = array<i32>} : memref<124x128xf32, #tpu.memory_space<vmem>>, vector<16xf32>,
      tpu.vector_store %arg11[%swap3A_366, %swap3A_367], %mul3A_361 {strides = array<i32>} : memref<124x128xf32, #tpu.memory_space<vmem>>, vector<16xf32>,
      %get3A_369 = arith.constant 0 : i32
      %get3A_370 = arith.index_cast %scan3A_154 : i32 to index
      %get3A_371 = arith.index_cast %get3A_369 : i32 to index
      %get3A_372 = arith.constant 64 : index
      %get3A_373 = tpu.vector_load %arg8[%get3A_370, %get3A_371, %get3A_372] {strides = array<i32>} : memref<62x2x128xf32, #tpu.memory_space<vmem>>, vector<16xf32>,
      %get3A_374 = arith.constant 1 : i32
      %get3A_375 = arith.index_cast %scan3A_154 : i32 to index
      %get3A_376 = arith.index_cast %get3A_374 : i32 to index
      %get3A_377 = arith.constant 64 : index
      %get3A_378 = tpu.vector_load %arg8[%get3A_375, %get3A_376, %get3A_377] {strides = array<i32>} : memref<62x2x128xf32, #tpu.memory_space<vmem>>, vector<16xf32>,
      %mul3A_379 = arith.mulf %get3A_373, %get3A_373 : vector<16xf32>
      %mul3A_380 = arith.mulf %get3A_378, %get3A_378 : vector<16xf32>
      %add3A_381 = arith.addf %mul3A_379, %mul3A_380 : vector<16xf32>
      %mul3A_382 = arith.constant 5.000000e-01 : f32
      %mul3A_383 = vector.broadcast %mul3A_382 : f32 to vector<16xf32>
      %mul3A_384 = arith.mulf %mul3A_383, %add3A_381 : vector<16xf32>
      %bitcast3A_385 = vector.bitcast %add3A_381 : vector<16xf32> to vector<16xi32>
      %shift_right_logical3A_386 = arith.constant 1 : i32
      %shift_right_logical3A_387 = vector.broadcast %shift_right_logical3A_386 : i32 to vector<16xi32>
      %shift_right_logical3A_388 = arith.shrui %bitcast3A_385, %shift_right_logical3A_387 : vector<16xi32>
      %sub3A_389 = arith.constant 1597463007 : i32
      %sub3A_390 = vector.broadcast %sub3A_389 : i32 to vector<16xi32>
      %sub3A_391 = arith.subi %sub3A_390, %shift_right_logical3A_388 : vector<16xi32>
      %bitcast3A_392 = vector.bitcast %sub3A_391 : vector<16xi32> to vector<16xf32>
      %mul3A_393 = arith.mulf %bitcast3A_392, %bitcast3A_392 : vector<16xf32>
      %mul3A_394 = arith.mulf %mul3A_384, %mul3A_393 : vector<16xf32>
      %sub3A_395 = arith.constant 1.500000e+00 : f32
      %sub3A_396 = vector.broadcast %sub3A_395 : f32 to vector<16xf32>
      %sub3A_397 = arith.subf %sub3A_396, %mul3A_394 : vector<16xf32>
      %mul3A_398 = arith.mulf %bitcast3A_392, %sub3A_397 : vector<16xf32>
      %mul3A_399 = arith.mulf %mul3A_398, %mul3A_398 : vector<16xf32>
      %mul3A_400 = arith.mulf %mul3A_384, %mul3A_399 : vector<16xf32>
      %sub3A_401 = arith.constant 1.500000e+00 : f32
      %sub3A_402 = vector.broadcast %sub3A_401 : f32 to vector<16xf32>
      %sub3A_403 = arith.subf %sub3A_402, %mul3A_400 : vector<16xf32>
      %mul3A_404 = arith.mulf %mul3A_398, %sub3A_403 : vector<16xf32>
      %ge3A_405 = arith.constant 1.000000e-24 : f32
      %ge3A_406 = vector.broadcast %ge3A_405 : f32 to vector<16xf32>
      %ge3A_407 = arith.cmpf oge, %add3A_381, %ge3A_406 : vector<16xf32>
      %mul3A_408 = arith.mulf %min3A_4, %mul3A_404 : vector<16xf32>
      %select_n3A_409 = arith.select %ge3A_407, %mul3A_408, %mul3A_106 : vector<16xi1>, vector<16xf32>
      %mul3A_410 = arith.mulf %get3A_373, %select_n3A_409 : vector<16xf32>
      %mul3A_411 = arith.constant 2 : i32
      %mul3A_412 = arith.muli %mul3A_411, %scan3A_154 : i32
      %swap3A_413 = arith.index_cast %mul3A_412 : i32 to index
      %swap3A_414 = arith.constant 64 : index
      %swap3A_415 = tpu.vector_load %arg11[%swap3A_413, %swap3A_414] {strides = array<i32>} : memref<124x128xf32, #tpu.memory_space<vmem>>, vector<16xf32>,
      tpu.vector_store %arg11[%swap3A_413, %swap3A_414], %mul3A_410 {strides = array<i32>} : memref<124x128xf32, #tpu.memory_space<vmem>>, vector<16xf32>,
      %mul3A_416 = arith.mulf %get3A_378, %select_n3A_409 : vector<16xf32>
      %mul3A_417 = arith.constant 2 : i32
      %mul3A_418 = arith.muli %mul3A_417, %scan3A_154 : i32
      %add3A_419 = arith.constant 1 : i32
      %add3A_420 = arith.addi %mul3A_418, %add3A_419 : i32
      %swap3A_421 = arith.index_cast %add3A_420 : i32 to index
      %swap3A_422 = arith.constant 64 : index
      %swap3A_423 = tpu.vector_load %arg11[%swap3A_421, %swap3A_422] {strides = array<i32>} : memref<124x128xf32, #tpu.memory_space<vmem>>, vector<16xf32>,
      tpu.vector_store %arg11[%swap3A_421, %swap3A_422], %mul3A_416 {strides = array<i32>} : memref<124x128xf32, #tpu.memory_space<vmem>>, vector<16xf32>,
      %get3A_424 = arith.constant 0 : i32
      %get3A_425 = arith.index_cast %scan3A_154 : i32 to index
      %get3A_426 = arith.index_cast %get3A_424 : i32 to index
      %get3A_427 = arith.constant 80 : index
      %get3A_428 = tpu.vector_load %arg8[%get3A_425, %get3A_426, %get3A_427] {strides = array<i32>} : memref<62x2x128xf32, #tpu.memory_space<vmem>>, vector<16xf32>,
      %get3A_429 = arith.constant 1 : i32
      %get3A_430 = arith.index_cast %scan3A_154 : i32 to index
      %get3A_431 = arith.index_cast %get3A_429 : i32 to index
      %get3A_432 = arith.constant 80 : index
      %get3A_433 = tpu.vector_load %arg8[%get3A_430, %get3A_431, %get3A_432] {strides = array<i32>} : memref<62x2x128xf32, #tpu.memory_space<vmem>>, vector<16xf32>,
      %mul3A_434 = arith.mulf %get3A_428, %get3A_428 : vector<16xf32>
      %mul3A_435 = arith.mulf %get3A_433, %get3A_433 : vector<16xf32>
      %add3A_436 = arith.addf %mul3A_434, %mul3A_435 : vector<16xf32>
      %mul3A_437 = arith.constant 5.000000e-01 : f32
      %mul3A_438 = vector.broadcast %mul3A_437 : f32 to vector<16xf32>
      %mul3A_439 = arith.mulf %mul3A_438, %add3A_436 : vector<16xf32>
      %bitcast3A_440 = vector.bitcast %add3A_436 : vector<16xf32> to vector<16xi32>
      %shift_right_logical3A_441 = arith.constant 1 : i32
      %shift_right_logical3A_442 = vector.broadcast %shift_right_logical3A_441 : i32 to vector<16xi32>
      %shift_right_logical3A_443 = arith.shrui %bitcast3A_440, %shift_right_logical3A_442 : vector<16xi32>
      %sub3A_444 = arith.constant 1597463007 : i32
      %sub3A_445 = vector.broadcast %sub3A_444 : i32 to vector<16xi32>
      %sub3A_446 = arith.subi %sub3A_445, %shift_right_logical3A_443 : vector<16xi32>
      %bitcast3A_447 = vector.bitcast %sub3A_446 : vector<16xi32> to vector<16xf32>
      %mul3A_448 = arith.mulf %bitcast3A_447, %bitcast3A_447 : vector<16xf32>
      %mul3A_449 = arith.mulf %mul3A_439, %mul3A_448 : vector<16xf32>
      %sub3A_450 = arith.constant 1.500000e+00 : f32
      %sub3A_451 = vector.broadcast %sub3A_450 : f32 to vector<16xf32>
      %sub3A_452 = arith.subf %sub3A_451, %mul3A_449 : vector<16xf32>
      %mul3A_453 = arith.mulf %bitcast3A_447, %sub3A_452 : vector<16xf32>
      %mul3A_454 = arith.mulf %mul3A_453, %mul3A_453 : vector<16xf32>
      %mul3A_455 = arith.mulf %mul3A_439, %mul3A_454 : vector<16xf32>
      %sub3A_456 = arith.constant 1.500000e+00 : f32
      %sub3A_457 = vector.broadcast %sub3A_456 : f32 to vector<16xf32>
      %sub3A_458 = arith.subf %sub3A_457, %mul3A_455 : vector<16xf32>
      %mul3A_459 = arith.mulf %mul3A_453, %sub3A_458 : vector<16xf32>
      %ge3A_460 = arith.constant 1.000000e-24 : f32
      %ge3A_461 = vector.broadcast %ge3A_460 : f32 to vector<16xf32>
      %ge3A_462 = arith.cmpf oge, %add3A_436, %ge3A_461 : vector<16xf32>
      %mul3A_463 = arith.mulf %min3A_4, %mul3A_459 : vector<16xf32>
      %select_n3A_464 = arith.select %ge3A_462, %mul3A_463, %mul3A_106 : vector<16xi1>, vector<16xf32>
      %mul3A_465 = arith.mulf %get3A_428, %select_n3A_464 : vector<16xf32>
      %mul3A_466 = arith.constant 2 : i32
      %mul3A_467 = arith.muli %mul3A_466, %scan3A_154 : i32
      %swap3A_468 = arith.index_cast %mul3A_467 : i32 to index
      %swap3A_469 = arith.constant 80 : index
      %swap3A_470 = tpu.vector_load %arg11[%swap3A_468, %swap3A_469] {strides = array<i32>} : memref<124x128xf32, #tpu.memory_space<vmem>>, vector<16xf32>,
      tpu.vector_store %arg11[%swap3A_468, %swap3A_469], %mul3A_465 {strides = array<i32>} : memref<124x128xf32, #tpu.memory_space<vmem>>, vector<16xf32>,
      %mul3A_471 = arith.mulf %get3A_433, %select_n3A_464 : vector<16xf32>
      %mul3A_472 = arith.constant 2 : i32
      %mul3A_473 = arith.muli %mul3A_472, %scan3A_154 : i32
      %add3A_474 = arith.constant 1 : i32
      %add3A_475 = arith.addi %mul3A_473, %add3A_474 : i32
      %swap3A_476 = arith.index_cast %add3A_475 : i32 to index
      %swap3A_477 = arith.constant 80 : index
      %swap3A_478 = tpu.vector_load %arg11[%swap3A_476, %swap3A_477] {strides = array<i32>} : memref<124x128xf32, #tpu.memory_space<vmem>>, vector<16xf32>,
      tpu.vector_store %arg11[%swap3A_476, %swap3A_477], %mul3A_471 {strides = array<i32>} : memref<124x128xf32, #tpu.memory_space<vmem>>, vector<16xf32>,
      %get3A_479 = arith.constant 0 : i32
      %get3A_480 = arith.index_cast %scan3A_154 : i32 to index
      %get3A_481 = arith.index_cast %get3A_479 : i32 to index
      %get3A_482 = arith.constant 96 : index
      %get3A_483 = tpu.vector_load %arg8[%get3A_480, %get3A_481, %get3A_482] {strides = array<i32>} : memref<62x2x128xf32, #tpu.memory_space<vmem>>, vector<16xf32>,
      %get3A_484 = arith.constant 1 : i32
      %get3A_485 = arith.index_cast %scan3A_154 : i32 to index
      %get3A_486 = arith.index_cast %get3A_484 : i32 to index
      %get3A_487 = arith.constant 96 : index
      %get3A_488 = tpu.vector_load %arg8[%get3A_485, %get3A_486, %get3A_487] {strides = array<i32>} : memref<62x2x128xf32, #tpu.memory_space<vmem>>, vector<16xf32>,
      %mul3A_489 = arith.mulf %get3A_483, %get3A_483 : vector<16xf32>
      %mul3A_490 = arith.mulf %get3A_488, %get3A_488 : vector<16xf32>
      %add3A_491 = arith.addf %mul3A_489, %mul3A_490 : vector<16xf32>
      %mul3A_492 = arith.constant 5.000000e-01 : f32
      %mul3A_493 = vector.broadcast %mul3A_492 : f32 to vector<16xf32>
      %mul3A_494 = arith.mulf %mul3A_493, %add3A_491 : vector<16xf32>
      %bitcast3A_495 = vector.bitcast %add3A_491 : vector<16xf32> to vector<16xi32>
      %shift_right_logical3A_496 = arith.constant 1 : i32
      %shift_right_logical3A_497 = vector.broadcast %shift_right_logical3A_496 : i32 to vector<16xi32>
      %shift_right_logical3A_498 = arith.shrui %bitcast3A_495, %shift_right_logical3A_497 : vector<16xi32>
      %sub3A_499 = arith.constant 1597463007 : i32
      %sub3A_500 = vector.broadcast %sub3A_499 : i32 to vector<16xi32>
      %sub3A_501 = arith.subi %sub3A_500, %shift_right_logical3A_498 : vector<16xi32>
      %bitcast3A_502 = vector.bitcast %sub3A_501 : vector<16xi32> to vector<16xf32>
      %mul3A_503 = arith.mulf %bitcast3A_502, %bitcast3A_502 : vector<16xf32>
      %mul3A_504 = arith.mulf %mul3A_494, %mul3A_503 : vector<16xf32>
      %sub3A_505 = arith.constant 1.500000e+00 : f32
      %sub3A_506 = vector.broadcast %sub3A_505 : f32 to vector<16xf32>
      %sub3A_507 = arith.subf %sub3A_506, %mul3A_504 : vector<16xf32>
      %mul3A_508 = arith.mulf %bitcast3A_502, %sub3A_507 : vector<16xf32>
      %mul3A_509 = arith.mulf %mul3A_508, %mul3A_508 : vector<16xf32>
      %mul3A_510 = arith.mulf %mul3A_494, %mul3A_509 : vector<16xf32>
      %sub3A_511 = arith.constant 1.500000e+00 : f32
      %sub3A_512 = vector.broadcast %sub3A_511 : f32 to vector<16xf32>
      %sub3A_513 = arith.subf %sub3A_512, %mul3A_510 : vector<16xf32>
      %mul3A_514 = arith.mulf %mul3A_508, %sub3A_513 : vector<16xf32>
      %ge3A_515 = arith.constant 1.000000e-24 : f32
      %ge3A_516 = vector.broadcast %ge3A_515 : f32 to vector<16xf32>
      %ge3A_517 = arith.cmpf oge, %add3A_491, %ge3A_516 : vector<16xf32>
      %mul3A_518 = arith.mulf %min3A_4, %mul3A_514 : vector<16xf32>
      %select_n3A_519 = arith.select %ge3A_517, %mul3A_518, %mul3A_106 : vector<16xi1>, vector<16xf32>
      %mul3A_520 = arith.mulf %get3A_483, %select_n3A_519 : vector<16xf32>
      %mul3A_521 = arith.constant 2 : i32
      %mul3A_522 = arith.muli %mul3A_521, %scan3A_154 : i32
      %swap3A_523 = arith.index_cast %mul3A_522 : i32 to index
      %swap3A_524 = arith.constant 96 : index
      %swap3A_525 = tpu.vector_load %arg11[%swap3A_523, %swap3A_524] {strides = array<i32>} : memref<124x128xf32, #tpu.memory_space<vmem>>, vector<16xf32>,
      tpu.vector_store %arg11[%swap3A_523, %swap3A_524], %mul3A_520 {strides = array<i32>} : memref<124x128xf32, #tpu.memory_space<vmem>>, vector<16xf32>,
      %mul3A_526 = arith.mulf %get3A_488, %select_n3A_519 : vector<16xf32>
      %mul3A_527 = arith.constant 2 : i32
      %mul3A_528 = arith.muli %mul3A_527, %scan3A_154 : i32
      %add3A_529 = arith.constant 1 : i32
      %add3A_530 = arith.addi %mul3A_528, %add3A_529 : i32
      %swap3A_531 = arith.index_cast %add3A_530 : i32 to index
      %swap3A_532 = arith.constant 96 : index
      %swap3A_533 = tpu.vector_load %arg11[%swap3A_531, %swap3A_532] {strides = array<i32>} : memref<124x128xf32, #tpu.memory_space<vmem>>, vector<16xf32>,
      tpu.vector_store %arg11[%swap3A_531, %swap3A_532], %mul3A_526 {strides = array<i32>} : memref<124x128xf32, #tpu.memory_space<vmem>>, vector<16xf32>,
      %get3A_534 = arith.constant 0 : i32
      %get3A_535 = arith.index_cast %scan3A_154 : i32 to index
      %get3A_536 = arith.index_cast %get3A_534 : i32 to index
      %get3A_537 = arith.constant 112 : index
      %get3A_538 = tpu.vector_load %arg8[%get3A_535, %get3A_536, %get3A_537] {strides = array<i32>} : memref<62x2x128xf32, #tpu.memory_space<vmem>>, vector<16xf32>,
      %get3A_539 = arith.constant 1 : i32
      %get3A_540 = arith.index_cast %scan3A_154 : i32 to index
      %get3A_541 = arith.index_cast %get3A_539 : i32 to index
      %get3A_542 = arith.constant 112 : index
      %get3A_543 = tpu.vector_load %arg8[%get3A_540, %get3A_541, %get3A_542] {strides = array<i32>} : memref<62x2x128xf32, #tpu.memory_space<vmem>>, vector<16xf32>,
      %mul3A_544 = arith.mulf %get3A_538, %get3A_538 : vector<16xf32>
      %mul3A_545 = arith.mulf %get3A_543, %get3A_543 : vector<16xf32>
      %add3A_546 = arith.addf %mul3A_544, %mul3A_545 : vector<16xf32>
      %mul3A_547 = arith.constant 5.000000e-01 : f32
      %mul3A_548 = vector.broadcast %mul3A_547 : f32 to vector<16xf32>
      %mul3A_549 = arith.mulf %mul3A_548, %add3A_546 : vector<16xf32>
      %bitcast3A_550 = vector.bitcast %add3A_546 : vector<16xf32> to vector<16xi32>
      %shift_right_logical3A_551 = arith.constant 1 : i32
      %shift_right_logical3A_552 = vector.broadcast %shift_right_logical3A_551 : i32 to vector<16xi32>
      %shift_right_logical3A_553 = arith.shrui %bitcast3A_550, %shift_right_logical3A_552 : vector<16xi32>
      %sub3A_554 = arith.constant 1597463007 : i32
      %sub3A_555 = vector.broadcast %sub3A_554 : i32 to vector<16xi32>
      %sub3A_556 = arith.subi %sub3A_555, %shift_right_logical3A_553 : vector<16xi32>
      %bitcast3A_557 = vector.bitcast %sub3A_556 : vector<16xi32> to vector<16xf32>
      %mul3A_558 = arith.mulf %bitcast3A_557, %bitcast3A_557 : vector<16xf32>
      %mul3A_559 = arith.mulf %mul3A_549, %mul3A_558 : vector<16xf32>
      %sub3A_560 = arith.constant 1.500000e+00 : f32
      %sub3A_561 = vector.broadcast %sub3A_560 : f32 to vector<16xf32>
      %sub3A_562 = arith.subf %sub3A_561, %mul3A_559 : vector<16xf32>
      %mul3A_563 = arith.mulf %bitcast3A_557, %sub3A_562 : vector<16xf32>
      %mul3A_564 = arith.mulf %mul3A_563, %mul3A_563 : vector<16xf32>
      %mul3A_565 = arith.mulf %mul3A_549, %mul3A_564 : vector<16xf32>
      %sub3A_566 = arith.constant 1.500000e+00 : f32
      %sub3A_567 = vector.broadcast %sub3A_566 : f32 to vector<16xf32>
      %sub3A_568 = arith.subf %sub3A_567, %mul3A_565 : vector<16xf32>
      %mul3A_569 = arith.mulf %mul3A_563, %sub3A_568 : vector<16xf32>
      %ge3A_570 = arith.constant 1.000000e-24 : f32
      %ge3A_571 = vector.broadcast %ge3A_570 : f32 to vector<16xf32>
      %ge3A_572 = arith.cmpf oge, %add3A_546, %ge3A_571 : vector<16xf32>
      %mul3A_573 = arith.mulf %min3A_4, %mul3A_569 : vector<16xf32>
      %select_n3A_574 = arith.select %ge3A_572, %mul3A_573, %mul3A_106 : vector<16xi1>, vector<16xf32>
      %mul3A_575 = arith.mulf %get3A_538, %select_n3A_574 : vector<16xf32>
      %mul3A_576 = arith.constant 2 : i32
      %mul3A_577 = arith.muli %mul3A_576, %scan3A_154 : i32
      %swap3A_578 = arith.index_cast %mul3A_577 : i32 to index
      %swap3A_579 = arith.constant 112 : index
      %swap3A_580 = tpu.vector_load %arg11[%swap3A_578, %swap3A_579] {strides = array<i32>} : memref<124x128xf32, #tpu.memory_space<vmem>>, vector<16xf32>,
      tpu.vector_store %arg11[%swap3A_578, %swap3A_579], %mul3A_575 {strides = array<i32>} : memref<124x128xf32, #tpu.memory_space<vmem>>, vector<16xf32>,
      %mul3A_581 = arith.mulf %get3A_543, %select_n3A_574 : vector<16xf32>
      %mul3A_582 = arith.constant 2 : i32
      %mul3A_583 = arith.muli %mul3A_582, %scan3A_154 : i32
      %add3A_584 = arith.constant 1 : i32
      %add3A_585 = arith.addi %mul3A_583, %add3A_584 : i32
      %swap3A_586 = arith.index_cast %add3A_585 : i32 to index
      %swap3A_587 = arith.constant 112 : index
      %swap3A_588 = tpu.vector_load %arg11[%swap3A_586, %swap3A_587] {strides = array<i32>} : memref<124x128xf32, #tpu.memory_space<vmem>>, vector<16xf32>,
      tpu.vector_store %arg11[%swap3A_586, %swap3A_587], %mul3A_581 {strides = array<i32>} : memref<124x128xf32, #tpu.memory_space<vmem>>, vector<16xf32>,
    }
    %scan3A_112 = arith.constant 62 : i32
    %add3A_113 = arith.constant 64 : i32
    %add3A_114 = arith.addi %add3A_113, %add3A : i32
    %mul3A_115 = arith.constant 2 : i32
    %mul3A_116 = arith.muli %add3A_114, %mul3A_115 : i32
    %mul3A_117 = arith.constant 62 : i32
    %mul3A_118 = arith.muli %mul3A_116, %mul3A_117 : i32
    %multiple_of3A_119 = tpu.assume_multiple %mul3A_118, 124 : i32
    %dma_start3A_120 = arith.constant 0 : i32
    %dma_start3A_121 = tpu.memref_slice %arg5[%multiple_of3A_119, %dma_start3A_120] : memref<15632x128xf32, #tpu.memory_space<hbm>> -> memref<124x128xf32, #tpu.memory_space<hbm>>
    %dma_start3A_122 = arith.constant 0 : i32
    %dma_start3A_123 = tpu.memref_slice %arg5[%multiple_of3A_119, %dma_start3A_122] : memref<15632x128xf32, #tpu.memory_space<hbm>> -> memref<124x128xf32, #tpu.memory_space<hbm>>
    tpu.enqueue_dma source(%arg11 : memref<124x128xf32, #tpu.memory_space<vmem>>) target(%dma_start3A_123 : memref<124x128xf32, #tpu.memory_space<hbm>>) target_semaphore(%arg20 : memref<!tpu.dma_semaphore, #tpu.memory_space<semaphore_mem>>)
    %add3A_124 = arith.constant 96 : i32
    %add3A_125 = arith.addi %add3A_124, %add3A : i32
    %lt3A_126 = arith.constant 126 : i32
    %lt3A_127 = arith.cmpi slt, %add3A_125, %lt3A_126 : i32
    %convert_element_type3A_128 = arith.extui %lt3A_127 : i1 to i32
    %cond3A_129 = arith.constant 0 : i32
    %cond3A_130 = arith.cmpi ne, %convert_element_type3A_128, %cond3A_129 : i32
    scf.if %cond3A_130 {
      %dma_wait3A_154 = arith.constant 0 : i32
      %dma_wait3A_155 = arith.constant 0 : i32
      %dma_wait3A_156 = arith.constant 0 : i32
      %dma_wait3A_157 = tpu.memref_slice %arg2[%dma_wait3A_154, %dma_wait3A_155, %dma_wait3A_156] : memref<7812x2x128xf32, #tpu.memory_space<hbm>> -> memref<62x2x128xf32, #tpu.memory_space<hbm>>
      %dma_wait3A_158 = arith.constant 0 : i32
      %dma_wait3A_159 = arith.constant 0 : i32
      %dma_wait3A_160 = arith.constant 0 : i32
      %dma_wait3A_161 = tpu.memref_slice %arg2[%dma_wait3A_158, %dma_wait3A_159, %dma_wait3A_160] : memref<7812x2x128xf32, #tpu.memory_space<hbm>> -> memref<62x2x128xf32, #tpu.memory_space<hbm>>
      tpu.wait_dma2 semaphore(%arg15 : memref<!tpu.dma_semaphore, #tpu.memory_space<semaphore_mem>>) src(%dma_wait3A_161 : memref<62x2x128xf32, #tpu.memory_space<hbm>>) dst(%arg6 : memref<62x2x128xf32, #tpu.memory_space<vmem>>)
      %mul3A_162 = arith.constant 9.99999995E+11 : f32
      %mul3A_163 = vector.broadcast %mul3A_162 : f32 to vector<16xf32>
      %mul3A_164 = arith.mulf %min3A_4, %mul3A_163 : vector<16xf32>
      %scan3A_165 = arith.constant 0 : i32
      %scan3A_166 = arith.constant 0 : i32
      %scan3A_167 = arith.constant 62 : i32
      %scan3A_168 = arith.addi %scan3A_166, %scan3A_167 : i32
      %scan3A_169 = arith.constant 1 : i32
      scf.for %scan3A_182 = %scan3A_166 to %scan3A_168 step %scan3A_169  : i32 {
        %get3A_183 = arith.constant 0 : i32
        %get3A_184 = arith.index_cast %scan3A_182 : i32 to index
        %get3A_185 = arith.index_cast %get3A_183 : i32 to index
        %get3A_186 = arith.constant 0 : index
        %get3A_187 = tpu.vector_load %arg6[%get3A_184, %get3A_185, %get3A_186] {strides = array<i32>} : memref<62x2x128xf32, #tpu.memory_space<vmem>>, vector<16xf32>,
        %get3A_188 = arith.constant 1 : i32
        %get3A_189 = arith.index_cast %scan3A_182 : i32 to index
        %get3A_190 = arith.index_cast %get3A_188 : i32 to index
        %get3A_191 = arith.constant 0 : index
        %get3A_192 = tpu.vector_load %arg6[%get3A_189, %get3A_190, %get3A_191] {strides = array<i32>} : memref<62x2x128xf32, #tpu.memory_space<vmem>>, vector<16xf32>,
        %mul3A_193 = arith.mulf %get3A_187, %get3A_187 : vector<16xf32>
        %mul3A_194 = arith.mulf %get3A_192, %get3A_192 : vector<16xf32>
        %add3A_195 = arith.addf %mul3A_193, %mul3A_194 : vector<16xf32>
        %mul3A_196 = arith.constant 5.000000e-01 : f32
        %mul3A_197 = vector.broadcast %mul3A_196 : f32 to vector<16xf32>
        %mul3A_198 = arith.mulf %mul3A_197, %add3A_195 : vector<16xf32>
        %bitcast3A = vector.bitcast %add3A_195 : vector<16xf32> to vector<16xi32>
        %shift_right_logical3A = arith.constant 1 : i32
        %shift_right_logical3A_199 = vector.broadcast %shift_right_logical3A : i32 to vector<16xi32>
        %shift_right_logical3A_200 = arith.shrui %bitcast3A, %shift_right_logical3A_199 : vector<16xi32>
        %sub3A = arith.constant 1597463007 : i32
        %sub3A_201 = vector.broadcast %sub3A : i32 to vector<16xi32>
        %sub3A_202 = arith.subi %sub3A_201, %shift_right_logical3A_200 : vector<16xi32>
        %bitcast3A_203 = vector.bitcast %sub3A_202 : vector<16xi32> to vector<16xf32>
        %mul3A_204 = arith.mulf %bitcast3A_203, %bitcast3A_203 : vector<16xf32>
        %mul3A_205 = arith.mulf %mul3A_198, %mul3A_204 : vector<16xf32>
        %sub3A_206 = arith.constant 1.500000e+00 : f32
        %sub3A_207 = vector.broadcast %sub3A_206 : f32 to vector<16xf32>
        %sub3A_208 = arith.subf %sub3A_207, %mul3A_205 : vector<16xf32>
        %mul3A_209 = arith.mulf %bitcast3A_203, %sub3A_208 : vector<16xf32>
        %mul3A_210 = arith.mulf %mul3A_209, %mul3A_209 : vector<16xf32>
        %mul3A_211 = arith.mulf %mul3A_198, %mul3A_210 : vector<16xf32>
        %sub3A_212 = arith.constant 1.500000e+00 : f32
        %sub3A_213 = vector.broadcast %sub3A_212 : f32 to vector<16xf32>
        %sub3A_214 = arith.subf %sub3A_213, %mul3A_211 : vector<16xf32>
        %mul3A_215 = arith.mulf %mul3A_209, %sub3A_214 : vector<16xf32>
        %ge3A = arith.constant 1.000000e-24 : f32
        %ge3A_216 = vector.broadcast %ge3A : f32 to vector<16xf32>
        %ge3A_217 = arith.cmpf oge, %add3A_195, %ge3A_216 : vector<16xf32>
        %mul3A_218 = arith.mulf %min3A_4, %mul3A_215 : vector<16xf32>
        %select_n3A = arith.select %ge3A_217, %mul3A_218, %mul3A_164 : vector<16xi1>, vector<16xf32>
        %mul3A_219 = arith.mulf %get3A_187, %select_n3A : vector<16xf32>
        %mul3A_220 = arith.constant 2 : i32
        %mul3A_221 = arith.muli %mul3A_220, %scan3A_182 : i32
        %swap3A = arith.index_cast %mul3A_221 : i32 to index
        %swap3A_222 = arith.constant 0 : index
        %swap3A_223 = tpu.vector_load %arg9[%swap3A, %swap3A_222] {strides = array<i32>} : memref<124x128xf32, #tpu.memory_space<vmem>>, vector<16xf32>,
        tpu.vector_store %arg9[%swap3A, %swap3A_222], %mul3A_219 {strides = array<i32>} : memref<124x128xf32, #tpu.memory_space<vmem>>, vector<16xf32>,
        %mul3A_224 = arith.mulf %get3A_192, %select_n3A : vector<16xf32>
        %mul3A_225 = arith.constant 2 : i32
        %mul3A_226 = arith.muli %mul3A_225, %scan3A_182 : i32
        %add3A_227 = arith.constant 1 : i32
        %add3A_228 = arith.addi %mul3A_226, %add3A_227 : i32
        %swap3A_229 = arith.index_cast %add3A_228 : i32 to index
        %swap3A_230 = arith.constant 0 : index
        %swap3A_231 = tpu.vector_load %arg9[%swap3A_229, %swap3A_230] {strides = array<i32>} : memref<124x128xf32, #tpu.memory_space<vmem>>, vector<16xf32>,
        tpu.vector_store %arg9[%swap3A_229, %swap3A_230], %mul3A_224 {strides = array<i32>} : memref<124x128xf32, #tpu.memory_space<vmem>>, vector<16xf32>,
        %get3A_232 = arith.constant 0 : i32
        %get3A_233 = arith.index_cast %scan3A_182 : i32 to index
        %get3A_234 = arith.index_cast %get3A_232 : i32 to index
        %get3A_235 = arith.constant 16 : index
        %get3A_236 = tpu.vector_load %arg6[%get3A_233, %get3A_234, %get3A_235] {strides = array<i32>} : memref<62x2x128xf32, #tpu.memory_space<vmem>>, vector<16xf32>,
        %get3A_237 = arith.constant 1 : i32
        %get3A_238 = arith.index_cast %scan3A_182 : i32 to index
        %get3A_239 = arith.index_cast %get3A_237 : i32 to index
        %get3A_240 = arith.constant 16 : index
        %get3A_241 = tpu.vector_load %arg6[%get3A_238, %get3A_239, %get3A_240] {strides = array<i32>} : memref<62x2x128xf32, #tpu.memory_space<vmem>>, vector<16xf32>,
        %mul3A_242 = arith.mulf %get3A_236, %get3A_236 : vector<16xf32>
        %mul3A_243 = arith.mulf %get3A_241, %get3A_241 : vector<16xf32>
        %add3A_244 = arith.addf %mul3A_242, %mul3A_243 : vector<16xf32>
        %mul3A_245 = arith.constant 5.000000e-01 : f32
        %mul3A_246 = vector.broadcast %mul3A_245 : f32 to vector<16xf32>
        %mul3A_247 = arith.mulf %mul3A_246, %add3A_244 : vector<16xf32>
        %bitcast3A_248 = vector.bitcast %add3A_244 : vector<16xf32> to vector<16xi32>
        %shift_right_logical3A_249 = arith.constant 1 : i32
        %shift_right_logical3A_250 = vector.broadcast %shift_right_logical3A_249 : i32 to vector<16xi32>
        %shift_right_logical3A_251 = arith.shrui %bitcast3A_248, %shift_right_logical3A_250 : vector<16xi32>
        %sub3A_252 = arith.constant 1597463007 : i32
        %sub3A_253 = vector.broadcast %sub3A_252 : i32 to vector<16xi32>
        %sub3A_254 = arith.subi %sub3A_253, %shift_right_logical3A_251 : vector<16xi32>
        %bitcast3A_255 = vector.bitcast %sub3A_254 : vector<16xi32> to vector<16xf32>
        %mul3A_256 = arith.mulf %bitcast3A_255, %bitcast3A_255 : vector<16xf32>
        %mul3A_257 = arith.mulf %mul3A_247, %mul3A_256 : vector<16xf32>
        %sub3A_258 = arith.constant 1.500000e+00 : f32
        %sub3A_259 = vector.broadcast %sub3A_258 : f32 to vector<16xf32>
        %sub3A_260 = arith.subf %sub3A_259, %mul3A_257 : vector<16xf32>
        %mul3A_261 = arith.mulf %bitcast3A_255, %sub3A_260 : vector<16xf32>
        %mul3A_262 = arith.mulf %mul3A_261, %mul3A_261 : vector<16xf32>
        %mul3A_263 = arith.mulf %mul3A_247, %mul3A_262 : vector<16xf32>
        %sub3A_264 = arith.constant 1.500000e+00 : f32
        %sub3A_265 = vector.broadcast %sub3A_264 : f32 to vector<16xf32>
        %sub3A_266 = arith.subf %sub3A_265, %mul3A_263 : vector<16xf32>
        %mul3A_267 = arith.mulf %mul3A_261, %sub3A_266 : vector<16xf32>
        %ge3A_268 = arith.constant 1.000000e-24 : f32
        %ge3A_269 = vector.broadcast %ge3A_268 : f32 to vector<16xf32>
        %ge3A_270 = arith.cmpf oge, %add3A_244, %ge3A_269 : vector<16xf32>
        %mul3A_271 = arith.mulf %min3A_4, %mul3A_267 : vector<16xf32>
        %select_n3A_272 = arith.select %ge3A_270, %mul3A_271, %mul3A_164 : vector<16xi1>, vector<16xf32>
        %mul3A_273 = arith.mulf %get3A_236, %select_n3A_272 : vector<16xf32>
        %mul3A_274 = arith.constant 2 : i32
        %mul3A_275 = arith.muli %mul3A_274, %scan3A_182 : i32
        %swap3A_276 = arith.index_cast %mul3A_275 : i32 to index
        %swap3A_277 = arith.constant 16 : index
        %swap3A_278 = tpu.vector_load %arg9[%swap3A_276, %swap3A_277] {strides = array<i32>} : memref<124x128xf32, #tpu.memory_space<vmem>>, vector<16xf32>,
        tpu.vector_store %arg9[%swap3A_276, %swap3A_277], %mul3A_273 {strides = array<i32>} : memref<124x128xf32, #tpu.memory_space<vmem>>, vector<16xf32>,
        %mul3A_279 = arith.mulf %get3A_241, %select_n3A_272 : vector<16xf32>
        %mul3A_280 = arith.constant 2 : i32
        %mul3A_281 = arith.muli %mul3A_280, %scan3A_182 : i32
        %add3A_282 = arith.constant 1 : i32
        %add3A_283 = arith.addi %mul3A_281, %add3A_282 : i32
        %swap3A_284 = arith.index_cast %add3A_283 : i32 to index
        %swap3A_285 = arith.constant 16 : index
        %swap3A_286 = tpu.vector_load %arg9[%swap3A_284, %swap3A_285] {strides = array<i32>} : memref<124x128xf32, #tpu.memory_space<vmem>>, vector<16xf32>,
        tpu.vector_store %arg9[%swap3A_284, %swap3A_285], %mul3A_279 {strides = array<i32>} : memref<124x128xf32, #tpu.memory_space<vmem>>, vector<16xf32>,
        %get3A_287 = arith.constant 0 : i32
        %get3A_288 = arith.index_cast %scan3A_182 : i32 to index
        %get3A_289 = arith.index_cast %get3A_287 : i32 to index
        %get3A_290 = arith.constant 32 : index
        %get3A_291 = tpu.vector_load %arg6[%get3A_288, %get3A_289, %get3A_290] {strides = array<i32>} : memref<62x2x128xf32, #tpu.memory_space<vmem>>, vector<16xf32>,
        %get3A_292 = arith.constant 1 : i32
        %get3A_293 = arith.index_cast %scan3A_182 : i32 to index
        %get3A_294 = arith.index_cast %get3A_292 : i32 to index
        %get3A_295 = arith.constant 32 : index
        %get3A_296 = tpu.vector_load %arg6[%get3A_293, %get3A_294, %get3A_295] {strides = array<i32>} : memref<62x2x128xf32, #tpu.memory_space<vmem>>, vector<16xf32>,
        %mul3A_297 = arith.mulf %get3A_291, %get3A_291 : vector<16xf32>
        %mul3A_298 = arith.mulf %get3A_296, %get3A_296 : vector<16xf32>
        %add3A_299 = arith.addf %mul3A_297, %mul3A_298 : vector<16xf32>
        %mul3A_300 = arith.constant 5.000000e-01 : f32
        %mul3A_301 = vector.broadcast %mul3A_300 : f32 to vector<16xf32>
        %mul3A_302 = arith.mulf %mul3A_301, %add3A_299 : vector<16xf32>
        %bitcast3A_303 = vector.bitcast %add3A_299 : vector<16xf32> to vector<16xi32>
        %shift_right_logical3A_304 = arith.constant 1 : i32
        %shift_right_logical3A_305 = vector.broadcast %shift_right_logical3A_304 : i32 to vector<16xi32>
        %shift_right_logical3A_306 = arith.shrui %bitcast3A_303, %shift_right_logical3A_305 : vector<16xi32>
        %sub3A_307 = arith.constant 1597463007 : i32
        %sub3A_308 = vector.broadcast %sub3A_307 : i32 to vector<16xi32>
        %sub3A_309 = arith.subi %sub3A_308, %shift_right_logical3A_306 : vector<16xi32>
        %bitcast3A_310 = vector.bitcast %sub3A_309 : vector<16xi32> to vector<16xf32>
        %mul3A_311 = arith.mulf %bitcast3A_310, %bitcast3A_310 : vector<16xf32>
        %mul3A_312 = arith.mulf %mul3A_302, %mul3A_311 : vector<16xf32>
        %sub3A_313 = arith.constant 1.500000e+00 : f32
        %sub3A_314 = vector.broadcast %sub3A_313 : f32 to vector<16xf32>
        %sub3A_315 = arith.subf %sub3A_314, %mul3A_312 : vector<16xf32>
        %mul3A_316 = arith.mulf %bitcast3A_310, %sub3A_315 : vector<16xf32>
        %mul3A_317 = arith.mulf %mul3A_316, %mul3A_316 : vector<16xf32>
        %mul3A_318 = arith.mulf %mul3A_302, %mul3A_317 : vector<16xf32>
        %sub3A_319 = arith.constant 1.500000e+00 : f32
        %sub3A_320 = vector.broadcast %sub3A_319 : f32 to vector<16xf32>
        %sub3A_321 = arith.subf %sub3A_320, %mul3A_318 : vector<16xf32>
        %mul3A_322 = arith.mulf %mul3A_316, %sub3A_321 : vector<16xf32>
        %ge3A_323 = arith.constant 1.000000e-24 : f32
        %ge3A_324 = vector.broadcast %ge3A_323 : f32 to vector<16xf32>
        %ge3A_325 = arith.cmpf oge, %add3A_299, %ge3A_324 : vector<16xf32>
        %mul3A_326 = arith.mulf %min3A_4, %mul3A_322 : vector<16xf32>
        %select_n3A_327 = arith.select %ge3A_325, %mul3A_326, %mul3A_164 : vector<16xi1>, vector<16xf32>
        %mul3A_328 = arith.mulf %get3A_291, %select_n3A_327 : vector<16xf32>
        %mul3A_329 = arith.constant 2 : i32
        %mul3A_330 = arith.muli %mul3A_329, %scan3A_182 : i32
        %swap3A_331 = arith.index_cast %mul3A_330 : i32 to index
        %swap3A_332 = arith.constant 32 : index
        %swap3A_333 = tpu.vector_load %arg9[%swap3A_331, %swap3A_332] {strides = array<i32>} : memref<124x128xf32, #tpu.memory_space<vmem>>, vector<16xf32>,
        tpu.vector_store %arg9[%swap3A_331, %swap3A_332], %mul3A_328 {strides = array<i32>} : memref<124x128xf32, #tpu.memory_space<vmem>>, vector<16xf32>,
        %mul3A_334 = arith.mulf %get3A_296, %select_n3A_327 : vector<16xf32>
        %mul3A_335 = arith.constant 2 : i32
        %mul3A_336 = arith.muli %mul3A_335, %scan3A_182 : i32
        %add3A_337 = arith.constant 1 : i32
        %add3A_338 = arith.addi %mul3A_336, %add3A_337 : i32
        %swap3A_339 = arith.index_cast %add3A_338 : i32 to index
        %swap3A_340 = arith.constant 32 : index
        %swap3A_341 = tpu.vector_load %arg9[%swap3A_339, %swap3A_340] {strides = array<i32>} : memref<124x128xf32, #tpu.memory_space<vmem>>, vector<16xf32>,
        tpu.vector_store %arg9[%swap3A_339, %swap3A_340], %mul3A_334 {strides = array<i32>} : memref<124x128xf32, #tpu.memory_space<vmem>>, vector<16xf32>,
        %get3A_342 = arith.constant 0 : i32
        %get3A_343 = arith.index_cast %scan3A_182 : i32 to index
        %get3A_344 = arith.index_cast %get3A_342 : i32 to index
        %get3A_345 = arith.constant 48 : index
        %get3A_346 = tpu.vector_load %arg6[%get3A_343, %get3A_344, %get3A_345] {strides = array<i32>} : memref<62x2x128xf32, #tpu.memory_space<vmem>>, vector<16xf32>,
        %get3A_347 = arith.constant 1 : i32
        %get3A_348 = arith.index_cast %scan3A_182 : i32 to index
        %get3A_349 = arith.index_cast %get3A_347 : i32 to index
        %get3A_350 = arith.constant 48 : index
        %get3A_351 = tpu.vector_load %arg6[%get3A_348, %get3A_349, %get3A_350] {strides = array<i32>} : memref<62x2x128xf32, #tpu.memory_space<vmem>>, vector<16xf32>,
        %mul3A_352 = arith.mulf %get3A_346, %get3A_346 : vector<16xf32>
        %mul3A_353 = arith.mulf %get3A_351, %get3A_351 : vector<16xf32>
        %add3A_354 = arith.addf %mul3A_352, %mul3A_353 : vector<16xf32>
        %mul3A_355 = arith.constant 5.000000e-01 : f32
        %mul3A_356 = vector.broadcast %mul3A_355 : f32 to vector<16xf32>
        %mul3A_357 = arith.mulf %mul3A_356, %add3A_354 : vector<16xf32>
        %bitcast3A_358 = vector.bitcast %add3A_354 : vector<16xf32> to vector<16xi32>
        %shift_right_logical3A_359 = arith.constant 1 : i32
        %shift_right_logical3A_360 = vector.broadcast %shift_right_logical3A_359 : i32 to vector<16xi32>
        %shift_right_logical3A_361 = arith.shrui %bitcast3A_358, %shift_right_logical3A_360 : vector<16xi32>
        %sub3A_362 = arith.constant 1597463007 : i32
        %sub3A_363 = vector.broadcast %sub3A_362 : i32 to vector<16xi32>
        %sub3A_364 = arith.subi %sub3A_363, %shift_right_logical3A_361 : vector<16xi32>
        %bitcast3A_365 = vector.bitcast %sub3A_364 : vector<16xi32> to vector<16xf32>
        %mul3A_366 = arith.mulf %bitcast3A_365, %bitcast3A_365 : vector<16xf32>
        %mul3A_367 = arith.mulf %mul3A_357, %mul3A_366 : vector<16xf32>
        %sub3A_368 = arith.constant 1.500000e+00 : f32
        %sub3A_369 = vector.broadcast %sub3A_368 : f32 to vector<16xf32>
        %sub3A_370 = arith.subf %sub3A_369, %mul3A_367 : vector<16xf32>
        %mul3A_371 = arith.mulf %bitcast3A_365, %sub3A_370 : vector<16xf32>
        %mul3A_372 = arith.mulf %mul3A_371, %mul3A_371 : vector<16xf32>
        %mul3A_373 = arith.mulf %mul3A_357, %mul3A_372 : vector<16xf32>
        %sub3A_374 = arith.constant 1.500000e+00 : f32
        %sub3A_375 = vector.broadcast %sub3A_374 : f32 to vector<16xf32>
        %sub3A_376 = arith.subf %sub3A_375, %mul3A_373 : vector<16xf32>
        %mul3A_377 = arith.mulf %mul3A_371, %sub3A_376 : vector<16xf32>
        %ge3A_378 = arith.constant 1.000000e-24 : f32
        %ge3A_379 = vector.broadcast %ge3A_378 : f32 to vector<16xf32>
        %ge3A_380 = arith.cmpf oge, %add3A_354, %ge3A_379 : vector<16xf32>
        %mul3A_381 = arith.mulf %min3A_4, %mul3A_377 : vector<16xf32>
        %select_n3A_382 = arith.select %ge3A_380, %mul3A_381, %mul3A_164 : vector<16xi1>, vector<16xf32>
        %mul3A_383 = arith.mulf %get3A_346, %select_n3A_382 : vector<16xf32>
        %mul3A_384 = arith.constant 2 : i32
        %mul3A_385 = arith.muli %mul3A_384, %scan3A_182 : i32
        %swap3A_386 = arith.index_cast %mul3A_385 : i32 to index
        %swap3A_387 = arith.constant 48 : index
        %swap3A_388 = tpu.vector_load %arg9[%swap3A_386, %swap3A_387] {strides = array<i32>} : memref<124x128xf32, #tpu.memory_space<vmem>>, vector<16xf32>,
        tpu.vector_store %arg9[%swap3A_386, %swap3A_387], %mul3A_383 {strides = array<i32>} : memref<124x128xf32, #tpu.memory_space<vmem>>, vector<16xf32>,
        %mul3A_389 = arith.mulf %get3A_351, %select_n3A_382 : vector<16xf32>
        %mul3A_390 = arith.constant 2 : i32
        %mul3A_391 = arith.muli %mul3A_390, %scan3A_182 : i32
        %add3A_392 = arith.constant 1 : i32
        %add3A_393 = arith.addi %mul3A_391, %add3A_392 : i32
        %swap3A_394 = arith.index_cast %add3A_393 : i32 to index
        %swap3A_395 = arith.constant 48 : index
        %swap3A_396 = tpu.vector_load %arg9[%swap3A_394, %swap3A_395] {strides = array<i32>} : memref<124x128xf32, #tpu.memory_space<vmem>>, vector<16xf32>,
        tpu.vector_store %arg9[%swap3A_394, %swap3A_395], %mul3A_389 {strides = array<i32>} : memref<124x128xf32, #tpu.memory_space<vmem>>, vector<16xf32>,
        %get3A_397 = arith.constant 0 : i32
        %get3A_398 = arith.index_cast %scan3A_182 : i32 to index
        %get3A_399 = arith.index_cast %get3A_397 : i32 to index
        %get3A_400 = arith.constant 64 : index
        %get3A_401 = tpu.vector_load %arg6[%get3A_398, %get3A_399, %get3A_400] {strides = array<i32>} : memref<62x2x128xf32, #tpu.memory_space<vmem>>, vector<16xf32>,
        %get3A_402 = arith.constant 1 : i32
        %get3A_403 = arith.index_cast %scan3A_182 : i32 to index
        %get3A_404 = arith.index_cast %get3A_402 : i32 to index
        %get3A_405 = arith.constant 64 : index
        %get3A_406 = tpu.vector_load %arg6[%get3A_403, %get3A_404, %get3A_405] {strides = array<i32>} : memref<62x2x128xf32, #tpu.memory_space<vmem>>, vector<16xf32>,
        %mul3A_407 = arith.mulf %get3A_401, %get3A_401 : vector<16xf32>
        %mul3A_408 = arith.mulf %get3A_406, %get3A_406 : vector<16xf32>
        %add3A_409 = arith.addf %mul3A_407, %mul3A_408 : vector<16xf32>
        %mul3A_410 = arith.constant 5.000000e-01 : f32
        %mul3A_411 = vector.broadcast %mul3A_410 : f32 to vector<16xf32>
        %mul3A_412 = arith.mulf %mul3A_411, %add3A_409 : vector<16xf32>
        %bitcast3A_413 = vector.bitcast %add3A_409 : vector<16xf32> to vector<16xi32>
        %shift_right_logical3A_414 = arith.constant 1 : i32
        %shift_right_logical3A_415 = vector.broadcast %shift_right_logical3A_414 : i32 to vector<16xi32>
        %shift_right_logical3A_416 = arith.shrui %bitcast3A_413, %shift_right_logical3A_415 : vector<16xi32>
        %sub3A_417 = arith.constant 1597463007 : i32
        %sub3A_418 = vector.broadcast %sub3A_417 : i32 to vector<16xi32>
        %sub3A_419 = arith.subi %sub3A_418, %shift_right_logical3A_416 : vector<16xi32>
        %bitcast3A_420 = vector.bitcast %sub3A_419 : vector<16xi32> to vector<16xf32>
        %mul3A_421 = arith.mulf %bitcast3A_420, %bitcast3A_420 : vector<16xf32>
        %mul3A_422 = arith.mulf %mul3A_412, %mul3A_421 : vector<16xf32>
        %sub3A_423 = arith.constant 1.500000e+00 : f32
        %sub3A_424 = vector.broadcast %sub3A_423 : f32 to vector<16xf32>
        %sub3A_425 = arith.subf %sub3A_424, %mul3A_422 : vector<16xf32>
        %mul3A_426 = arith.mulf %bitcast3A_420, %sub3A_425 : vector<16xf32>
        %mul3A_427 = arith.mulf %mul3A_426, %mul3A_426 : vector<16xf32>
        %mul3A_428 = arith.mulf %mul3A_412, %mul3A_427 : vector<16xf32>
        %sub3A_429 = arith.constant 1.500000e+00 : f32
        %sub3A_430 = vector.broadcast %sub3A_429 : f32 to vector<16xf32>
        %sub3A_431 = arith.subf %sub3A_430, %mul3A_428 : vector<16xf32>
        %mul3A_432 = arith.mulf %mul3A_426, %sub3A_431 : vector<16xf32>
        %ge3A_433 = arith.constant 1.000000e-24 : f32
        %ge3A_434 = vector.broadcast %ge3A_433 : f32 to vector<16xf32>
        %ge3A_435 = arith.cmpf oge, %add3A_409, %ge3A_434 : vector<16xf32>
        %mul3A_436 = arith.mulf %min3A_4, %mul3A_432 : vector<16xf32>
        %select_n3A_437 = arith.select %ge3A_435, %mul3A_436, %mul3A_164 : vector<16xi1>, vector<16xf32>
        %mul3A_438 = arith.mulf %get3A_401, %select_n3A_437 : vector<16xf32>
        %mul3A_439 = arith.constant 2 : i32
        %mul3A_440 = arith.muli %mul3A_439, %scan3A_182 : i32
        %swap3A_441 = arith.index_cast %mul3A_440 : i32 to index
        %swap3A_442 = arith.constant 64 : index
        %swap3A_443 = tpu.vector_load %arg9[%swap3A_441, %swap3A_442] {strides = array<i32>} : memref<124x128xf32, #tpu.memory_space<vmem>>, vector<16xf32>,
        tpu.vector_store %arg9[%swap3A_441, %swap3A_442], %mul3A_438 {strides = array<i32>} : memref<124x128xf32, #tpu.memory_space<vmem>>, vector<16xf32>,
        %mul3A_444 = arith.mulf %get3A_406, %select_n3A_437 : vector<16xf32>
        %mul3A_445 = arith.constant 2 : i32
        %mul3A_446 = arith.muli %mul3A_445, %scan3A_182 : i32
        %add3A_447 = arith.constant 1 : i32
        %add3A_448 = arith.addi %mul3A_446, %add3A_447 : i32
        %swap3A_449 = arith.index_cast %add3A_448 : i32 to index
        %swap3A_450 = arith.constant 64 : index
        %swap3A_451 = tpu.vector_load %arg9[%swap3A_449, %swap3A_450] {strides = array<i32>} : memref<124x128xf32, #tpu.memory_space<vmem>>, vector<16xf32>,
        tpu.vector_store %arg9[%swap3A_449, %swap3A_450], %mul3A_444 {strides = array<i32>} : memref<124x128xf32, #tpu.memory_space<vmem>>, vector<16xf32>,
        %get3A_452 = arith.constant 0 : i32
        %get3A_453 = arith.index_cast %scan3A_182 : i32 to index
        %get3A_454 = arith.index_cast %get3A_452 : i32 to index
        %get3A_455 = arith.constant 80 : index
        %get3A_456 = tpu.vector_load %arg6[%get3A_453, %get3A_454, %get3A_455] {strides = array<i32>} : memref<62x2x128xf32, #tpu.memory_space<vmem>>, vector<16xf32>,
        %get3A_457 = arith.constant 1 : i32
        %get3A_458 = arith.index_cast %scan3A_182 : i32 to index
        %get3A_459 = arith.index_cast %get3A_457 : i32 to index
        %get3A_460 = arith.constant 80 : index
        %get3A_461 = tpu.vector_load %arg6[%get3A_458, %get3A_459, %get3A_460] {strides = array<i32>} : memref<62x2x128xf32, #tpu.memory_space<vmem>>, vector<16xf32>,
        %mul3A_462 = arith.mulf %get3A_456, %get3A_456 : vector<16xf32>
        %mul3A_463 = arith.mulf %get3A_461, %get3A_461 : vector<16xf32>
        %add3A_464 = arith.addf %mul3A_462, %mul3A_463 : vector<16xf32>
        %mul3A_465 = arith.constant 5.000000e-01 : f32
        %mul3A_466 = vector.broadcast %mul3A_465 : f32 to vector<16xf32>
        %mul3A_467 = arith.mulf %mul3A_466, %add3A_464 : vector<16xf32>
        %bitcast3A_468 = vector.bitcast %add3A_464 : vector<16xf32> to vector<16xi32>
        %shift_right_logical3A_469 = arith.constant 1 : i32
        %shift_right_logical3A_470 = vector.broadcast %shift_right_logical3A_469 : i32 to vector<16xi32>
        %shift_right_logical3A_471 = arith.shrui %bitcast3A_468, %shift_right_logical3A_470 : vector<16xi32>
        %sub3A_472 = arith.constant 1597463007 : i32
        %sub3A_473 = vector.broadcast %sub3A_472 : i32 to vector<16xi32>
        %sub3A_474 = arith.subi %sub3A_473, %shift_right_logical3A_471 : vector<16xi32>
        %bitcast3A_475 = vector.bitcast %sub3A_474 : vector<16xi32> to vector<16xf32>
        %mul3A_476 = arith.mulf %bitcast3A_475, %bitcast3A_475 : vector<16xf32>
        %mul3A_477 = arith.mulf %mul3A_467, %mul3A_476 : vector<16xf32>
        %sub3A_478 = arith.constant 1.500000e+00 : f32
        %sub3A_479 = vector.broadcast %sub3A_478 : f32 to vector<16xf32>
        %sub3A_480 = arith.subf %sub3A_479, %mul3A_477 : vector<16xf32>
        %mul3A_481 = arith.mulf %bitcast3A_475, %sub3A_480 : vector<16xf32>
        %mul3A_482 = arith.mulf %mul3A_481, %mul3A_481 : vector<16xf32>
        %mul3A_483 = arith.mulf %mul3A_467, %mul3A_482 : vector<16xf32>
        %sub3A_484 = arith.constant 1.500000e+00 : f32
        %sub3A_485 = vector.broadcast %sub3A_484 : f32 to vector<16xf32>
        %sub3A_486 = arith.subf %sub3A_485, %mul3A_483 : vector<16xf32>
        %mul3A_487 = arith.mulf %mul3A_481, %sub3A_486 : vector<16xf32>
        %ge3A_488 = arith.constant 1.000000e-24 : f32
        %ge3A_489 = vector.broadcast %ge3A_488 : f32 to vector<16xf32>
        %ge3A_490 = arith.cmpf oge, %add3A_464, %ge3A_489 : vector<16xf32>
        %mul3A_491 = arith.mulf %min3A_4, %mul3A_487 : vector<16xf32>
        %select_n3A_492 = arith.select %ge3A_490, %mul3A_491, %mul3A_164 : vector<16xi1>, vector<16xf32>
        %mul3A_493 = arith.mulf %get3A_456, %select_n3A_492 : vector<16xf32>
        %mul3A_494 = arith.constant 2 : i32
        %mul3A_495 = arith.muli %mul3A_494, %scan3A_182 : i32
        %swap3A_496 = arith.index_cast %mul3A_495 : i32 to index
        %swap3A_497 = arith.constant 80 : index
        %swap3A_498 = tpu.vector_load %arg9[%swap3A_496, %swap3A_497] {strides = array<i32>} : memref<124x128xf32, #tpu.memory_space<vmem>>, vector<16xf32>,
        tpu.vector_store %arg9[%swap3A_496, %swap3A_497], %mul3A_493 {strides = array<i32>} : memref<124x128xf32, #tpu.memory_space<vmem>>, vector<16xf32>,
        %mul3A_499 = arith.mulf %get3A_461, %select_n3A_492 : vector<16xf32>
        %mul3A_500 = arith.constant 2 : i32
        %mul3A_501 = arith.muli %mul3A_500, %scan3A_182 : i32
        %add3A_502 = arith.constant 1 : i32
        %add3A_503 = arith.addi %mul3A_501, %add3A_502 : i32
        %swap3A_504 = arith.index_cast %add3A_503 : i32 to index
        %swap3A_505 = arith.constant 80 : index
        %swap3A_506 = tpu.vector_load %arg9[%swap3A_504, %swap3A_505] {strides = array<i32>} : memref<124x128xf32, #tpu.memory_space<vmem>>, vector<16xf32>,
        tpu.vector_store %arg9[%swap3A_504, %swap3A_505], %mul3A_499 {strides = array<i32>} : memref<124x128xf32, #tpu.memory_space<vmem>>, vector<16xf32>,
        %get3A_507 = arith.constant 0 : i32
        %get3A_508 = arith.index_cast %scan3A_182 : i32 to index
        %get3A_509 = arith.index_cast %get3A_507 : i32 to index
        %get3A_510 = arith.constant 96 : index
        %get3A_511 = tpu.vector_load %arg6[%get3A_508, %get3A_509, %get3A_510] {strides = array<i32>} : memref<62x2x128xf32, #tpu.memory_space<vmem>>, vector<16xf32>,
        %get3A_512 = arith.constant 1 : i32
        %get3A_513 = arith.index_cast %scan3A_182 : i32 to index
        %get3A_514 = arith.index_cast %get3A_512 : i32 to index
        %get3A_515 = arith.constant 96 : index
        %get3A_516 = tpu.vector_load %arg6[%get3A_513, %get3A_514, %get3A_515] {strides = array<i32>} : memref<62x2x128xf32, #tpu.memory_space<vmem>>, vector<16xf32>,
        %mul3A_517 = arith.mulf %get3A_511, %get3A_511 : vector<16xf32>
        %mul3A_518 = arith.mulf %get3A_516, %get3A_516 : vector<16xf32>
        %add3A_519 = arith.addf %mul3A_517, %mul3A_518 : vector<16xf32>
        %mul3A_520 = arith.constant 5.000000e-01 : f32
        %mul3A_521 = vector.broadcast %mul3A_520 : f32 to vector<16xf32>
        %mul3A_522 = arith.mulf %mul3A_521, %add3A_519 : vector<16xf32>
        %bitcast3A_523 = vector.bitcast %add3A_519 : vector<16xf32> to vector<16xi32>
        %shift_right_logical3A_524 = arith.constant 1 : i32
        %shift_right_logical3A_525 = vector.broadcast %shift_right_logical3A_524 : i32 to vector<16xi32>
        %shift_right_logical3A_526 = arith.shrui %bitcast3A_523, %shift_right_logical3A_525 : vector<16xi32>
        %sub3A_527 = arith.constant 1597463007 : i32
        %sub3A_528 = vector.broadcast %sub3A_527 : i32 to vector<16xi32>
        %sub3A_529 = arith.subi %sub3A_528, %shift_right_logical3A_526 : vector<16xi32>
        %bitcast3A_530 = vector.bitcast %sub3A_529 : vector<16xi32> to vector<16xf32>
        %mul3A_531 = arith.mulf %bitcast3A_530, %bitcast3A_530 : vector<16xf32>
        %mul3A_532 = arith.mulf %mul3A_522, %mul3A_531 : vector<16xf32>
        %sub3A_533 = arith.constant 1.500000e+00 : f32
        %sub3A_534 = vector.broadcast %sub3A_533 : f32 to vector<16xf32>
        %sub3A_535 = arith.subf %sub3A_534, %mul3A_532 : vector<16xf32>
        %mul3A_536 = arith.mulf %bitcast3A_530, %sub3A_535 : vector<16xf32>
        %mul3A_537 = arith.mulf %mul3A_536, %mul3A_536 : vector<16xf32>
        %mul3A_538 = arith.mulf %mul3A_522, %mul3A_537 : vector<16xf32>
        %sub3A_539 = arith.constant 1.500000e+00 : f32
        %sub3A_540 = vector.broadcast %sub3A_539 : f32 to vector<16xf32>
        %sub3A_541 = arith.subf %sub3A_540, %mul3A_538 : vector<16xf32>
        %mul3A_542 = arith.mulf %mul3A_536, %sub3A_541 : vector<16xf32>
        %ge3A_543 = arith.constant 1.000000e-24 : f32
        %ge3A_544 = vector.broadcast %ge3A_543 : f32 to vector<16xf32>
        %ge3A_545 = arith.cmpf oge, %add3A_519, %ge3A_544 : vector<16xf32>
        %mul3A_546 = arith.mulf %min3A_4, %mul3A_542 : vector<16xf32>
        %select_n3A_547 = arith.select %ge3A_545, %mul3A_546, %mul3A_164 : vector<16xi1>, vector<16xf32>
        %mul3A_548 = arith.mulf %get3A_511, %select_n3A_547 : vector<16xf32>
        %mul3A_549 = arith.constant 2 : i32
        %mul3A_550 = arith.muli %mul3A_549, %scan3A_182 : i32
        %swap3A_551 = arith.index_cast %mul3A_550 : i32 to index
        %swap3A_552 = arith.constant 96 : index
        %swap3A_553 = tpu.vector_load %arg9[%swap3A_551, %swap3A_552] {strides = array<i32>} : memref<124x128xf32, #tpu.memory_space<vmem>>, vector<16xf32>,
        tpu.vector_store %arg9[%swap3A_551, %swap3A_552], %mul3A_548 {strides = array<i32>} : memref<124x128xf32, #tpu.memory_space<vmem>>, vector<16xf32>,
        %mul3A_554 = arith.mulf %get3A_516, %select_n3A_547 : vector<16xf32>
        %mul3A_555 = arith.constant 2 : i32
        %mul3A_556 = arith.muli %mul3A_555, %scan3A_182 : i32
        %add3A_557 = arith.constant 1 : i32
        %add3A_558 = arith.addi %mul3A_556, %add3A_557 : i32
        %swap3A_559 = arith.index_cast %add3A_558 : i32 to index
        %swap3A_560 = arith.constant 96 : index
        %swap3A_561 = tpu.vector_load %arg9[%swap3A_559, %swap3A_560] {strides = array<i32>} : memref<124x128xf32, #tpu.memory_space<vmem>>, vector<16xf32>,
        tpu.vector_store %arg9[%swap3A_559, %swap3A_560], %mul3A_554 {strides = array<i32>} : memref<124x128xf32, #tpu.memory_space<vmem>>, vector<16xf32>,
        %get3A_562 = arith.constant 0 : i32
        %get3A_563 = arith.index_cast %scan3A_182 : i32 to index
        %get3A_564 = arith.index_cast %get3A_562 : i32 to index
        %get3A_565 = arith.constant 112 : index
        %get3A_566 = tpu.vector_load %arg6[%get3A_563, %get3A_564, %get3A_565] {strides = array<i32>} : memref<62x2x128xf32, #tpu.memory_space<vmem>>, vector<16xf32>,
        %get3A_567 = arith.constant 1 : i32
        %get3A_568 = arith.index_cast %scan3A_182 : i32 to index
        %get3A_569 = arith.index_cast %get3A_567 : i32 to index
        %get3A_570 = arith.constant 112 : index
        %get3A_571 = tpu.vector_load %arg6[%get3A_568, %get3A_569, %get3A_570] {strides = array<i32>} : memref<62x2x128xf32, #tpu.memory_space<vmem>>, vector<16xf32>,
        %mul3A_572 = arith.mulf %get3A_566, %get3A_566 : vector<16xf32>
        %mul3A_573 = arith.mulf %get3A_571, %get3A_571 : vector<16xf32>
        %add3A_574 = arith.addf %mul3A_572, %mul3A_573 : vector<16xf32>
        %mul3A_575 = arith.constant 5.000000e-01 : f32
        %mul3A_576 = vector.broadcast %mul3A_575 : f32 to vector<16xf32>
        %mul3A_577 = arith.mulf %mul3A_576, %add3A_574 : vector<16xf32>
        %bitcast3A_578 = vector.bitcast %add3A_574 : vector<16xf32> to vector<16xi32>
        %shift_right_logical3A_579 = arith.constant 1 : i32
        %shift_right_logical3A_580 = vector.broadcast %shift_right_logical3A_579 : i32 to vector<16xi32>
        %shift_right_logical3A_581 = arith.shrui %bitcast3A_578, %shift_right_logical3A_580 : vector<16xi32>
        %sub3A_582 = arith.constant 1597463007 : i32
        %sub3A_583 = vector.broadcast %sub3A_582 : i32 to vector<16xi32>
        %sub3A_584 = arith.subi %sub3A_583, %shift_right_logical3A_581 : vector<16xi32>
        %bitcast3A_585 = vector.bitcast %sub3A_584 : vector<16xi32> to vector<16xf32>
        %mul3A_586 = arith.mulf %bitcast3A_585, %bitcast3A_585 : vector<16xf32>
        %mul3A_587 = arith.mulf %mul3A_577, %mul3A_586 : vector<16xf32>
        %sub3A_588 = arith.constant 1.500000e+00 : f32
        %sub3A_589 = vector.broadcast %sub3A_588 : f32 to vector<16xf32>
        %sub3A_590 = arith.subf %sub3A_589, %mul3A_587 : vector<16xf32>
        %mul3A_591 = arith.mulf %bitcast3A_585, %sub3A_590 : vector<16xf32>
        %mul3A_592 = arith.mulf %mul3A_591, %mul3A_591 : vector<16xf32>
        %mul3A_593 = arith.mulf %mul3A_577, %mul3A_592 : vector<16xf32>
        %sub3A_594 = arith.constant 1.500000e+00 : f32
        %sub3A_595 = vector.broadcast %sub3A_594 : f32 to vector<16xf32>
        %sub3A_596 = arith.subf %sub3A_595, %mul3A_593 : vector<16xf32>
        %mul3A_597 = arith.mulf %mul3A_591, %sub3A_596 : vector<16xf32>
        %ge3A_598 = arith.constant 1.000000e-24 : f32
        %ge3A_599 = vector.broadcast %ge3A_598 : f32 to vector<16xf32>
        %ge3A_600 = arith.cmpf oge, %add3A_574, %ge3A_599 : vector<16xf32>
        %mul3A_601 = arith.mulf %min3A_4, %mul3A_597 : vector<16xf32>
        %select_n3A_602 = arith.select %ge3A_600, %mul3A_601, %mul3A_164 : vector<16xi1>, vector<16xf32>
        %mul3A_603 = arith.mulf %get3A_566, %select_n3A_602 : vector<16xf32>
        %mul3A_604 = arith.constant 2 : i32
        %mul3A_605 = arith.muli %mul3A_604, %scan3A_182 : i32
        %swap3A_606 = arith.index_cast %mul3A_605 : i32 to index
        %swap3A_607 = arith.constant 112 : index
        %swap3A_608 = tpu.vector_load %arg9[%swap3A_606, %swap3A_607] {strides = array<i32>} : memref<124x128xf32, #tpu.memory_space<vmem>>, vector<16xf32>,
        tpu.vector_store %arg9[%swap3A_606, %swap3A_607], %mul3A_603 {strides = array<i32>} : memref<124x128xf32, #tpu.memory_space<vmem>>, vector<16xf32>,
        %mul3A_609 = arith.mulf %get3A_571, %select_n3A_602 : vector<16xf32>
        %mul3A_610 = arith.constant 2 : i32
        %mul3A_611 = arith.muli %mul3A_610, %scan3A_182 : i32
        %add3A_612 = arith.constant 1 : i32
        %add3A_613 = arith.addi %mul3A_611, %add3A_612 : i32
        %swap3A_614 = arith.index_cast %add3A_613 : i32 to index
        %swap3A_615 = arith.constant 112 : index
        %swap3A_616 = tpu.vector_load %arg9[%swap3A_614, %swap3A_615] {strides = array<i32>} : memref<124x128xf32, #tpu.memory_space<vmem>>, vector<16xf32>,
        tpu.vector_store %arg9[%swap3A_614, %swap3A_615], %mul3A_609 {strides = array<i32>} : memref<124x128xf32, #tpu.memory_space<vmem>>, vector<16xf32>,
      }
      %scan3A_170 = arith.constant 62 : i32
      %add3A_171 = arith.constant 96 : i32
      %add3A_172 = arith.addi %add3A_171, %add3A : i32
      %mul3A_173 = arith.constant 2 : i32
      %mul3A_174 = arith.muli %add3A_172, %mul3A_173 : i32
      %mul3A_175 = arith.constant 62 : i32
      %mul3A_176 = arith.muli %mul3A_174, %mul3A_175 : i32
      %multiple_of3A_177 = tpu.assume_multiple %mul3A_176, 124 : i32
      %dma_start3A_178 = arith.constant 0 : i32
      %dma_start3A_179 = tpu.memref_slice %arg5[%multiple_of3A_177, %dma_start3A_178] : memref<15632x128xf32, #tpu.memory_space<hbm>> -> memref<124x128xf32, #tpu.memory_space<hbm>>
      %dma_start3A_180 = arith.constant 0 : i32
      %dma_start3A_181 = tpu.memref_slice %arg5[%multiple_of3A_177, %dma_start3A_180] : memref<15632x128xf32, #tpu.memory_space<hbm>> -> memref<124x128xf32, #tpu.memory_space<hbm>>
      tpu.enqueue_dma source(%arg9 : memref<124x128xf32, #tpu.memory_space<vmem>>) target(%dma_start3A_181 : memref<124x128xf32, #tpu.memory_space<hbm>>) target_semaphore(%arg18 : memref<!tpu.dma_semaphore, #tpu.memory_space<semaphore_mem>>)
    } else {
    }
    %eq3A = arith.constant 31 : i32
    %eq3A_131 = arith.cmpi eq, %add3A, %eq3A : i32
    %convert_element_type3A_132 = arith.extui %eq3A_131 : i1 to i32
    %cond3A_133 = arith.constant 0 : i32
    %cond3A_134 = arith.cmpi ne, %convert_element_type3A_132, %cond3A_133 : i32
    scf.if %cond3A_134 {
      "tpu.region"() ({
        %run_scoped3A_316 = tpu.sem_alloc : memref<!tpu.dma_semaphore, #tpu.memory_space<semaphore_mem>>
        tpu.enqueue_dma source(%arg3 : memref<128xf32, #tpu.memory_space<hbm>>) target(%arg13 : memref<128xf32, #tpu.memory_space<vmem>>) target_semaphore(%run_scoped3A_316 : memref<!tpu.dma_semaphore, #tpu.memory_space<semaphore_mem>>)
        tpu.wait_dma2 semaphore(%run_scoped3A_316 : memref<!tpu.dma_semaphore, #tpu.memory_space<semaphore_mem>>) src(%arg3 : memref<128xf32, #tpu.memory_space<hbm>>) dst(%arg13 : memref<128xf32, #tpu.memory_space<vmem>>)
        tpu.yield
      }) : () -> ()
      %mul3A_154 = arith.constant 9.99999995E+11 : f32
      %mul3A_155 = vector.broadcast %mul3A_154 : f32 to vector<16xf32>
      %mul3A_156 = arith.mulf %min3A_4, %mul3A_155 : vector<16xf32>
      %get3A_157 = arith.constant 0 : index
      %get3A_158 = tpu.vector_load %arg13[%get3A_157] {strides = array<i32>} : memref<128xf32, #tpu.memory_space<vmem>>, vector<16xf32>,
      %get3A_159 = arith.constant 64 : index
      %get3A_160 = tpu.vector_load %arg13[%get3A_159] {strides = array<i32>} : memref<128xf32, #tpu.memory_space<vmem>>, vector<16xf32>,
      %mul3A_161 = arith.mulf %get3A_158, %get3A_158 : vector<16xf32>
      %mul3A_162 = arith.mulf %get3A_160, %get3A_160 : vector<16xf32>
      %add3A_163 = arith.addf %mul3A_161, %mul3A_162 : vector<16xf32>
      %mul3A_164 = arith.constant 5.000000e-01 : f32
      %mul3A_165 = vector.broadcast %mul3A_164 : f32 to vector<16xf32>
      %mul3A_166 = arith.mulf %mul3A_165, %add3A_163 : vector<16xf32>
      %bitcast3A = vector.bitcast %add3A_163 : vector<16xf32> to vector<16xi32>
      %shift_right_logical3A = arith.constant 1 : i32
      %shift_right_logical3A_167 = vector.broadcast %shift_right_logical3A : i32 to vector<16xi32>
      %shift_right_logical3A_168 = arith.shrui %bitcast3A, %shift_right_logical3A_167 : vector<16xi32>
      %sub3A = arith.constant 1597463007 : i32
      %sub3A_169 = vector.broadcast %sub3A : i32 to vector<16xi32>
      %sub3A_170 = arith.subi %sub3A_169, %shift_right_logical3A_168 : vector<16xi32>
      %bitcast3A_171 = vector.bitcast %sub3A_170 : vector<16xi32> to vector<16xf32>
      %mul3A_172 = arith.mulf %bitcast3A_171, %bitcast3A_171 : vector<16xf32>
      %mul3A_173 = arith.mulf %mul3A_166, %mul3A_172 : vector<16xf32>
      %sub3A_174 = arith.constant 1.500000e+00 : f32
      %sub3A_175 = vector.broadcast %sub3A_174 : f32 to vector<16xf32>
      %sub3A_176 = arith.subf %sub3A_175, %mul3A_173 : vector<16xf32>
      %mul3A_177 = arith.mulf %bitcast3A_171, %sub3A_176 : vector<16xf32>
      %mul3A_178 = arith.mulf %mul3A_177, %mul3A_177 : vector<16xf32>
      %mul3A_179 = arith.mulf %mul3A_166, %mul3A_178 : vector<16xf32>
      %sub3A_180 = arith.constant 1.500000e+00 : f32
      %sub3A_181 = vector.broadcast %sub3A_180 : f32 to vector<16xf32>
      %sub3A_182 = arith.subf %sub3A_181, %mul3A_179 : vector<16xf32>
      %mul3A_183 = arith.mulf %mul3A_177, %sub3A_182 : vector<16xf32>
      %ge3A = arith.constant 1.000000e-24 : f32
      %ge3A_184 = vector.broadcast %ge3A : f32 to vector<16xf32>
      %ge3A_185 = arith.cmpf oge, %add3A_163, %ge3A_184 : vector<16xf32>
      %mul3A_186 = arith.mulf %min3A_4, %mul3A_183 : vector<16xf32>
      %select_n3A = arith.select %ge3A_185, %mul3A_186, %mul3A_156 : vector<16xi1>, vector<16xf32>
      %mul3A_187 = arith.mulf %get3A_158, %select_n3A : vector<16xf32>
      %swap3A = arith.constant 0 : index
      %swap3A_188 = tpu.vector_load %arg14[%swap3A] {strides = array<i32>} : memref<128xf32, #tpu.memory_space<vmem>>, vector<16xf32>,
      tpu.vector_store %arg14[%swap3A], %mul3A_187 {strides = array<i32>} : memref<128xf32, #tpu.memory_space<vmem>>, vector<16xf32>,
      %mul3A_189 = arith.mulf %get3A_160, %select_n3A : vector<16xf32>
      %swap3A_190 = arith.constant 64 : index
      %swap3A_191 = tpu.vector_load %arg14[%swap3A_190] {strides = array<i32>} : memref<128xf32, #tpu.memory_space<vmem>>, vector<16xf32>,
      tpu.vector_store %arg14[%swap3A_190], %mul3A_189 {strides = array<i32>} : memref<128xf32, #tpu.memory_space<vmem>>, vector<16xf32>,
      %get3A_192 = arith.constant 16 : index
      %get3A_193 = tpu.vector_load %arg13[%get3A_192] {strides = array<i32>} : memref<128xf32, #tpu.memory_space<vmem>>, vector<16xf32>,
      %get3A_194 = arith.constant 80 : index
      %get3A_195 = tpu.vector_load %arg13[%get3A_194] {strides = array<i32>} : memref<128xf32, #tpu.memory_space<vmem>>, vector<16xf32>,
      %mul3A_196 = arith.mulf %get3A_193, %get3A_193 : vector<16xf32>
      %mul3A_197 = arith.mulf %get3A_195, %get3A_195 : vector<16xf32>
      %add3A_198 = arith.addf %mul3A_196, %mul3A_197 : vector<16xf32>
      %mul3A_199 = arith.constant 5.000000e-01 : f32
      %mul3A_200 = vector.broadcast %mul3A_199 : f32 to vector<16xf32>
      %mul3A_201 = arith.mulf %mul3A_200, %add3A_198 : vector<16xf32>
      %bitcast3A_202 = vector.bitcast %add3A_198 : vector<16xf32> to vector<16xi32>
      %shift_right_logical3A_203 = arith.constant 1 : i32
      %shift_right_logical3A_204 = vector.broadcast %shift_right_logical3A_203 : i32 to vector<16xi32>
      %shift_right_logical3A_205 = arith.shrui %bitcast3A_202, %shift_right_logical3A_204 : vector<16xi32>
      %sub3A_206 = arith.constant 1597463007 : i32
      %sub3A_207 = vector.broadcast %sub3A_206 : i32 to vector<16xi32>
      %sub3A_208 = arith.subi %sub3A_207, %shift_right_logical3A_205 : vector<16xi32>
      %bitcast3A_209 = vector.bitcast %sub3A_208 : vector<16xi32> to vector<16xf32>
      %mul3A_210 = arith.mulf %bitcast3A_209, %bitcast3A_209 : vector<16xf32>
      %mul3A_211 = arith.mulf %mul3A_201, %mul3A_210 : vector<16xf32>
      %sub3A_212 = arith.constant 1.500000e+00 : f32
      %sub3A_213 = vector.broadcast %sub3A_212 : f32 to vector<16xf32>
      %sub3A_214 = arith.subf %sub3A_213, %mul3A_211 : vector<16xf32>
      %mul3A_215 = arith.mulf %bitcast3A_209, %sub3A_214 : vector<16xf32>
      %mul3A_216 = arith.mulf %mul3A_215, %mul3A_215 : vector<16xf32>
      %mul3A_217 = arith.mulf %mul3A_201, %mul3A_216 : vector<16xf32>
      %sub3A_218 = arith.constant 1.500000e+00 : f32
      %sub3A_219 = vector.broadcast %sub3A_218 : f32 to vector<16xf32>
      %sub3A_220 = arith.subf %sub3A_219, %mul3A_217 : vector<16xf32>
      %mul3A_221 = arith.mulf %mul3A_215, %sub3A_220 : vector<16xf32>
      %ge3A_222 = arith.constant 1.000000e-24 : f32
      %ge3A_223 = vector.broadcast %ge3A_222 : f32 to vector<16xf32>
      %ge3A_224 = arith.cmpf oge, %add3A_198, %ge3A_223 : vector<16xf32>
      %mul3A_225 = arith.mulf %min3A_4, %mul3A_221 : vector<16xf32>
      %select_n3A_226 = arith.select %ge3A_224, %mul3A_225, %mul3A_156 : vector<16xi1>, vector<16xf32>
      %mul3A_227 = arith.mulf %get3A_193, %select_n3A_226 : vector<16xf32>
      %swap3A_228 = arith.constant 16 : index
      %swap3A_229 = tpu.vector_load %arg14[%swap3A_228] {strides = array<i32>} : memref<128xf32, #tpu.memory_space<vmem>>, vector<16xf32>,
      tpu.vector_store %arg14[%swap3A_228], %mul3A_227 {strides = array<i32>} : memref<128xf32, #tpu.memory_space<vmem>>, vector<16xf32>,
      %mul3A_230 = arith.mulf %get3A_195, %select_n3A_226 : vector<16xf32>
      %swap3A_231 = arith.constant 80 : index
      %swap3A_232 = tpu.vector_load %arg14[%swap3A_231] {strides = array<i32>} : memref<128xf32, #tpu.memory_space<vmem>>, vector<16xf32>,
      tpu.vector_store %arg14[%swap3A_231], %mul3A_230 {strides = array<i32>} : memref<128xf32, #tpu.memory_space<vmem>>, vector<16xf32>,
      %get3A_233 = arith.constant 32 : index
      %get3A_234 = tpu.vector_load %arg13[%get3A_233] {strides = array<i32>} : memref<128xf32, #tpu.memory_space<vmem>>, vector<16xf32>,
      %get3A_235 = arith.constant 96 : index
      %get3A_236 = tpu.vector_load %arg13[%get3A_235] {strides = array<i32>} : memref<128xf32, #tpu.memory_space<vmem>>, vector<16xf32>,
      %mul3A_237 = arith.mulf %get3A_234, %get3A_234 : vector<16xf32>
      %mul3A_238 = arith.mulf %get3A_236, %get3A_236 : vector<16xf32>
      %add3A_239 = arith.addf %mul3A_237, %mul3A_238 : vector<16xf32>
      %mul3A_240 = arith.constant 5.000000e-01 : f32
      %mul3A_241 = vector.broadcast %mul3A_240 : f32 to vector<16xf32>
      %mul3A_242 = arith.mulf %mul3A_241, %add3A_239 : vector<16xf32>
      %bitcast3A_243 = vector.bitcast %add3A_239 : vector<16xf32> to vector<16xi32>
      %shift_right_logical3A_244 = arith.constant 1 : i32
      %shift_right_logical3A_245 = vector.broadcast %shift_right_logical3A_244 : i32 to vector<16xi32>
      %shift_right_logical3A_246 = arith.shrui %bitcast3A_243, %shift_right_logical3A_245 : vector<16xi32>
      %sub3A_247 = arith.constant 1597463007 : i32
      %sub3A_248 = vector.broadcast %sub3A_247 : i32 to vector<16xi32>
      %sub3A_249 = arith.subi %sub3A_248, %shift_right_logical3A_246 : vector<16xi32>
      %bitcast3A_250 = vector.bitcast %sub3A_249 : vector<16xi32> to vector<16xf32>
      %mul3A_251 = arith.mulf %bitcast3A_250, %bitcast3A_250 : vector<16xf32>
      %mul3A_252 = arith.mulf %mul3A_242, %mul3A_251 : vector<16xf32>
      %sub3A_253 = arith.constant 1.500000e+00 : f32
      %sub3A_254 = vector.broadcast %sub3A_253 : f32 to vector<16xf32>
      %sub3A_255 = arith.subf %sub3A_254, %mul3A_252 : vector<16xf32>
      %mul3A_256 = arith.mulf %bitcast3A_250, %sub3A_255 : vector<16xf32>
      %mul3A_257 = arith.mulf %mul3A_256, %mul3A_256 : vector<16xf32>
      %mul3A_258 = arith.mulf %mul3A_242, %mul3A_257 : vector<16xf32>
      %sub3A_259 = arith.constant 1.500000e+00 : f32
      %sub3A_260 = vector.broadcast %sub3A_259 : f32 to vector<16xf32>
      %sub3A_261 = arith.subf %sub3A_260, %mul3A_258 : vector<16xf32>
      %mul3A_262 = arith.mulf %mul3A_256, %sub3A_261 : vector<16xf32>
      %ge3A_263 = arith.constant 1.000000e-24 : f32
      %ge3A_264 = vector.broadcast %ge3A_263 : f32 to vector<16xf32>
      %ge3A_265 = arith.cmpf oge, %add3A_239, %ge3A_264 : vector<16xf32>
      %mul3A_266 = arith.mulf %min3A_4, %mul3A_262 : vector<16xf32>
      %select_n3A_267 = arith.select %ge3A_265, %mul3A_266, %mul3A_156 : vector<16xi1>, vector<16xf32>
      %mul3A_268 = arith.mulf %get3A_234, %select_n3A_267 : vector<16xf32>
      %swap3A_269 = arith.constant 32 : index
      %swap3A_270 = tpu.vector_load %arg14[%swap3A_269] {strides = array<i32>} : memref<128xf32, #tpu.memory_space<vmem>>, vector<16xf32>,
      tpu.vector_store %arg14[%swap3A_269], %mul3A_268 {strides = array<i32>} : memref<128xf32, #tpu.memory_space<vmem>>, vector<16xf32>,
      %mul3A_271 = arith.mulf %get3A_236, %select_n3A_267 : vector<16xf32>
      %swap3A_272 = arith.constant 96 : index
      %swap3A_273 = tpu.vector_load %arg14[%swap3A_272] {strides = array<i32>} : memref<128xf32, #tpu.memory_space<vmem>>, vector<16xf32>,
      tpu.vector_store %arg14[%swap3A_272], %mul3A_271 {strides = array<i32>} : memref<128xf32, #tpu.memory_space<vmem>>, vector<16xf32>,
      %get3A_274 = arith.constant 48 : index
      %get3A_275 = tpu.vector_load %arg13[%get3A_274] {strides = array<i32>} : memref<128xf32, #tpu.memory_space<vmem>>, vector<16xf32>,
      %get3A_276 = arith.constant 112 : index
      %get3A_277 = tpu.vector_load %arg13[%get3A_276] {strides = array<i32>} : memref<128xf32, #tpu.memory_space<vmem>>, vector<16xf32>,
      %mul3A_278 = arith.mulf %get3A_275, %get3A_275 : vector<16xf32>
      %mul3A_279 = arith.mulf %get3A_277, %get3A_277 : vector<16xf32>
      %add3A_280 = arith.addf %mul3A_278, %mul3A_279 : vector<16xf32>
      %mul3A_281 = arith.constant 5.000000e-01 : f32
      %mul3A_282 = vector.broadcast %mul3A_281 : f32 to vector<16xf32>
      %mul3A_283 = arith.mulf %mul3A_282, %add3A_280 : vector<16xf32>
      %bitcast3A_284 = vector.bitcast %add3A_280 : vector<16xf32> to vector<16xi32>
      %shift_right_logical3A_285 = arith.constant 1 : i32
      %shift_right_logical3A_286 = vector.broadcast %shift_right_logical3A_285 : i32 to vector<16xi32>
      %shift_right_logical3A_287 = arith.shrui %bitcast3A_284, %shift_right_logical3A_286 : vector<16xi32>
      %sub3A_288 = arith.constant 1597463007 : i32
      %sub3A_289 = vector.broadcast %sub3A_288 : i32 to vector<16xi32>
      %sub3A_290 = arith.subi %sub3A_289, %shift_right_logical3A_287 : vector<16xi32>
      %bitcast3A_291 = vector.bitcast %sub3A_290 : vector<16xi32> to vector<16xf32>
      %mul3A_292 = arith.mulf %bitcast3A_291, %bitcast3A_291 : vector<16xf32>
      %mul3A_293 = arith.mulf %mul3A_283, %mul3A_292 : vector<16xf32>
      %sub3A_294 = arith.constant 1.500000e+00 : f32
      %sub3A_295 = vector.broadcast %sub3A_294 : f32 to vector<16xf32>
      %sub3A_296 = arith.subf %sub3A_295, %mul3A_293 : vector<16xf32>
      %mul3A_297 = arith.mulf %bitcast3A_291, %sub3A_296 : vector<16xf32>
      %mul3A_298 = arith.mulf %mul3A_297, %mul3A_297 : vector<16xf32>
      %mul3A_299 = arith.mulf %mul3A_283, %mul3A_298 : vector<16xf32>
      %sub3A_300 = arith.constant 1.500000e+00 : f32
      %sub3A_301 = vector.broadcast %sub3A_300 : f32 to vector<16xf32>
      %sub3A_302 = arith.subf %sub3A_301, %mul3A_299 : vector<16xf32>
      %mul3A_303 = arith.mulf %mul3A_297, %sub3A_302 : vector<16xf32>
      %ge3A_304 = arith.constant 1.000000e-24 : f32
      %ge3A_305 = vector.broadcast %ge3A_304 : f32 to vector<16xf32>
      %ge3A_306 = arith.cmpf oge, %add3A_280, %ge3A_305 : vector<16xf32>
      %mul3A_307 = arith.mulf %min3A_4, %mul3A_303 : vector<16xf32>
      %select_n3A_308 = arith.select %ge3A_306, %mul3A_307, %mul3A_156 : vector<16xi1>, vector<16xf32>
      %mul3A_309 = arith.mulf %get3A_275, %select_n3A_308 : vector<16xf32>
      %swap3A_310 = arith.constant 48 : index
      %swap3A_311 = tpu.vector_load %arg14[%swap3A_310] {strides = array<i32>} : memref<128xf32, #tpu.memory_space<vmem>>, vector<16xf32>,
      tpu.vector_store %arg14[%swap3A_310], %mul3A_309 {strides = array<i32>} : memref<128xf32, #tpu.memory_space<vmem>>, vector<16xf32>,
      %mul3A_312 = arith.mulf %get3A_277, %select_n3A_308 : vector<16xf32>
      %swap3A_313 = arith.constant 112 : index
      %swap3A_314 = tpu.vector_load %arg14[%swap3A_313] {strides = array<i32>} : memref<128xf32, #tpu.memory_space<vmem>>, vector<16xf32>,
      tpu.vector_store %arg14[%swap3A_313], %mul3A_312 {strides = array<i32>} : memref<128xf32, #tpu.memory_space<vmem>>, vector<16xf32>,
      %run_scoped3A = arith.constant 15624 : i32
      "tpu.region"() ({
        %run_scoped3A_316 = tpu.sem_alloc : memref<!tpu.dma_semaphore, #tpu.memory_space<semaphore_mem>>
        %dma_start3A_317 = arith.constant 0 : i32
        %dma_start3A_318 = tpu.memref_slice %arg14[%dma_start3A_317] : memref<128xf32, #tpu.memory_space<vmem>> -> memref<64xf32, #tpu.memory_space<vmem>>
        %dma_start3A_319 = arith.constant 0 : i32
        %dma_start3A_320 = tpu.memref_slice %arg5[%run_scoped3A, %dma_start3A_319] : memref<15632x128xf32, #tpu.memory_space<hbm>> -> memref<1x64xf32, #tpu.memory_space<hbm>>
        %dma_start3A_321 = tpu.memref_squeeze %dma_start3A_320 : memref<1x64xf32, #tpu.memory_space<hbm>> -> memref<64xf32, #tpu.memory_space<hbm>>
        %dma_start3A_322 = arith.constant 0 : i32
        %dma_start3A_323 = tpu.memref_slice %arg5[%run_scoped3A, %dma_start3A_322] : memref<15632x128xf32, #tpu.memory_space<hbm>> -> memref<1x64xf32, #tpu.memory_space<hbm>>
        %dma_start3A_324 = tpu.memref_squeeze %dma_start3A_323 : memref<1x64xf32, #tpu.memory_space<hbm>> -> memref<64xf32, #tpu.memory_space<hbm>>
        %dma_start3A_325 = arith.constant 0 : i32
        %dma_start3A_326 = tpu.memref_slice %arg14[%dma_start3A_325] : memref<128xf32, #tpu.memory_space<vmem>> -> memref<64xf32, #tpu.memory_space<vmem>>
        tpu.enqueue_dma source(%dma_start3A_326 : memref<64xf32, #tpu.memory_space<vmem>>) target(%dma_start3A_324 : memref<64xf32, #tpu.memory_space<hbm>>) target_semaphore(%run_scoped3A_316 : memref<!tpu.dma_semaphore, #tpu.memory_space<semaphore_mem>>)
        %dma_wait3A_327 = arith.constant 0 : i32
        %dma_wait3A_328 = tpu.memref_slice %arg14[%dma_wait3A_327] : memref<128xf32, #tpu.memory_space<vmem>> -> memref<64xf32, #tpu.memory_space<vmem>>
        %dma_wait3A_329 = arith.constant 0 : i32
        %dma_wait3A_330 = tpu.memref_slice %arg5[%run_scoped3A, %dma_wait3A_329] : memref<15632x128xf32, #tpu.memory_space<hbm>> -> memref<1x64xf32, #tpu.memory_space<hbm>>
        %dma_wait3A_331 = tpu.memref_squeeze %dma_wait3A_330 : memref<1x64xf32, #tpu.memory_space<hbm>> -> memref<64xf32, #tpu.memory_space<hbm>>
        %dma_wait3A_332 = arith.constant 0 : i32
        %dma_wait3A_333 = tpu.memref_slice %arg5[%run_scoped3A, %dma_wait3A_332] : memref<15632x128xf32, #tpu.memory_space<hbm>> -> memref<1x64xf32, #tpu.memory_space<hbm>>
        %dma_wait3A_334 = tpu.memref_squeeze %dma_wait3A_333 : memref<1x64xf32, #tpu.memory_space<hbm>> -> memref<64xf32, #tpu.memory_space<hbm>>
        %dma_wait3A_335 = arith.constant 0 : i32
        %dma_wait3A_336 = tpu.memref_slice %arg14[%dma_wait3A_335] : memref<128xf32, #tpu.memory_space<vmem>> -> memref<64xf32, #tpu.memory_space<vmem>>
        tpu.wait_dma2 semaphore(%run_scoped3A_316 : memref<!tpu.dma_semaphore, #tpu.memory_space<semaphore_mem>>) src(%dma_wait3A_336 : memref<64xf32, #tpu.memory_space<vmem>>) dst(%dma_wait3A_334 : memref<64xf32, #tpu.memory_space<hbm>>)
        tpu.yield
      }) : () -> ()
      %run_scoped3A_315 = arith.constant 15625 : i32
      "tpu.region"() ({
        %run_scoped3A_316 = tpu.sem_alloc : memref<!tpu.dma_semaphore, #tpu.memory_space<semaphore_mem>>
        %dma_start3A_317 = arith.constant 64 : i32
        %dma_start3A_318 = tpu.memref_slice %arg14[%dma_start3A_317] : memref<128xf32, #tpu.memory_space<vmem>> -> memref<64xf32, #tpu.memory_space<vmem>>
        %dma_start3A_319 = arith.constant 0 : i32
        %dma_start3A_320 = tpu.memref_slice %arg5[%run_scoped3A_315, %dma_start3A_319] : memref<15632x128xf32, #tpu.memory_space<hbm>> -> memref<1x64xf32, #tpu.memory_space<hbm>>
        %dma_start3A_321 = tpu.memref_squeeze %dma_start3A_320 : memref<1x64xf32, #tpu.memory_space<hbm>> -> memref<64xf32, #tpu.memory_space<hbm>>
        %dma_start3A_322 = arith.constant 0 : i32
        %dma_start3A_323 = tpu.memref_slice %arg5[%run_scoped3A_315, %dma_start3A_322] : memref<15632x128xf32, #tpu.memory_space<hbm>> -> memref<1x64xf32, #tpu.memory_space<hbm>>
        %dma_start3A_324 = tpu.memref_squeeze %dma_start3A_323 : memref<1x64xf32, #tpu.memory_space<hbm>> -> memref<64xf32, #tpu.memory_space<hbm>>
        %dma_start3A_325 = arith.constant 64 : i32
        %dma_start3A_326 = tpu.memref_slice %arg14[%dma_start3A_325] : memref<128xf32, #tpu.memory_space<vmem>> -> memref<64xf32, #tpu.memory_space<vmem>>
        tpu.enqueue_dma source(%dma_start3A_326 : memref<64xf32, #tpu.memory_space<vmem>>) target(%dma_start3A_324 : memref<64xf32, #tpu.memory_space<hbm>>) target_semaphore(%run_scoped3A_316 : memref<!tpu.dma_semaphore, #tpu.memory_space<semaphore_mem>>)
        %dma_wait3A_327 = arith.constant 64 : i32
        %dma_wait3A_328 = tpu.memref_slice %arg14[%dma_wait3A_327] : memref<128xf32, #tpu.memory_space<vmem>> -> memref<64xf32, #tpu.memory_space<vmem>>
        %dma_wait3A_329 = arith.constant 0 : i32
        %dma_wait3A_330 = tpu.memref_slice %arg5[%run_scoped3A_315, %dma_wait3A_329] : memref<15632x128xf32, #tpu.memory_space<hbm>> -> memref<1x64xf32, #tpu.memory_space<hbm>>
        %dma_wait3A_331 = tpu.memref_squeeze %dma_wait3A_330 : memref<1x64xf32, #tpu.memory_space<hbm>> -> memref<64xf32, #tpu.memory_space<hbm>>
        %dma_wait3A_332 = arith.constant 0 : i32
        %dma_wait3A_333 = tpu.memref_slice %arg5[%run_scoped3A_315, %dma_wait3A_332] : memref<15632x128xf32, #tpu.memory_space<hbm>> -> memref<1x64xf32, #tpu.memory_space<hbm>>
        %dma_wait3A_334 = tpu.memref_squeeze %dma_wait3A_333 : memref<1x64xf32, #tpu.memory_space<hbm>> -> memref<64xf32, #tpu.memory_space<hbm>>
        %dma_wait3A_335 = arith.constant 64 : i32
        %dma_wait3A_336 = tpu.memref_slice %arg14[%dma_wait3A_335] : memref<128xf32, #tpu.memory_space<vmem>> -> memref<64xf32, #tpu.memory_space<vmem>>
        tpu.wait_dma2 semaphore(%run_scoped3A_316 : memref<!tpu.dma_semaphore, #tpu.memory_space<semaphore_mem>>) src(%dma_wait3A_336 : memref<64xf32, #tpu.memory_space<vmem>>) dst(%dma_wait3A_334 : memref<64xf32, #tpu.memory_space<hbm>>)
        tpu.yield
      }) : () -> ()
    } else {
    }
    %dma_wait3A_135 = arith.constant 0 : i32
    %dma_wait3A_136 = arith.constant 0 : i32
    %dma_wait3A_137 = tpu.memref_slice %arg5[%dma_wait3A_135, %dma_wait3A_136] : memref<15632x128xf32, #tpu.memory_space<hbm>> -> memref<124x128xf32, #tpu.memory_space<hbm>>
    %dma_wait3A_138 = arith.constant 0 : i32
    %dma_wait3A_139 = arith.constant 0 : i32
    %dma_wait3A_140 = tpu.memref_slice %arg5[%dma_wait3A_138, %dma_wait3A_139] : memref<15632x128xf32, #tpu.memory_space<hbm>> -> memref<124x128xf32, #tpu.memory_space<hbm>>
    tpu.wait_dma2 semaphore(%arg19 : memref<!tpu.dma_semaphore, #tpu.memory_space<semaphore_mem>>) src(%arg10 : memref<124x128xf32, #tpu.memory_space<vmem>>) dst(%dma_wait3A_140 : memref<124x128xf32, #tpu.memory_space<hbm>>)
    %dma_wait3A_141 = arith.constant 0 : i32
    %dma_wait3A_142 = arith.constant 0 : i32
    %dma_wait3A_143 = tpu.memref_slice %arg5[%dma_wait3A_141, %dma_wait3A_142] : memref<15632x128xf32, #tpu.memory_space<hbm>> -> memref<124x128xf32, #tpu.memory_space<hbm>>
    %dma_wait3A_144 = arith.constant 0 : i32
    %dma_wait3A_145 = arith.constant 0 : i32
    %dma_wait3A_146 = tpu.memref_slice %arg5[%dma_wait3A_144, %dma_wait3A_145] : memref<15632x128xf32, #tpu.memory_space<hbm>> -> memref<124x128xf32, #tpu.memory_space<hbm>>
    tpu.wait_dma2 semaphore(%arg20 : memref<!tpu.dma_semaphore, #tpu.memory_space<semaphore_mem>>) src(%arg11 : memref<124x128xf32, #tpu.memory_space<vmem>>) dst(%dma_wait3A_146 : memref<124x128xf32, #tpu.memory_space<hbm>>)
    %add3A_147 = arith.constant 96 : i32
    %add3A_148 = arith.addi %add3A_147, %add3A : i32
    %lt3A_149 = arith.constant 126 : i32
    %lt3A_150 = arith.cmpi slt, %add3A_148, %lt3A_149 : i32
    %convert_element_type3A_151 = arith.extui %lt3A_150 : i1 to i32
    %cond3A_152 = arith.constant 0 : i32
    %cond3A_153 = arith.cmpi ne, %convert_element_type3A_151, %cond3A_152 : i32
    scf.if %cond3A_153 {
      %dma_wait3A_154 = arith.constant 0 : i32
      %dma_wait3A_155 = arith.constant 0 : i32
      %dma_wait3A_156 = tpu.memref_slice %arg5[%dma_wait3A_154, %dma_wait3A_155] : memref<15632x128xf32, #tpu.memory_space<hbm>> -> memref<124x128xf32, #tpu.memory_space<hbm>>
      %dma_wait3A_157 = arith.constant 0 : i32
      %dma_wait3A_158 = arith.constant 0 : i32
      %dma_wait3A_159 = tpu.memref_slice %arg5[%dma_wait3A_157, %dma_wait3A_158] : memref<15632x128xf32, #tpu.memory_space<hbm>> -> memref<124x128xf32, #tpu.memory_space<hbm>>
      tpu.wait_dma2 semaphore(%arg18 : memref<!tpu.dma_semaphore, #tpu.memory_space<semaphore_mem>>) src(%arg9 : memref<124x128xf32, #tpu.memory_space<vmem>>) dst(%dma_wait3A_159 : memref<124x128xf32, #tpu.memory_space<hbm>>)
    } else {
    }
    return
  }
}

</mosaic_0001>

<sc_bundles>
// kernel: kernel.3.cloned.1.call-start
scs
__scs_entry_jumppad:
0x0: {  	(pc) =	sbr.rel $0x88, $3  }
0x1: {  	(tag) =	ssettag $0x0;
	lr =	simm.s32 $0x1  }
0x2: {  	[smem:$0x3F9F] =	sst lr;
	_ =	strace $0xD0000000  }
0x3: {  	_ = 	snop  }
0x4: {  	_ = 	snop  }
0x5: {  	_ = 	snop  }
0x6: {  	_ = 	snop  }
0x7: {  	_ = 	snop  }
__scs_overlays_trampoline_lowered:
0x8: {  	[smem:$0x3FAE] =	sst s0  }
0x9: {  	[smem:$0x3FAF] =	sst s1  }
0xa: {  	[smem:$0x3FB0] =	sst s2  }
0xb: {  	[smem:$0x3FB1] =	sst s3  }
0xc: {  	[smem:$0x3FB2] =	sst s4  }
0xd: {  	[smem:$0x3FB3] =	sst s5  }
0xe: {  	[smem:$0x3FB4] =	sst s6  }
0xf: {  	[smem:$0x3FB5] =	sst s7  }
0x10: {  	[smem:$0x3FB6] =	sst s8  }
0x11: {  	[smem:$0x3FB7] =	sst s9;
	s0 =	simm.s32 @!p0 $0x0  }
0x12: {  	s1 =	sld [smem:$0x3F9D];
	s0 =	simm.s32 @p0 $0x1  }
0x13: {  	[smem:$0x3FB8] =	sst s0;
	s0 =	simm.s32 @!p1 $0x0  }
0x14: {  	s2 =	sld [smem:$0x3F9C];
	s0 =	simm.s32 @p1 $0x1  }
0x15: {  	[smem:$0x3FB9] =	sst s0;
	s0 =	simm.s32 @!p2 $0x0  }
0x16: {  	s3 =	sld [smem:$0x3FDB];
	s0 =	simm.s32 @p2 $0x1  }
0x17: {  	s4 =	simm.s32 $0x1BF5;
	[smem:$0x3FBB] =	sst s0  }
0x18: {  	s0 =	sld [smem:$0x3F9E];
	_ =	swait.ge [sflag:s4], $0x0  }
0x19: {  	s7 =	sld [smem:$0x3F9F]  }
0x1a: {  	s8 =	sadd.s32 $0xFFFFE003, lr  }
0x1b: {  	s9 =	sadd.s32 $0xFFFFFEF7, lr;
	s5 =	simm.s32 $0xFFFFFFFF;
	p2 =	slt.u32 s8, $0xFFFFF086  }
0x1c: {  	p1 =	slt.u32 s9, $0xF7A;
	s5 =	simm.s32 @!p2 $0x0  }
0x1d: {  	s5 =	simm.s32 @p1 $0x1;
	p0 =	seq.s32 s7, s2  }
0x1e: {  	s7 =	smul.u32 @!p0 $0xF7A, s2;
	p2 =	seq.s32 @!p0 s5, $0x0  }
0x1f: {  	s9 =	smul.u32 $0xF7A, s1;
	s8 =	simm.s32 @!p0 $0x1BF5;
	p2 =	por !p2, p0  }
0x20: {  	[sflag:s8] =	ssyncset.s32 @!p0 $0xFFFFF086;
	s6 =	sadd.s32 @!p0 s3, s7;
	s7 =	simm.s32 @!p0 $0x108  }
0x21: {  	s3 =	sadd.s32 s3, s9;
	s6 =	sadd.s32 @!p0 $0x88, s6;
	s7 =	simm.s32 @p2 $0x1082  }
0x22: {  	[simem:s7], [sflag:s8] =	dma.local @!p0 [hbm:s6], $0xF7A  }
0x23: {  	s9 =	sor.u32 $0xD0000000, s2;
	s6 =	simm.s32 $0x108;
	_ =	swait.ge @!p0 [sflag:s8], $0x0  }
0x24: {  	s3 =	sadd.s32 $0x88, s3;
	s6 =	simm.s32 @!p1 $0x1082;
	[sflag:s4] =	ssyncset.s32 $0xFFFFF086  }
0x25: {  	[simem:s6], [sflag:s4] =	dma.local [hbm:s3], $0xF7A  }
0x26: {  	[smem:$0x3F9F] =	sst s1;
	(tag) =	ssettag s2;
	_ =	strace s9  }
0x27: {  	s1 =	sld [smem:$0x3FAF]  }
0x28: {  	s2 =	sld [smem:$0x3FB0]  }
0x29: {  	s4 =	sld [smem:$0x3FB2]  }
0x2a: {  	p0 =	seq.s32 s5, $0x0;
	s5 =	sld [smem:$0x3FB3]  }
0x2b: {  	s6 =	sld [smem:$0x3FB4]  }
0x2c: {  	s7 =	sld [smem:$0x3FB5]  }
0x2d: {  	s3 =	simm.s32 $0x108;
	s8 =	sld [smem:$0x3FB6]  }
0x2e: {  	s3 =	simm.s32 @!p0 $0x1082;
	s9 =	sld [smem:$0x3FB7]  }
0x2f: {  	lr =	sadd.s32 s0, s3;
	s0 =	sld [smem:$0x3FAE]  }
0x30: {  	s3 =	sld [smem:$0x3FB1]  }
0x31: {  	[smem:$0x3FBA] =	sst s10  }
0x32: {  	s10 =	sld [smem:$0x3FB8];
	_ =	sdelay $0x3  }
0x33: {  	p0 =	seq.s32 s10, $0x1;
	s10 =	sld [smem:$0x3FBA];
	_ =	sdelay $0x3  }
0x34: {  	[smem:$0x3FBA] =	sst s10  }
0x35: {  	s10 =	sld [smem:$0x3FB9];
	_ =	sdelay $0x3  }
0x36: {  	p1 =	seq.s32 s10, $0x1;
	s10 =	sld [smem:$0x3FBA];
	_ =	sdelay $0x3  }
0x37: {  	[smem:$0x3FBA] =	sst s10  }
0x38: {  	s10 =	sld [smem:$0x3FBB]  }
0x39: {  	_ = 	snop;
	(pc) =	sbr.ind lr, $3  }
0x3a: {  	_ = 	snop  }
0x3b: {  	_ = 	snop  }
0x3c: {  	p2 =	seq.s32 s10, $0x1;
	s10 =	sld [smem:$0x3FBA]  }
0x3d: {  	_ =	shalt  }
0x3e: {  	_ =	shalt  }
0x3f: {  	_ =	shalt  }
0x40: {  	_ =	shalt  }
0x41: {  	_ =	shalt  }
0x42: {  	_ =	shalt  }
0x43: {  	_ =	shalt  }
0x44: {  	_ =	shalt  }
0x45: {  	_ =	shalt  }
0x46: {  	_ =	shalt  }
0x47: {  	_ =	shalt  }
0x48: {  	_ =	shalt  }
0x49: {  	_ =	shalt  }
0x4a: {  	_ =	shalt  }
0x4b: {  	_ =	shalt  }
0x4c: {  	_ =	shalt  }
0x4d: {  	_ =	shalt  }
0x4e: {  	_ =	shalt  }
0x4f: {  	_ =	shalt  }
0x50: {  	_ =	shalt  }
0x51: {  	_ =	shalt  }
0x52: {  	_ =	shalt  }
0x53: {  	_ =	shalt  }
0x54: {  	_ =	shalt  }
0x55: {  	_ =	shalt  }
0x56: {  	_ =	shalt  }
0x57: {  	_ =	shalt  }
0x58: {  	_ =	shalt  }
0x59: {  	_ =	shalt  }
0x5a: {  	_ =	shalt  }
0x5b: {  	_ =	shalt  }
0x5c: {  	_ =	shalt  }
0x5d: {  	_ =	shalt  }
0x5e: {  	_ =	shalt  }
0x5f: {  	_ =	shalt  }
0x60: {  	_ =	shalt  }
0x61: {  	_ =	shalt  }
0x62: {  	_ =	shalt  }
0x63: {  	_ =	shalt  }
0x64: {  	_ =	shalt  }
0x65: {  	_ =	shalt  }
0x66: {  	_ =	shalt  }
0x67: {  	_ =	shalt  }
0x68: {  	_ =	shalt  }
0x69: {  	_ =	shalt  }
0x6a: {  	_ =	shalt  }
0x6b: {  	_ =	shalt  }
0x6c: {  	_ =	shalt  }
0x6d: {  	_ =	shalt  }
0x6e: {  	_ =	shalt  }
0x6f: {  	_ =	shalt  }
0x70: {  	_ =	shalt  }
0x71: {  	_ =	shalt  }
0x72: {  	_ =	shalt  }
0x73: {  	_ =	shalt  }
0x74: {  	_ =	shalt  }
0x75: {  	_ =	shalt  }
0x76: {  	_ =	shalt  }
0x77: {  	_ =	shalt  }
0x78: {  	_ =	shalt  }
0x79: {  	_ =	shalt  }
0x7a: {  	_ =	shalt  }
0x7b: {  	_ =	shalt  }
0x7c: {  	_ =	shalt  }
0x7d: {  	_ =	shalt  }
0x7e: {  	_ =	shalt  }
0x7f: {  	_ =	shalt  }
0x80: {  	_ =	shalt  }
0x81: {  	_ =	shalt  }
0x82: {  	_ =	shalt  }
0x83: {  	_ =	shalt  }
0x84: {  	_ =	shalt  }
0x85: {  	_ =	shalt  }
0x86: {  	_ =	shalt  }
0x87: {  	_ =	shalt  }
.Lfunc_end0:
.L_simem_size_0:
called_computation_lowered:
.L_overlay_start_0:
0x88: {  	s2 =	sld [smem:$0x3FD9]  }
0x89: {  	s3 =	sld [smem:$0x3FFE];
	_ =	sdelay $0x1  }
0x8a: {  	s1 =	srdreg.scid  }
0x8b: {  	s0 =	sand.u32 $0x1, s1  }
0x8c: {  	s17 =	sshll.u32 s0, $0xA;
	s2 =	sadd.s32 s3, s2  }
0x8d: {  	s2 =	sadd.s32 s2, s17  }
0x8e: {  	[smem:$0x3FC6] =	sst s2  }
0x8f: {  	_ = 	snop  }
0x90: {  	s2 =	sld [smem:$0x3FD0];
	(tm) =	ssettm $0x1  }
0x91: {  	s18 =	sld [smem:$0x3FFB];
	_ =	sdelay $0x3  }
0x92: {  	_ =	strace s18  }
0x93: {  	s3 =	sld [smem:$0x3FFC];
	_ =	sdelay $0x3  }
0x94: {  	_ =	strace s3  }
0x95: {  	s3 =	sld [smem:$0x3FFD];
	_ =	sdelay $0x3  }
0x96: {  	_ =	strace s3  }
0x97: {  	_ =	strace $0x8FFFFFFF  }
0x98: {  	s19 =	sld [smem:$0x3FDB];
	_ =	sdelay $0x1  }
0x99: {  	s4 =	simm.s32 $_scs_section_size  }
0x9a: {  	s5 =	simm.s32 $_size__tile_overlayer_lowered;
	s6 =	simm.s32 $_tile_overlayer_lowered  }
0x9b: {  	s22 =	simm.s32 $0x1BFF;
	s21 =	sshll.u32 s6, $0x1;
	s3 =	sadd.s32 s4, s19  }
0x9c: {  	s7 =	simm.s32 $0x0;
	s20 =	sshll.u32 s5, $0x1;
	s5 =	sadd.s32 s21, s3  }
0x9d: {  	[timem:s7], [sflag:s22] =	dma.local [hbm:s5], s20  }
0x9e: {  	_ =	swait.ge [sflag:s22], s20  }
0x9f: {  	s4 =	ssub.s32 $0x0, s20;
	[sflag:s22] =	ssyncset.done $0x0  }
0xa0: {  	[sflag:s22] =	ssyncadd.s32 s4;
	_ =	sdelay $0x1  }
0xa1: {  	s23 =	simm.s32 $0x1B8B  }
0xa2: {  	_ =	swait.ge [sflag:s23], $0x1  }
0xa3: {  	[sflag:s23] =	ssyncset.done $0x0  }
0xa4: {  	s25 =	simm.s32 $0x1B8E;
	s24 =	sld [smem:$0x3FFE];
	[sflag:s23] =	ssyncadd.s32 $0xFFFFFFFF  }
0xa5: {  	s26 =	simm.s32 $execute0_lowered;
	[smem:$0x3FD2] =	sst s25  }
0xa6: {  	s5 =	sshll.u32 s26, $0x1;
	_ =	strace $0x80000046;
	[dreg:$0x1] =	wrdreg $0xFFFFFFFF  }
0xa7: {  	s28 =	simm.s32 $_size_execute0_lowered;
	s3 =	sadd.s32 s3, s5;
	[dreg:$0x0] =	wrdreg $0x0  }
0xa8: {  	s5 =	sshll.u32 s28, $0x1;
	[dreg:$0x2] =	wrdreg s3  }
0xa9: {  	[dreg:$0x3] =	wrdreg s5  }
0xaa: {  	[dreg:$0x4] =	wrdreg $0xC0  }
0xab: {  	_ =	task [dreg:s7], $0x5FFFF  }
0xac: {  	[dreg:$0x1] =	wrdreg $0xFFFFFFFF  }
0xad: {  	[dreg:$0x0] =	wrdreg $0x60  }
0xae: {  	[dreg:$0x2] =	wrdreg s2  }
0xaf: {  	[dreg:$0x3] =	wrdreg s24  }
0xb0: {  	[dreg:$0x4] =	wrdreg $0x9  }
0xb1: {  	_ =	task.clear_ibuf [dreg:s7], $0x5FFFF;
	_ =	strace $0x90000046  }
0xb2: {  	s29 =	simm.s32 $0x9;
	_ =	strace $0x80000048  }
0xb3: {  	_ =	swait.ge [sflag:s29], $0x1  }
0xb4: {  	[sflag:s29] =	ssyncadd.s32 $0xFFFFFFFF  }
0xb5: {  	_ =	strace $0x90000048  }
0xb6: {  	_ =	sfence  }
0xb7: {  	s30 =	sld [smem:$0x0];
	_ =	sdelay $0x2  }
0xb8: {  	s31 =	sshll.u32 s1, $0xD;
	s1 =	sshrl.u32 s1, $0x2  }
0xb9: {  	s3 =	sand.u32 $0x4000, s31;
	s1 =	sadd.s32 s1, s30  }
0xba: {  	s0 =	sor.u32 s3, s0;
	s1 =	sshll.u32 s1, $0x11  }
0xbb: {  	s0 =	sor.u32 s1, s0  }
0xbc: {  	s0 =	sadd.s32 $0x8F2B, s0  }
0xbd: {  	[sflag:s0] =	ssyncadd.remote.s32 $0x1  }
0xbe: {  	_ =	sfence.sel $0xFFFF  }
0xbf: {  	[dreg:$0x0] =	wrdreg $0xFFFFFFFF;
	(pc) =	sbr.abs _section_cstart, $3  }
0xc0: {  	[dreg:$0x1] =	wrdreg $0xFFFFFFFF  }
0xc1: {  	_ =	task.clear_ibuf [dreg:s7], $0x2FFFF;
	_ =	strace $0x9FFFFFFF  }
0xc2: {  	(tm) =	ssettm $0x7FFFFFFF  }
0xc3: {  	_ =	shalt  }
tec
execute0_lowered:
.L_overlay_start_1:
0x0: {  	(tag) =	ssettag $0x1  }
0x1: {  	s0 =	rddreg [dreg:$0x0]  }
0x2: {  	s1 =	rddreg [dreg:$0x1]  }
0x3: {  	s2 =	simm.s32 $0x0;
	s3 =	srdreg.scid;
	s16 =	stileid.u32  }
0x4: {  	s17 =	simm.s32 $0x7;
	s18 =	simm.s32 $0x3E00;
	s19 =	simm.s32 $0x7C00  }
0x5: {  	s20 =	simm.s32 $0x1;
	s21 =	simm.s32 $0xBA00;
	s22 =	simm.s32 $0x4  }
0x6: {  	s23 =	simm.s32 $0x2;
	s24 =	simm.s32 $0xF800;
	s26 =	simm.s32 $0x13600  }
0x7: {  	s31 =	simm.s32 $0x5;
	[smem:$0x7FF] =	sst s2;
	s3 =	sand.u32 $0x1, s3  }
0x8: {  	s4 =	sshll.u32 s16, $0x1;
	s12 =	sadd.s32 $0xA00, s1;
	s14 =	sadd.s32 $0x3DA90, s1  }
0x9: {  	p0 =	seq.s32 s16, $0xF;
	_ =	strace $0x80000047;
	s25 =	sor.u32 s3, s4  }
0xa: {  	s5 =	ssub.s32 $0x2, s3;
	s3 =	sadd.s32 $0x600, s1;
	s8 =	smul.u32 $0x7C0, s25  }
0xb: {  	s4 =	sadd.s32 $0x800, s1;
	s6 =	sshrl.u32 s5, $0x1;
	p1 =	sne.s32 s25, $0x1F  }
0xc: {  	s25 =	simm.s32 $0x3;
	s15 =	ssub.s32 s5, s6;
	s5 =	sadd.s32 s0, s8  }
.Ltmp0:
0xd: {  	s10 =	sadd.s32 $0xF800, s8;
	s11 =	sadd.s32 $0x1F000, s8;
	(pc) =	sbr.rel .LBB2_1-.Ltmp0, $4  }
0xe: {  	s13 =	sadd.s32 $0x2E800, s8;
	s8 =	sadd.s32 s12, s8;
	s15 =	smax.u32 s15, $0x1  }
0xf: {  	s6 =	sadd.s32 s0, s10;
	s7 =	sadd.s32 s0, s11;
	s9 =	sadd.s32 s0, s13  }
0x10: {  	s10 =	sadd.s32 s12, s10;
	s11 =	sadd.s32 s12, s11;
	s12 =	sadd.s32 s12, s13  }
0x11: {  	s13 =	sadd.s32 $0x3DA80, s1;
	s0 =	simm.s32 $0x6;
	s1 =	simm.s32 $0x0  }
.LBB2_13:
0x12: {  	_ =	swait.ge [sflag:s31], $0x3E00  }
0x13: {  	[sflag:s31] =	ssyncset.done $0x0  }
0x14: {  	s1 =	sadd.s32 $0x1, s1;
	[sflag:s31] =	ssyncadd.s32 $0xFFFFC200  }
0x15: {  	p2 =	sne.s32 s1, s15;
	_ =	swait.ge [sflag:s0], $0x3E00  }
.Ltmp1:
0x16: {  	[sflag:s0] =	ssyncset.done $0x0;
	(pc) =	sbr.rel @!p2 .LBB2_14-.Ltmp1, $4  }
0x17: {  	s16 =	simm.s32 @!p0 $0x4;
	[sflag:s0] =	ssyncadd.s32 $0xFFFFC200  }
0x18: {  	_ =	swait.ge @!p0 [sflag:s16], $0x3E00  }
0x19: {  	[sflag:s16] =	ssyncset.done @!p0 $0x0  }
0x1a: {  	[sflag:s16] =	ssyncadd.s32 @!p0 $0xFFFFC200  }
.LBB2_1:
0x1b: {  	s16 =	simm.s32 $0x17400  }
0x1c: {  	[tilespmem:s16], [sflag:$0x7] =	stream.linear.gather [hbm4b:s4+s2], $0x10, $0x38;
	[tilespmem:$0x17510] =	vst v63  }
0x1d: {  	_ =	swait.ge [sflag:s17], $0x10  }
0x1e: {  	[sflag:s17] =	ssyncset.done $0x0  }
0x1f: {  	[sflag:s17] =	ssyncadd.s32 $0xFFFFFFF0  }
0x20: {  	v0 =	vld [tilespmem:$0x17400];
	[tilespmem:s2], [sflag:$0x1] =	stream.linear.gather [hbm4b:s5+s2], $0x3E00, $0x38  }
0x21: {  	_ = 	snop  }
0x22: {  	[tilespmem:s18], [sflag:$0x2] =	stream.linear.gather [hbm4b:s6+s2], $0x3E00, $0x38;
	[tilespmem:$0x17510] =	vst v63  }
0x23: {  	_ = 	snop  }
0x24: {  	[tilespmem:s19], [sflag:$0x3] =	stream.linear.gather [hbm4b:s7+s2], $0x3E00, $0x38;
	[tilespmem:$0x17510] =	vst v63  }
0x25: {  	_ =	swait.ge [sflag:s20], $0x3E00  }
0x26: {  	[sflag:s20] =	ssyncset.done $0x0  }
0x27: {  	s28 =	simm.s32 $0x0;
	[sflag:s20] =	ssyncadd.s32 $0xFFFFC200  }
0x28: {  	v5 =	vld [tilespmem:s28+$0x50]  }
0x29: {  	v6 =	vld [tilespmem:s28+$0xD0]  }
0x2a: {  	v7 =	vld [tilespmem:s28+$0xF0]  }
0x2b: {  	v9 =	vld [tilespmem:s28+$0x70]  }
0x2c: {  	v17 =	vld [tilespmem:s28+$0x60]  }
0x2d: {  	v3 =	vld [tilespmem:s28+$0x80]  }
0x2e: {  	v24 =	vld [tilespmem:s28+$0x0];
	v1 =	vmul.f32 v6, v6;
	v2 =	vmul.f32 v5, v5  }
0x2f: {  	v22 =	vld [tilespmem:s28+$0xA0]  }
0x30: {  	v4 =	vld [tilespmem:s28+$0x90];
	v8 =	vadd.f32 v1, v2  }
0x31: {  	v26 =	vld [tilespmem:s28+$0xB0]  }
0x32: {  	v19 =	vld [tilespmem:s28+$0x30];
	v1 =	vshrl.u32 v8, $0x1  }
0x33: {  	v29 =	vld [tilespmem:s28+$0xC0];
	v12 =	vmul.f32 v7, v7;
	v13 =	vmul.f32 v9, v9;
	v10 =	vsub.s32 $0x5F3759DF, v1  }
0x34: {  	v18 =	vld [tilespmem:s28+$0xE0];
	v11 =	vmul.f32 $5.000000000e-01, v8;
	v1 =	vmul.f32 v10, v10  }
0x35: {  	v15 =	vmul.f32 v17, v17;
	v16 =	vmul.f32 v22, v22  }
0x36: {  	v0 =	vmax.f32 v0, $9.999999770e-03;
	v25 =	vmul.f32 v4, v4;
	v14 =	vmul.f32 v1, v11  }
0x37: {  	v27 =	vmul.f32 v26, v26;
	v31 =	vmul.f32 v24, v24;
	v2 =	vld [tilespmem:s28+$0x10];
	v12 =	vadd.f32 v12, v13  }
0x38: {  	v32 =	vmul.f32 v19, v19;
	v33 =	vmul.f32 v29, v29;
	v14 =	vsub.f32 $1.500000000e+00, v14  }
0x39: {  	v34 =	vmul.f32 v18, v18;
	v13 =	vmul.f32 v3, v3;
	v20 =	vshrl.u32 v12, $0x1  }
0x3a: {  	v32 =	vadd.f32 v27, v32;
	v10 =	vmul.f32 v10, v14;
	v14 =	vsub.s32 $0x5F3759DF, v20  }
0x3b: {  	v15 =	vadd.f32 v34, v15;
	v23 =	vmul.f32 $5.000000000e-01, v12;
	v20 =	vmul.f32 v14, v14  }
0x3c: {  	vm0 =	vge.f32 v32, $1.000000020e-24;
	v13 =	vadd.f32 v13, v31;
	v21 =	vmul.f32 v2, v2  }
0x3d: {  	v28 =	vld [tilespmem:s28+$0x40];
	v54 =	vshrl.u32 v15, $0x1;
	v30 =	vmul.f32 v10, v10;
	v20 =	vmul.f32 v20, v23  }
0x3e: {  	vm1 =	vge.f32 v8, $1.000000020e-24;
	v55 =	vshrl.u32 v13, $0x1;
	v21 =	vadd.f32 v25, v21  }
0x3f: {  	v34 =	vsub.s32 $0x5F3759DF, v55;
	v11 =	vmul.f32 v30, v11;
	v20 =	vsub.f32 $1.500000000e+00, v20  }
0x40: {  	v41 =	vmul.f32 $5.000000000e-01, v13;
	v38 =	vmul.f32 v34, v34;
	v8 =	vshrl.u32 v21, $0x1  }
0x41: {  	v36 =	vmul.f32 $5.000000000e-01, v21;
	v11 =	vsub.f32 $1.500000000e+00, v11;
	v14 =	vmul.f32 v14, v20  }
0x42: {  	v27 =	vld [tilespmem:s28+$0x20];
	vm2 =	vge.f32 v21, $1.000000020e-24;
	v21 =	vmul.f32 v38, v41;
	v30 =	vmul.f32 v28, v28  }
0x43: {  	v1 =	vmin.f32 v0, $9.990000120e-01;
	v10 =	vmul.f32 v11, v10;
	v11 =	vmul.f32 v14, v14  }
0x44: {  	v0 =	vmul.f32 $9.999999950e+11, v1;
	v8 =	vsub.s32 $0x5F3759DF, v8;
	v21 =	vsub.f32 $1.500000000e+00, v21  }
0x45: {  	v25 =	vadd.f32 v33, v30;
	v20 =	vshrl.u32 v32, $0x1;
	v11 =	vmul.f32 v11, v23  }
0x46: {  	v30 =	vsub.s32 $0x5F3759DF, v20;
	v20 =	vmul.f32 $5.000000000e-01, v32;
	v10 =	vmul.f32 v10, v1  }
0x47: {  	v53 =	vmul.f32 v30, v30;
	v23 =	vmul.f32 v27, v27;
	v11 =	vsub.f32 $1.500000000e+00, v11  }
0x48: {  	v37 =	vmul.f32 v8, v8;
	v34 =	vmul.f32 v34, v21;
	v10 =	vsel vm1, v10, v0  }
0x49: {  	v23 =	vadd.f32 v16, v23;
	v16 =	vmul.f32 v53, v20;
	v11 =	vmul.f32 v11, v14  }
0x4a: {  	v31 =	vshrl.u32 v25, $0x1;
	v32 =	vsub.s32 $0x5F3759DF, v54;
	v5 =	vmul.f32 v10, v5  }
0x4b: {  	v14 =	vsub.s32 $0x5F3759DF, v31;
	v43 =	vsub.f32 $1.500000000e+00, v16;
	v11 =	vmul.f32 v11, v1  }
0x4c: {  	vm1 =	vge.f32 v12, $1.000000020e-24;
	v12 =	vmul.f32 $5.000000000e-01, v25;
	[tilespmem:s28+$0xBA50] =	vst v5;
	v5 =	vmul.f32 v14, v14  }
0x4d: {  	v57 =	vmul.f32 v32, v32;
	v30 =	vmul.f32 v30, v43;
	v11 =	vsel vm1, v11, v0  }
0x4e: {  	s29 =	simm.s32 $0x100;
	v35 =	vshrl.u32 v23, $0x1;
	v5 =	vmul.f32 v5, v12;
	v39 =	vmul.f32 v11, v7  }
0x4f: {  	v33 =	vld [tilespmem:s29+$0xF0];
	v40 =	vsub.s32 $0x5F3759DF, v35;
	v35 =	vmul.f32 v11, v9;
	v9 =	vmul.f32 v37, v36  }
0x50: {  	v10 =	vmul.f32 v10, v6;
	v31 =	vmul.f32 $5.000000000e-01, v15;
	v7 =	vld [tilespmem:s29+$0x60];
	v56 =	vsub.f32 $1.500000000e+00, v5;
	[tilespmem:s28+$0xBAF0] =	vst v39  }
0x51: {  	v42 =	vmul.f32 $5.000000000e-01, v23;
	v43 =	vmul.f32 v30, v30;
	v9 =	vsub.f32 $1.500000000e+00, v9;
	v38 =	vld [tilespmem:s29+$0x50]  }
0x52: {  	v11 =	vmul.f32 v40, v40;
	v14 =	vmul.f32 v14, v56;
	v5 =	vld [tilespmem:s29+$0x80]  }
0x53: {  	vm4 =	vge.f32 v15, $1.000000020e-24;
	v39 =	vmul.f32 v57, v31;
	v16 =	vld [tilespmem:s29+$0xD0];
	v37 =	vmul.f32 v8, v9  }
0x54: {  	vm3 =	vge.f32 v13, $1.000000020e-24;
	v6 =	vld [tilespmem:s29+$0x0];
	v9 =	vmul.f32 v11, v42;
	v11 =	vmul.f32 v14, v14  }
0x55: {  	v53 =	vmul.f32 v33, v33;
	v8 =	vld [tilespmem:s29+$0x90];
	[tilespmem:s28+$0xBAD0] =	vst v10;
	v58 =	vsub.f32 $1.500000000e+00, v39;
	v60 =	vmul.f32 v7, v7  }
0x56: {  	vm1 =	vmmov vm0;
	v10 =	vld [tilespmem:s29+$0xA0];
	v15 =	vmul.f32 v37, v37;
	v12 =	vmul.f32 v11, v12  }
0x57: {  	v51 =	vld [tilespmem:s29+$0x70];
	v9 =	vsub.f32 $1.500000000e+00, v9;
	v32 =	vmul.f32 v32, v58;
	v44 =	vmul.f32 v5, v5  }
0x58: {  	vm0 =	vmmov vm2;
	v13 =	vld [tilespmem:s29+$0x40];
	v15 =	vmul.f32 v15, v36;
	v59 =	vmul.f32 v16, v16  }
0x59: {  	vm2 =	vge.f32 v25, $1.000000020e-24;
	v11 =	vld [tilespmem:s29+$0x10];
	v40 =	vmul.f32 v40, v9;
	v46 =	vmul.f32 v38, v38  }
0x5a: {  	v45 =	vsub.f32 $1.500000000e+00, v12;
	v25 =	vmul.f32 v32, v32;
	v54 =	vmul.f32 v6, v6  }
0x5b: {  	v47 =	vsub.f32 $1.500000000e+00, v15;
	v15 =	vmul.f32 v40, v40;
	v48 =	vmul.f32 v10, v10  }
0x5c: {  	v9 =	vld [tilespmem:s29+$0xB0];
	v45 =	vmul.f32 v45, v14;
	v25 =	vmul.f32 v25, v31  }
0x5d: {  	v39 =	vadd.f32 v59, v46;
	v31 =	vmul.f32 v8, v8;
	v62 =	vmul.f32 v51, v51  }
0x5e: {  	vm5 =	vge.f32 v23, $1.000000020e-24;
	v12 =	vld [tilespmem:s29+$0x30];
	v63 =	vmul.f32 v13, v13;
	v61 =	vmul.f32 v11, v11  }
0x5f: {  	v49 =	vmul.f32 $5.000000000e-01, v39;
	v50 =	vshrl.u32 v39, $0x1;
	v42 =	vmul.f32 v15, v42  }
0x60: {  	v14 =	vld [tilespmem:s29+$0xC0];
	v25 =	vsub.f32 $1.500000000e+00, v25;
	v45 =	vmul.f32 v45, v1;
	vm6 =	vge.f32 v39, $1.000000020e-24  }
0x61: {  	v52 =	vmul.f32 v9, v9;
	v50 =	vsub.s32 $0x5F3759DF, v50;
	v56 =	vadd.f32 v31, v61  }
0x62: {  	v15 =	vld [tilespmem:s29+$0xE0];
	v31 =	vmul.f32 v50, v50;
	v25 =	vmul.f32 v25, v32;
	v45 =	vsel vm2, v45, v0  }
0x63: {  	v55 =	vmul.f32 v12, v12;
	v21 =	vsub.f32 $1.500000000e+00, v42;
	v29 =	vmul.f32 v45, v29  }
0x64: {  	v42 =	vadd.f32 v53, v62;
	v31 =	vmul.f32 v31, v49;
	v23 =	vmul.f32 v25, v1  }
0x65: {  	v57 =	vadd.f32 v52, v55;
	v25 =	vmul.f32 v14, v14;
	v21 =	vmul.f32 v21, v40  }
0x66: {  	v58 =	vshrl.u32 v42, $0x1;
	v36 =	vmul.f32 $5.000000000e-01, v42;
	v40 =	vsel vm4, v23, v0  }
0x67: {  	v31 =	vsub.f32 $1.500000000e+00, v31;
	v23 =	vmul.f32 v15, v15;
	v52 =	vmul.f32 v40, v17  }
0x68: {  	v17 =	vmul.f32 v43, v20;
	v20 =	vadd.f32 v25, v63;
	v25 =	vshrl.u32 v57, $0x1  }
0x69: {  	v31 =	vmul.f32 v50, v31;
	v50 =	vsub.s32 $0x5F3759DF, v58;
	v23 =	vadd.f32 v23, v60  }
0x6a: {  	v60 =	vmul.f32 v34, v34;
	v25 =	vsub.s32 $0x5F3759DF, v25;
	v58 =	vmul.f32 v21, v1  }
0x6b: {  	v61 =	vmul.f32 v50, v50;
	v62 =	vsub.f32 $1.500000000e+00, v17;
	v53 =	vmul.f32 v25, v25  }
0x6c: {  	vm2 =	vge.f32 v56, $1.000000020e-24;
	v17 =	vld [tilespmem:s29+$0x20];
	v59 =	vmul.f32 v31, v31;
	v41 =	vmul.f32 v60, v41  }
0x6d: {  	v43 =	vsel vm5, v58, v0;
	v63 =	vmul.f32 v61, v36;
	v30 =	vmul.f32 v62, v30  }
0x6e: {  	vm15 =	vge.f32 v57, $1.000000020e-24;
	v62 =	vmul.f32 v43, v22;
	v58 =	vmul.f32 v43, v27  }
0x6f: {  	v21 =	vadd.f32 v44, v54;
	v32 =	vmul.f32 v59, v49;
	v49 =	vmul.f32 v40, v18  }
0x70: {  	v41 =	vsub.f32 $1.500000000e+00, v41;
	v18 =	vmul.f32 $5.000000000e-01, v57;
	v57 =	vsub.f32 $1.500000000e+00, v63  }
0x71: {  	v63 =	vshrl.u32 v21, $0x1;
	v32 =	vsub.f32 $1.500000000e+00, v32;
	v60 =	vmul.f32 v17, v17  }
0x72: {  	v61 =	vmul.f32 v41, v34;
	v43 =	vmul.f32 v53, v18;
	v27 =	vsub.s32 $0x5F3759DF, v63  }
0x73: {  	v44 =	vmul.f32 v50, v57;
	v50 =	vmul.f32 v30, v1;
	v30 =	vshrl.u32 v20, $0x1  }
0x74: {  	[tilespmem:s28+$0xBAE0] =	vst v49;
	v49 =	vmul.f32 v27, v27;
	v31 =	vmul.f32 v32, v31;
	v32 =	vshrl.u32 v23, $0x1  }
0x75: {  	v41 =	vsub.s32 $0x5F3759DF, v30;
	v30 =	vmul.f32 $5.000000000e-01, v23;
	v57 =	vmul.f32 v44, v44  }
0x76: {  	v39 =	vmul.f32 v61, v1;
	v34 =	vsub.s32 $0x5F3759DF, v32;
	v32 =	vmul.f32 $5.000000000e-01, v56  }
0x77: {  	v61 =	vsel vm1, v50, v0;
	v59 =	vmul.f32 v31, v1;
	v36 =	vmul.f32 v57, v36  }
0x78: {  	v22 =	vadd.f32 v48, v60;
	v60 =	vmul.f32 v41, v41;
	v46 =	vmul.f32 v61, v26  }
0x79: {  	v26 =	vmul.f32 $5.000000000e-01, v21;
	v40 =	vsel vm6, v59, v0;
	v59 =	vsub.f32 $1.500000000e+00, v36  }
0x7a: {  	[tilespmem:s28+$0xBA60] =	vst v52;
	v31 =	vshrl.u32 v56, $0x1;
	v63 =	vmul.f32 v61, v19;
	v57 =	vmul.f32 v47, v37  }
0x7b: {  	[tilespmem:s28+$0xBAA0] =	vst v62;
	v31 =	vsub.s32 $0x5F3759DF, v31;
	v54 =	vmul.f32 v40, v38;
	v37 =	vmul.f32 v59, v44  }
0x7c: {  	[tilespmem:s28+$0xBA20] =	vst v58;
	v48 =	vshrl.u32 v22, $0x1;
	v47 =	vmul.f32 v31, v31;
	v36 =	vmul.f32 $5.000000000e-01, v20  }
0x7d: {  	v38 =	vsub.s32 $0x5F3759DF, v48;
	v48 =	vsel vm3, v39, v0;
	[tilespmem:s29+$0xBA50] =	vst v54;
	v62 =	vmul.f32 v37, v1  }
0x7e: {  	vm1 =	vge.f32 v42, $1.000000020e-24;
	v42 =	vmul.f32 v60, v36;
	[tilespmem:s28+$0xBAC0] =	vst v29;
	v29 =	vmul.f32 v48, v24  }
0x7f: {  	[tilespmem:s28+$0xBA70] =	vst v35;
	v35 =	vmul.f32 v57, v1;
	v37 =	vmul.f32 v45, v28;
	v28 =	vsel vm1, v62, v0  }
0x80: {  	s30 =	simm.s32 $0x800;
	[tilespmem:s28+$0xBA30] =	vst v63;
	vm1 =	vmmov vm15;
	v19 =	vmul.f32 v28, v51;
	v28 =	vmul.f32 v28, v33  }
.LBB2_2:
0x81: {  	s16 =	sshra.s32 s30, $0x2;
	p2 =	sne.s32 s30, $0xF400;
	s30 =	sadd.s32 $0x400, s30;
	v33 =	vmul.f32 v47, v32;
	v39 =	vmul.f32 v38, v38;
	[tilespmem:s28+$0xBAB0] =	vst v46  }
0x82: {  	v44 =	vmul.f32 v49, v26;
	v45 =	vmul.f32 v34, v34;
	v24 =	vld [tilespmem:s16+$0xF0];
	v46 =	vsel vm0, v35, v0;
	[tilespmem:s28+$0xBA40] =	vst v37  }
0x83: {  	v40 =	vmul.f32 v40, v16;
	v16 =	vmul.f32 v48, v3;
	v3 =	vmovc v5;
	v37 =	vsub.f32 $1.500000000e+00, v42;
	v47 =	vld [tilespmem:s16+$0x60];
	[tilespmem:s29+$0xBAF0] =	vst v28  }
0x84: {  	v48 =	vmul.f32 $5.000000000e-01, v22;
	v28 =	vsub.f32 $1.500000000e+00, v33;
	v33 =	vmul.f32 v46, v4;
	v4 =	vmovc v8;
	v35 =	vld [tilespmem:s16+$0x50];
	[tilespmem:s28+$0xBA00] =	vst v29  }
0x85: {  	v8 =	vsub.f32 $1.500000000e+00, v43;
	v43 =	vmul.f32 v41, v37;
	v37 =	vmul.f32 v46, v2;
	v2 =	vmovc v11;
	v5 =	vld [tilespmem:s16+$0x80];
	[tilespmem:s28+$0xBA80] =	vst v16  }
0x86: {  	vm4 =	vge.f32 v23, $1.000000020e-24;
	v11 =	vmul.f32 v39, v48;
	v29 =	vmul.f32 v31, v28;
	v16 =	vld [tilespmem:s16+$0xD0];
	[tilespmem:s28+$0xBA90] =	vst v33  }
0x87: {  	vm0 =	vmmov vm2;
	v31 =	vmul.f32 v25, v8;
	v23 =	vmul.f32 v43, v43;
	v28 =	vld [tilespmem:s16+$0x0];
	[tilespmem:s28+$0xBA10] =	vst v37;
	s28 =	smov.u32 s29;
	s29 =	smov.u32 s16  }
0x88: {  	v33 =	vsub.f32 $1.500000000e+00, v11;
	v25 =	vmul.f32 v29, v29;
	v37 =	vmul.f32 v45, v30;
	v8 =	vld [tilespmem:s29+$0x90];
	[tilespmem:s28+$0xBAD0] =	vst v40  }
0x89: {  	v40 =	vmul.f32 v31, v31;
	v23 =	vmul.f32 v23, v36;
	v41 =	vld [tilespmem:s29+$0xA0]  }
0x8a: {  	v25 =	vmul.f32 v25, v32;
	v39 =	vsub.f32 $1.500000000e+00, v37;
	v46 =	vmul.f32 v5, v5;
	v11 =	vld [tilespmem:s29+$0x10]  }
0x8b: {  	v38 =	vmul.f32 v38, v33;
	v23 =	vsub.f32 $1.500000000e+00, v23;
	v36 =	vld [tilespmem:s29+$0x20];
	v42 =	vmul.f32 v16, v16  }
0x8c: {  	v45 =	vmul.f32 v35, v35;
	v32 =	vsub.f32 $1.500000000e+00, v25;
	v25 =	vmul.f32 v34, v39;
	v37 =	vld [tilespmem:s29+$0xB0]  }
0x8d: {  	vm2 =	vge.f32 v20, $1.000000020e-24;
	v49 =	vmul.f32 v47, v47;
	v50 =	vmul.f32 v38, v38;
	v34 =	vld [tilespmem:s29+$0xE0]  }
0x8e: {  	v52 =	vadd.f32 v42, v45;
	v20 =	vmul.f32 v25, v25;
	v51 =	vmul.f32 v41, v41;
	v33 =	vld [tilespmem:s29+$0x30]  }
0x8f: {  	v54 =	vsub.f32 $1.500000000e+00, v44;
	v43 =	vmul.f32 v23, v43;
	v53 =	vmul.f32 v11, v11;
	v42 =	vld [tilespmem:s29+$0xC0]  }
0x90: {  	v55 =	vmul.f32 $5.000000000e-01, v52;
	v23 =	vshrl.u32 v52, $0x1;
	v20 =	vmul.f32 v20, v30;
	v39 =	vld [tilespmem:s29+$0x70]  }
0x91: {  	vm3 =	vge.f32 v21, $1.000000020e-24;
	v21 =	vmul.f32 v50, v48;
	v30 =	vmul.f32 v8, v8  }
0x92: {  	v50 =	vmul.f32 v24, v24;
	v48 =	vmul.f32 v37, v37;
	v20 =	vsub.f32 $1.500000000e+00, v20  }
0x93: {  	v56 =	vmul.f32 v28, v28;
	v23 =	vsub.s32 $0x5F3759DF, v23;
	v57 =	vmul.f32 v33, v33;
	v45 =	vld [tilespmem:s29+$0x40]  }
0x94: {  	v44 =	vadd.f32 v30, v53;
	v30 =	vmul.f32 v23, v23;
	v20 =	vmul.f32 v20, v25  }
0x95: {  	v27 =	vmul.f32 v27, v54;
	v21 =	vsub.f32 $1.500000000e+00, v21;
	v25 =	vmul.f32 v39, v39  }
0x96: {  	vm5 =	vge.f32 v22, $1.000000020e-24;
	v30 =	vmul.f32 v30, v55;
	v20 =	vmul.f32 v20, v1  }
0x97: {  	v21 =	vmul.f32 v21, v38;
	v22 =	vmul.f32 v42, v42;
	v50 =	vadd.f32 v50, v25  }
0x98: {  	v30 =	vsub.f32 $1.500000000e+00, v30;
	v38 =	vsel vm4, v20, v0;
	v25 =	vmul.f32 v45, v45  }
0x99: {  	v48 =	vadd.f32 v48, v57;
	v20 =	vmul.f32 v34, v34;
	v53 =	vshrl.u32 v50, $0x1  }
0x9a: {  	v30 =	vmul.f32 v23, v30;
	v54 =	vmul.f32 v38, v7;
	v7 =	vmovc v47;
	v53 =	vsub.s32 $0x5F3759DF, v53  }
0x9b: {  	v18 =	vmul.f32 v40, v18;
	v23 =	vadd.f32 v20, v49;
	v47 =	vmul.f32 $5.000000000e-01, v50  }
0x9c: {  	v40 =	vmul.f32 v27, v27;
	v20 =	vadd.f32 v22, v25;
	v22 =	vmul.f32 v30, v30;
	[tilespmem:s28+$0xBA60] =	vst v54  }
0x9d: {  	v25 =	vshrl.u32 v48, $0x1;
	v49 =	vmul.f32 v53, v53;
	v54 =	vsub.f32 $1.500000000e+00, v18  }
0x9e: {  	v25 =	vsub.s32 $0x5F3759DF, v25;
	v18 =	vmul.f32 v22, v55;
	v22 =	vmul.f32 v40, v26  }
0x9f: {  	vm4 =	vge.f32 v48, $1.000000020e-24;
	v38 =	vmul.f32 v38, v15;
	v15 =	vmovc v34;
	v26 =	vmul.f32 v49, v47  }
0xa0: {  	v34 =	vmul.f32 v25, v25;
	v40 =	vsub.f32 $1.500000000e+00, v18;
	v22 =	vsub.f32 $1.500000000e+00, v22  }
0xa1: {  	v18 =	vmul.f32 $5.000000000e-01, v48;
	v48 =	vmul.f32 v43, v1;
	v26 =	vsub.f32 $1.500000000e+00, v26;
	[tilespmem:s28+$0xBAE0] =	vst v38  }
0xa2: {  	v30 =	vmul.f32 v40, v30;
	v40 =	vmul.f32 v21, v1;
	v38 =	vshrl.u32 v23, $0x1  }
0xa3: {  	v31 =	vmul.f32 v54, v31;
	v21 =	vadd.f32 v46, v56;
	v26 =	vmul.f32 v53, v26  }
0xa4: {  	vm6 =	vge.f32 v52, $1.000000020e-24;
	v30 =	vmul.f32 v30, v1;
	v43 =	vsel vm5, v40, v0  }
0xa5: {  	v46 =	vmul.f32 v36, v36;
	v49 =	vmul.f32 v31, v1;
	v40 =	vshrl.u32 v44, $0x1  }
0xa6: {  	v52 =	vmul.f32 v22, v27;
	v31 =	vsub.s32 $0x5F3759DF, v40;
	v40 =	vsel vm6, v30, v0  }
0xa7: {  	v27 =	vshrl.u32 v20, $0x1;
	v53 =	vmul.f32 v43, v10;
	v10 =	vmovc v41;
	v35 =	vmul.f32 v40, v35  }
0xa8: {  	v54 =	vshrl.u32 v21, $0x1;
	v55 =	vmul.f32 v26, v26;
	v56 =	vmul.f32 v43, v17;
	v17 =	vmovc v36  }
0xa9: {  	v22 =	vadd.f32 v51, v46;
	v41 =	vsub.s32 $0x5F3759DF, v27;
	v30 =	vmul.f32 $5.000000000e-01, v23;
	[tilespmem:s28+$0xBAA0] =	vst v53  }
0xaa: {  	v43 =	vmul.f32 v34, v18;
	v34 =	vsub.s32 $0x5F3759DF, v38;
	v36 =	vmul.f32 v55, v47;
	[tilespmem:s28+$0xBA20] =	vst v56  }
0xab: {  	v27 =	vsub.s32 $0x5F3759DF, v54;
	v38 =	vshrl.u32 v22, $0x1;
	[tilespmem:s29+$0xBA50] =	vst v35;
	v35 =	vmul.f32 v32, v29  }
0xac: {  	v51 =	vmul.f32 v52, v1;
	v32 =	vmul.f32 $5.000000000e-01, v44;
	v29 =	vsub.f32 $1.500000000e+00, v36  }
0xad: {  	v47 =	vmul.f32 v31, v31;
	v38 =	vsub.s32 $0x5F3759DF, v38;
	v36 =	vmul.f32 $5.000000000e-01, v20  }
0xae: {  	v52 =	vmul.f32 v41, v41;
	v26 =	vmul.f32 v29, v26;
	v29 =	vsel vm1, v49, v0  }
0xaf: {  	v53 =	vsel vm2, v48, v0;
	v49 =	vmul.f32 v27, v27;
	v46 =	vmul.f32 v29, v9;
	v9 =	vmovc v37  }
.Ltmp2:
0xb0: {  	v48 =	vsel vm3, v51, v0;
	v51 =	vmul.f32 v53, v14;
	v14 =	vmovc v42;
	v54 =	vmul.f32 v26, v1;
	(pc) =	sbr.rel @p2 .LBB2_2-.Ltmp2, $4  }
0xb1: {  	vm1 =	vge.f32 v50, $1.000000020e-24;
	v37 =	vmul.f32 v53, v13;
	v13 =	vmovc v45;
	v26 =	vmul.f32 $5.000000000e-01, v21  }
0xb2: {  	v42 =	vmul.f32 v52, v36;
	v50 =	vmul.f32 v29, v12;
	v45 =	vsel vm1, v54, v0;
	[tilespmem:s28+$0xBAC0] =	vst v51  }
0xb3: {  	vm2 =	vge.f32 v44, $1.000000020e-24;
	v29 =	vmul.f32 v48, v6;
	v6 =	vmovc v28;
	[tilespmem:s28+$0xBA70] =	vst v19;
	v19 =	vmul.f32 v45, v39  }
0xb4: {  	v35 =	vmul.f32 v35, v1;
	v12 =	vmovc v33;
	vm1 =	vmmov vm4;
	v28 =	vmul.f32 v45, v24;
	[tilespmem:s28+$0xBA30] =	vst v50  }
0xb5: {  	v24 =	vmul.f32 v34, v34  }
0xb6: {  	v33 =	vmul.f32 v38, v38  }
0xb7: {  	v39 =	vmul.f32 $5.000000000e-01, v22;
	v42 =	vsub.f32 $1.500000000e+00, v42;
	v24 =	vmul.f32 v24, v30  }
0xb8: {  	v44 =	vmul.f32 v47, v32;
	v45 =	vmul.f32 v49, v26  }
0xb9: {  	v16 =	vmul.f32 v40, v16;
	v41 =	vmul.f32 v41, v42;
	v24 =	vsub.f32 $1.500000000e+00, v24  }
0xba: {  	v3 =	vmul.f32 v48, v3;
	v63 =	vsub.f32 $1.500000000e+00, v43;
	v33 =	vmul.f32 v33, v39  }
0xbb: {  	v35 =	vsel vm0, v35, v0;
	v42 =	vmul.f32 v41, v41;
	v24 =	vmul.f32 v34, v24  }
0xbc: {  	v4 =	vmul.f32 v35, v4;
	v2 =	vmul.f32 v35, v2;
	v33 =	vsub.f32 $1.500000000e+00, v33  }
0xbd: {  	[tilespmem:s28+$0xBAB0] =	vst v46;
	v43 =	vsub.f32 $1.500000000e+00, v45;
	v35 =	vmul.f32 v42, v36;
	v34 =	vmul.f32 v24, v24  }
0xbe: {  	[tilespmem:s28+$0xBA40] =	vst v37;
	v62 =	vsub.f32 $1.500000000e+00, v44;
	v25 =	vmul.f32 v25, v63;
	v33 =	vmul.f32 v38, v33  }
0xbf: {  	[tilespmem:s29+$0xBAF0] =	vst v28;
	v27 =	vmul.f32 v27, v43;
	v28 =	vsub.f32 $1.500000000e+00, v35;
	v30 =	vmul.f32 v34, v30  }
0xc0: {  	v31 =	vmul.f32 v31, v62;
	v40 =	vmul.f32 v33, v33  }
0xc1: {  	[tilespmem:s28+$0xBA80] =	vst v3;
	v3 =	vmul.f32 v28, v41;
	v28 =	vmul.f32 v27, v27;
	v30 =	vsub.f32 $1.500000000e+00, v30  }
0xc2: {  	vm0 =	vge.f32 v23, $1.000000020e-24;
	v23 =	vmul.f32 v31, v31;
	v34 =	vmul.f32 v40, v39  }
0xc3: {  	[tilespmem:s28+$0xBA10] =	vst v2;
	v2 =	vmul.f32 v28, v26;
	v24 =	vmul.f32 v30, v24  }
0xc4: {  	v44 =	vsub.f32 $1.500000000e+00, v34;
	v30 =	vmul.f32 v25, v25  }
0xc5: {  	v23 =	vmul.f32 v23, v32;
	v2 =	vsub.f32 $1.500000000e+00, v2;
	v24 =	vmul.f32 v24, v1  }
0xc6: {  	[tilespmem:s28+$0xBA00] =	vst v29;
	v29 =	vmul.f32 v44, v33;
	v18 =	vmul.f32 v30, v18  }
0xc7: {  	v23 =	vsub.f32 $1.500000000e+00, v23;
	v2 =	vmul.f32 v2, v27;
	v24 =	vsel vm0, v24, v0  }
0xc8: {  	[tilespmem:s28+$0xBA90] =	vst v4;
	v4 =	vmul.f32 v24, v7;
	v7 =	vsub.f32 $1.500000000e+00, v18;
	v18 =	vmul.f32 v29, v1  }
0xc9: {  	[tilespmem:s29+$0xBAD0] =	vst v16;
	v3 =	vmul.f32 v3, v1;
	vm0 =	vge.f32 v22, $1.000000020e-24;
	v2 =	vmul.f32 v2, v1  }
0xca: {  	[tilespmem:s29+$0xBA70] =	vst v19;
	v15 =	vmul.f32 v24, v15;
	v7 =	vmul.f32 v7, v25;
	v16 =	vsel vm0, v18, v0  }
0xcb: {  	vm0 =	vge.f32 v20, $1.000000020e-24;
	[tilespmem:s29+$0xBA60] =	vst v4;
	v4 =	vmul.f32 v16, v10;
	v10 =	vmul.f32 v16, v17  }
0xcc: {  	[tilespmem:s29+$0xBAE0] =	vst v15;
	v3 =	vsel vm0, v3, v0;
	vm0 =	vge.f32 v21, $1.000000020e-24;
	v7 =	vmul.f32 v7, v1  }
0xcd: {  	v2 =	vsel vm0, v2, v0;
	[tilespmem:s29+$0xBAA0] =	vst v4;
	v4 =	vmul.f32 v3, v14  }
0xce: {  	[tilespmem:s29+$0xBA20] =	vst v10;
	v10 =	vmul.f32 v23, v31;
	v3 =	vmul.f32 v3, v13;
	v7 =	vsel vm1, v7, v0  }
0xcf: {  	v6 =	vmul.f32 v2, v6;
	v12 =	vmul.f32 v7, v12;
	[tilespmem:s29+$0xBAC0] =	vst v4  }
0xd0: {  	v4 =	vmul.f32 v7, v9;
	v7 =	vmul.f32 v10, v1;
	[tilespmem:s29+$0xBA40] =	vst v3  }
0xd1: {  	vm0 =	vmmov vm2;
	v2 =	vmul.f32 v2, v5;
	[tilespmem:s29+$0xBA00] =	vst v6  }
0xd2: {  	[tilespmem:s29+$0xBAB0] =	vst v4;
	v4 =	vsel vm0, v7, v0  }
0xd3: {  	[tilespmem:s29+$0xBA80] =	vst v2;
	v3 =	vmul.f32 v4, v8  }
0xd4: {  	[tilespmem:s29+$0xBA30] =	vst v12;
	v2 =	vmul.f32 v4, v11  }
0xd5: {  	[tilespmem:s29+$0xBA90] =	vst v3  }
0xd6: {  	[tilespmem:s29+$0xBA10] =	vst v2  }
0xd7: {  	[hbm4b:s8+s2] =	stream.linear.scatter [tilespmem:s21], [sflag:$0x4], $0x3E00, $0x38;
	[tilespmem:$0x17510] =	vst v63  }
0xd8: {  	_ =	swait.ge [sflag:s22], $0x3E00  }
0xd9: {  	[sflag:s22] =	ssyncset.done $0x0  }
0xda: {  	s16 =	simm.s32 @!p0 $0x0;
	[sflag:s22] =	ssyncadd.s32 $0xFFFFC200  }
0xdb: {  	[tilespmem:s16], [sflag:$0x1] =	stream.linear.gather @!p0 [hbm4b:s9+s16], $0x3E00, $0x38;
	[tilespmem:$0x17510] =	vst v63  }
0xdc: {  	_ =	swait.ge [sflag:s23], $0x3E00  }
0xdd: {  	[sflag:s23] =	ssyncset.done $0x0  }
0xde: {  	s28 =	simm.s32 $0x0;
	[sflag:s23] =	ssyncadd.s32 $0xFFFFC200  }
0xdf: {  	v5 =	vld [tilespmem:s28+$0x3E50]  }
0xe0: {  	v6 =	vld [tilespmem:s28+$0x3ED0]  }
0xe1: {  	v7 =	vld [tilespmem:s28+$0x3EF0]  }
0xe2: {  	v9 =	vld [tilespmem:s28+$0x3E70]  }
0xe3: {  	v17 =	vld [tilespmem:s28+$0x3E60]  }
0xe4: {  	v24 =	vld [tilespmem:s28+$0x3E00]  }
0xe5: {  	v22 =	vld [tilespmem:s28+$0x3EA0];
	v2 =	vmul.f32 v6, v6;
	v3 =	vmul.f32 v5, v5  }
0xe6: {  	v4 =	vld [tilespmem:s28+$0x3E90]  }
0xe7: {  	v26 =	vld [tilespmem:s28+$0x3EB0];
	v8 =	vadd.f32 v2, v3  }
0xe8: {  	v18 =	vld [tilespmem:s28+$0x3EE0]  }
0xe9: {  	v19 =	vld [tilespmem:s28+$0x3E30];
	v2 =	vshrl.u32 v8, $0x1  }
0xea: {  	v29 =	vld [tilespmem:s28+$0x3EC0];
	v13 =	vmul.f32 v7, v7;
	v14 =	vmul.f32 v9, v9;
	v10 =	vsub.s32 $0x5F3759DF, v2  }
0xeb: {  	v3 =	vld [tilespmem:s28+$0x3E80];
	v11 =	vmul.f32 $5.000000000e-01, v8;
	v12 =	vmul.f32 v10, v10  }
0xec: {  	v15 =	vmul.f32 v17, v17;
	v16 =	vmul.f32 v22, v22  }
0xed: {  	v25 =	vmul.f32 v4, v4;
	v12 =	vmul.f32 v12, v11  }
0xee: {  	v27 =	vmul.f32 v26, v26;
	v31 =	vmul.f32 v24, v24;
	v13 =	vadd.f32 v13, v14;
	v2 =	vld [tilespmem:s28+$0x3E10]  }
0xef: {  	v45 =	vmul.f32 v19, v19;
	v46 =	vmul.f32 v29, v29;
	v12 =	vsub.f32 $1.500000000e+00, v12  }
0xf0: {  	v47 =	vmul.f32 v18, v18;
	v20 =	vshrl.u32 v13, $0x1;
	v14 =	vmul.f32 v3, v3  }
0xf1: {  	v32 =	vadd.f32 v27, v45;
	v10 =	vmul.f32 v10, v12;
	v12 =	vsub.s32 $0x5F3759DF, v20  }
0xf2: {  	v23 =	vmul.f32 $5.000000000e-01, v13;
	v14 =	vadd.f32 v14, v31;
	v20 =	vmul.f32 v12, v12  }
0xf3: {  	v15 =	vadd.f32 v47, v15;
	vm1 =	vge.f32 v8, $1.000000020e-24;
	v21 =	vmul.f32 v2, v2  }
0xf4: {  	v28 =	vld [tilespmem:s28+$0x3E40];
	v50 =	vshrl.u32 v14, $0x1;
	v30 =	vmul.f32 v10, v10;
	v20 =	vmul.f32 v20, v23  }
0xf5: {  	v41 =	vmul.f32 $5.000000000e-01, v14;
	v21 =	vadd.f32 v25, v21;
	v34 =	vsub.s32 $0x5F3759DF, v50  }
0xf6: {  	v54 =	vmul.f32 v34, v34;
	v11 =	vmul.f32 v30, v11;
	v20 =	vsub.f32 $1.500000000e+00, v20  }
0xf7: {  	v8 =	vshrl.u32 v21, $0x1;
	v51 =	vmul.f32 $5.000000000e-01, v21;
	vm2 =	vge.f32 v21, $1.000000020e-24  }
0xf8: {  	v21 =	vmul.f32 v54, v41;
	v11 =	vsub.f32 $1.500000000e+00, v11;
	v12 =	vmul.f32 v12, v20  }
0xf9: {  	vm0 =	vge.f32 v32, $1.000000020e-24;
	v8 =	vsub.s32 $0x5F3759DF, v8;
	v30 =	vmul.f32 v28, v28  }
0xfa: {  	v27 =	vld [tilespmem:s28+$0x3E20];
	v21 =	vsub.f32 $1.500000000e+00, v21;
	v10 =	vmul.f32 v11, v10;
	v11 =	vmul.f32 v12, v12  }
0xfb: {  	v49 =	vshrl.u32 v15, $0x1;
	v52 =	vmul.f32 v8, v8;
	v25 =	vadd.f32 v46, v30  }
0xfc: {  	v20 =	vshrl.u32 v32, $0x1;
	v34 =	vmul.f32 v34, v21;
	v11 =	vmul.f32 v11, v23  }
0xfd: {  	v30 =	vsub.s32 $0x5F3759DF, v20;
	v20 =	vmul.f32 $5.000000000e-01, v32;
	v10 =	vmul.f32 v10, v1  }
0xfe: {  	v32 =	vsub.s32 $0x5F3759DF, v49;
	v48 =	vmul.f32 v30, v30;
	v11 =	vsub.f32 $1.500000000e+00, v11  }
0xff: {  	v58 =	vmul.f32 v32, v32;
	v23 =	vmul.f32 v27, v27;
	v10 =	vsel vm1, v10, v0  }
0x100: {  	vm1 =	vge.f32 v13, $1.000000020e-24;
	v13 =	vmul.f32 $5.000000000e-01, v25;
	v11 =	vmul.f32 v11, v12  }
0x101: {  	v5 =	vmul.f32 v10, v5;
	v23 =	vadd.f32 v16, v23;
	v16 =	vmul.f32 v48, v20  }
0x102: {  	v31 =	vshrl.u32 v25, $0x1;
	v10 =	vmul.f32 v10, v6;
	v11 =	vmul.f32 v11, v1  }
0x103: {  	v12 =	vsub.s32 $0x5F3759DF, v31;
	v31 =	vmul.f32 $5.000000000e-01, v15;
	v60 =	vsub.f32 $1.500000000e+00, v16  }
0x104: {  	[tilespmem:s28+$0xF850] =	vst v5;
	v59 =	vmul.f32 $5.000000000e-01, v23;
	v5 =	vmul.f32 v12, v12;
	v11 =	vsel vm1, v11, v0  }
0x105: {  	s29 =	simm.s32 $0x100;
	v30 =	vmul.f32 v30, v60;
	v55 =	vmul.f32 v11, v7  }
0x106: {  	vm4 =	vge.f32 v15, $1.000000020e-24;
	v33 =	vld [tilespmem:s29+$0x3EF0];
	v15 =	vmul.f32 v58, v31;
	v5 =	vmul.f32 v5, v13  }
0x107: {  	v53 =	vshrl.u32 v23, $0x1;
	v7 =	vld [tilespmem:s29+$0x3E60];
	v35 =	vmul.f32 v11, v9;
	v9 =	vmul.f32 v52, v51;
	[tilespmem:s28+$0xF8F0] =	vst v55  }
0x108: {  	v56 =	vsub.s32 $0x5F3759DF, v53;
	v15 =	vsub.f32 $1.500000000e+00, v15;
	v57 =	vsub.f32 $1.500000000e+00, v5;
	v38 =	vld [tilespmem:s29+$0x3E50]  }
0x109: {  	v39 =	vmul.f32 v30, v30;
	v11 =	vmul.f32 v56, v56;
	v9 =	vsub.f32 $1.500000000e+00, v9;
	v5 =	vld [tilespmem:s29+$0x3E80]  }
0x10a: {  	v32 =	vmul.f32 v32, v15;
	v37 =	vmul.f32 v12, v57;
	v16 =	vld [tilespmem:s29+$0x3ED0]  }
0x10b: {  	vm1 =	vmmov vm0;
	v52 =	vmul.f32 v33, v33;
	v6 =	vld [tilespmem:s29+$0x3E00];
	v44 =	vmul.f32 v8, v9  }
0x10c: {  	vm0 =	vmmov vm2;
	v9 =	vmul.f32 v11, v59;
	v11 =	vmul.f32 v37, v37;
	v8 =	vld [tilespmem:s29+$0x3E90];
	[tilespmem:s28+$0xF8D0] =	vst v10  }
0x10d: {  	vm2 =	vge.f32 v25, $1.000000020e-24;
	v25 =	vmul.f32 v32, v32;
	v10 =	vld [tilespmem:s29+$0x3EA0];
	v12 =	vmul.f32 v44, v44  }
0x10e: {  	v63 =	vmul.f32 v7, v7;
	v9 =	vsub.f32 $1.500000000e+00, v9;
	v13 =	vmul.f32 v11, v13  }
0x10f: {  	v43 =	vmul.f32 v5, v5;
	v12 =	vmul.f32 v12, v51  }
0x110: {  	v11 =	vld [tilespmem:s29+$0x3E10];
	v61 =	vmul.f32 v16, v16;
	v40 =	vmul.f32 v56, v9  }
0x111: {  	v13 =	vsub.f32 $1.500000000e+00, v13;
	v62 =	vmul.f32 v38, v38;
	v54 =	vmul.f32 v6, v6  }
0x112: {  	vm3 =	vge.f32 v14, $1.000000020e-24;
	v9 =	vld [tilespmem:s29+$0x3EB0];
	v15 =	vmul.f32 v40, v40;
	v48 =	vmul.f32 v10, v10  }
0x113: {  	v51 =	vld [tilespmem:s29+$0x3E70];
	v36 =	vadd.f32 v61, v62;
	v37 =	vmul.f32 v13, v37;
	v13 =	vmul.f32 v25, v31  }
0x114: {  	vm5 =	vge.f32 v23, $1.000000020e-24;
	v14 =	vld [tilespmem:s29+$0x3EC0];
	v25 =	vmul.f32 v8, v8;
	v62 =	vmul.f32 v34, v34  }
0x115: {  	v46 =	vsub.f32 $1.500000000e+00, v12;
	v12 =	vld [tilespmem:s29+$0x3E30];
	v57 =	vmul.f32 v11, v11;
	v49 =	vmul.f32 $5.000000000e-01, v36  }
0x116: {  	v50 =	vshrl.u32 v36, $0x1;
	v31 =	vmul.f32 v15, v59;
	v37 =	vmul.f32 v37, v1  }
0x117: {  	v53 =	vsub.f32 $1.500000000e+00, v13;
	v44 =	vmul.f32 v46, v44;
	v58 =	vmul.f32 v9, v9  }
0x118: {  	v50 =	vsub.s32 $0x5F3759DF, v50;
	v45 =	vadd.f32 v25, v57;
	v59 =	vmul.f32 v51, v51  }
0x119: {  	v13 =	vld [tilespmem:s29+$0x3E40];
	v25 =	vmul.f32 v50, v50;
	v32 =	vmul.f32 v53, v32;
	v21 =	vsub.f32 $1.500000000e+00, v31  }
0x11a: {  	v31 =	vmul.f32 v14, v14;
	v37 =	vsel vm2, v37, v0;
	v55 =	vmul.f32 v12, v12  }
0x11b: {  	v15 =	vld [tilespmem:s29+$0x3EE0];
	vm6 =	vge.f32 v36, $1.000000020e-24;
	v29 =	vmul.f32 v37, v29;
	v37 =	vmul.f32 v37, v28  }
0x11c: {  	v52 =	vadd.f32 v52, v59;
	v25 =	vmul.f32 v25, v49;
	v23 =	vmul.f32 v32, v1  }
0x11d: {  	vm2 =	vge.f32 v45, $1.000000020e-24;
	v21 =	vmul.f32 v21, v40;
	v32 =	vmul.f32 v62, v41  }
0x11e: {  	v60 =	vmul.f32 v13, v13;
	v42 =	vadd.f32 v58, v55;
	v53 =	vshrl.u32 v52, $0x1  }
0x11f: {  	v47 =	vmul.f32 $5.000000000e-01, v52;
	v25 =	vsub.f32 $1.500000000e+00, v25;
	v61 =	vsel vm4, v23, v0  }
0x120: {  	v23 =	vmul.f32 v15, v15;
	v53 =	vsub.s32 $0x5F3759DF, v53;
	v55 =	vmul.f32 v61, v17  }
0x121: {  	v32 =	vsub.f32 $1.500000000e+00, v32;
	v17 =	vmul.f32 v39, v20;
	v50 =	vmul.f32 v50, v25  }
0x122: {  	v20 =	vadd.f32 v31, v60;
	v23 =	vadd.f32 v23, v63;
	v63 =	vmul.f32 v53, v53  }
0x123: {  	vm15 =	vge.f32 v42, $1.000000020e-24;
	v56 =	vsub.f32 $1.500000000e+00, v17;
	v17 =	vld [tilespmem:s29+$0x3E20];
	v31 =	vmul.f32 v50, v50  }
0x124: {  	v25 =	vshrl.u32 v42, $0x1;
	v36 =	vmul.f32 v32, v34;
	v39 =	vmul.f32 v63, v47  }
0x125: {  	v32 =	vmul.f32 $5.000000000e-01, v45;
	v25 =	vsub.s32 $0x5F3759DF, v25;
	v31 =	vmul.f32 v31, v49  }
0x126: {  	v57 =	vmul.f32 v25, v25;
	v30 =	vmul.f32 v56, v30;
	v39 =	vsub.f32 $1.500000000e+00, v39  }
0x127: {  	v49 =	vmul.f32 v61, v18;
	v18 =	vmul.f32 $5.000000000e-01, v42;
	v31 =	vsub.f32 $1.500000000e+00, v31  }
0x128: {  	v42 =	vshrl.u32 v23, $0x1;
	v39 =	vmul.f32 v53, v39;
	v60 =	vmul.f32 v17, v17  }
0x129: {  	v34 =	vsub.s32 $0x5F3759DF, v42;
	v31 =	vmul.f32 v31, v50;
	v50 =	vmul.f32 v21, v1  }
0x12a: {  	v21 =	vadd.f32 v43, v54;
	v62 =	vmul.f32 v39, v39;
	v43 =	vmul.f32 v57, v18  }
0x12b: {  	v58 =	vmul.f32 v31, v1;
	v59 =	vsel vm5, v50, v0;
	v31 =	vshrl.u32 v45, $0x1  }
0x12c: {  	v50 =	vmul.f32 v30, v1;
	v30 =	vshrl.u32 v20, $0x1;
	v61 =	vshrl.u32 v21, $0x1  }
0x12d: {  	v54 =	vmul.f32 v59, v22;
	v63 =	vmul.f32 v59, v27;
	v40 =	vsel vm6, v58, v0  }
0x12e: {  	v31 =	vsub.s32 $0x5F3759DF, v31;
	v53 =	vmul.f32 v40, v38;
	v38 =	vmul.f32 v62, v47  }
0x12f: {  	v22 =	vadd.f32 v48, v60;
	v41 =	vsub.s32 $0x5F3759DF, v30;
	v30 =	vmul.f32 $5.000000000e-01, v23  }
0x130: {  	[tilespmem:s28+$0xF860] =	vst v55;
	v27 =	vsub.s32 $0x5F3759DF, v61;
	v61 =	vmul.f32 v36, v1;
	v60 =	vsub.f32 $1.500000000e+00, v38  }
0x131: {  	[tilespmem:s28+$0xF8E0] =	vst v49;
	v36 =	vmul.f32 $5.000000000e-01, v20;
	v50 =	vsel vm1, v50, v0;
	v49 =	vmul.f32 v27, v27  }
0x132: {  	vm1 =	vge.f32 v52, $1.000000020e-24;
	v47 =	vmul.f32 v31, v31;
	[tilespmem:s28+$0xF8A0] =	vst v54;
	v39 =	vmul.f32 v60, v39  }
0x133: {  	v59 =	vshrl.u32 v22, $0x1;
	v62 =	vmul.f32 v41, v41;
	v46 =	vmul.f32 v50, v26;
	[tilespmem:s28+$0xF820] =	vst v63  }
0x134: {  	v48 =	vsel vm3, v61, v0;
	v26 =	vmul.f32 $5.000000000e-01, v21;
	[tilespmem:s29+$0xF850] =	vst v53;
	v39 =	vmul.f32 v39, v1  }
0x135: {  	v63 =	vmul.f32 v50, v19;
	v38 =	vsub.s32 $0x5F3759DF, v59;
	v42 =	vmul.f32 v62, v36;
	[tilespmem:s28+$0xF8C0] =	vst v29  }
0x136: {  	v29 =	vmul.f32 v48, v24;
	[tilespmem:s28+$0xF870] =	vst v35;
	v35 =	vmul.f32 v44, v1;
	v28 =	vsel vm1, v39, v0  }
0x137: {  	s30 =	simm.s32 $0x800;
	[tilespmem:s28+$0xF830] =	vst v63;
	vm1 =	vmmov vm15;
	v19 =	vmul.f32 v28, v51;
	v28 =	vmul.f32 v28, v33  }
.LBB2_4:
0x138: {  	s16 =	sshra.s32 s30, $0x2;
	p2 =	sne.s32 s30, $0xF400;
	s30 =	sadd.s32 $0x400, s30;
	v33 =	vmul.f32 v47, v32;
	v39 =	vmul.f32 v38, v38;
	[tilespmem:s28+$0xF8B0] =	vst v46  }
0x139: {  	v44 =	vmul.f32 v49, v26;
	v45 =	vmul.f32 v34, v34;
	v24 =	vld [tilespmem:s16+$0x3EF0];
	v46 =	vsel vm0, v35, v0;
	[tilespmem:s28+$0xF840] =	vst v37  }
0x13a: {  	v40 =	vmul.f32 v40, v16;
	v16 =	vmul.f32 v48, v3;
	v3 =	vmovc v5;
	v37 =	vsub.f32 $1.500000000e+00, v42;
	v47 =	vld [tilespmem:s16+$0x3E60];
	[tilespmem:s29+$0xF8F0] =	vst v28  }
0x13b: {  	v48 =	vmul.f32 $5.000000000e-01, v22;
	v28 =	vsub.f32 $1.500000000e+00, v33;
	v33 =	vmul.f32 v46, v4;
	v4 =	vmovc v8;
	v35 =	vld [tilespmem:s16+$0x3E50];
	[tilespmem:s28+$0xF800] =	vst v29  }
0x13c: {  	v8 =	vsub.f32 $1.500000000e+00, v43;
	v43 =	vmul.f32 v41, v37;
	v37 =	vmul.f32 v46, v2;
	v2 =	vmovc v11;
	v5 =	vld [tilespmem:s16+$0x3E80];
	[tilespmem:s28+$0xF880] =	vst v16  }
0x13d: {  	vm4 =	vge.f32 v23, $1.000000020e-24;
	v11 =	vmul.f32 v39, v48;
	v29 =	vmul.f32 v31, v28;
	v16 =	vld [tilespmem:s16+$0x3ED0];
	[tilespmem:s28+$0xF890] =	vst v33  }
0x13e: {  	vm0 =	vmmov vm2;
	v31 =	vmul.f32 v25, v8;
	v23 =	vmul.f32 v43, v43;
	v28 =	vld [tilespmem:s16+$0x3E00];
	[tilespmem:s28+$0xF810] =	vst v37;
	s28 =	smov.u32 s29;
	s29 =	smov.u32 s16  }
0x13f: {  	v33 =	vsub.f32 $1.500000000e+00, v11;
	v25 =	vmul.f32 v29, v29;
	v37 =	vmul.f32 v45, v30;
	v8 =	vld [tilespmem:s29+$0x3E90];
	[tilespmem:s28+$0xF8D0] =	vst v40  }
0x140: {  	v40 =	vmul.f32 v31, v31;
	v23 =	vmul.f32 v23, v36;
	v41 =	vld [tilespmem:s29+$0x3EA0]  }
0x141: {  	v25 =	vmul.f32 v25, v32;
	v39 =	vsub.f32 $1.500000000e+00, v37;
	v46 =	vmul.f32 v5, v5;
	v11 =	vld [tilespmem:s29+$0x3E10]  }
0x142: {  	v38 =	vmul.f32 v38, v33;
	v23 =	vsub.f32 $1.500000000e+00, v23;
	v36 =	vld [tilespmem:s29+$0x3E20];
	v42 =	vmul.f32 v16, v16  }
0x143: {  	v45 =	vmul.f32 v35, v35;
	v32 =	vsub.f32 $1.500000000e+00, v25;
	v25 =	vmul.f32 v34, v39;
	v37 =	vld [tilespmem:s29+$0x3EB0]  }
0x144: {  	vm2 =	vge.f32 v20, $1.000000020e-24;
	v49 =	vmul.f32 v47, v47;
	v50 =	vmul.f32 v38, v38;
	v34 =	vld [tilespmem:s29+$0x3EE0]  }
0x145: {  	v52 =	vadd.f32 v42, v45;
	v20 =	vmul.f32 v25, v25;
	v51 =	vmul.f32 v41, v41;
	v33 =	vld [tilespmem:s29+$0x3E30]  }
0x146: {  	v54 =	vsub.f32 $1.500000000e+00, v44;
	v43 =	vmul.f32 v23, v43;
	v53 =	vmul.f32 v11, v11;
	v42 =	vld [tilespmem:s29+$0x3EC0]  }
0x147: {  	v55 =	vmul.f32 $5.000000000e-01, v52;
	v23 =	vshrl.u32 v52, $0x1;
	v20 =	vmul.f32 v20, v30;
	v39 =	vld [tilespmem:s29+$0x3E70]  }
0x148: {  	vm3 =	vge.f32 v21, $1.000000020e-24;
	v21 =	vmul.f32 v50, v48;
	v30 =	vmul.f32 v8, v8  }
0x149: {  	v50 =	vmul.f32 v24, v24;
	v48 =	vmul.f32 v37, v37;
	v20 =	vsub.f32 $1.500000000e+00, v20  }
0x14a: {  	v56 =	vmul.f32 v28, v28;
	v23 =	vsub.s32 $0x5F3759DF, v23;
	v57 =	vmul.f32 v33, v33;
	v45 =	vld [tilespmem:s29+$0x3E40]  }
0x14b: {  	v44 =	vadd.f32 v30, v53;
	v30 =	vmul.f32 v23, v23;
	v20 =	vmul.f32 v20, v25  }
0x14c: {  	v27 =	vmul.f32 v27, v54;
	v21 =	vsub.f32 $1.500000000e+00, v21;
	v25 =	vmul.f32 v39, v39  }
0x14d: {  	vm5 =	vge.f32 v22, $1.000000020e-24;
	v30 =	vmul.f32 v30, v55;
	v20 =	vmul.f32 v20, v1  }
0x14e: {  	v21 =	vmul.f32 v21, v38;
	v22 =	vmul.f32 v42, v42;
	v50 =	vadd.f32 v50, v25  }
0x14f: {  	v30 =	vsub.f32 $1.500000000e+00, v30;
	v38 =	vsel vm4, v20, v0;
	v25 =	vmul.f32 v45, v45  }
0x150: {  	v48 =	vadd.f32 v48, v57;
	v20 =	vmul.f32 v34, v34;
	v53 =	vshrl.u32 v50, $0x1  }
0x151: {  	v30 =	vmul.f32 v23, v30;
	v54 =	vmul.f32 v38, v7;
	v7 =	vmovc v47;
	v53 =	vsub.s32 $0x5F3759DF, v53  }
0x152: {  	v18 =	vmul.f32 v40, v18;
	v23 =	vadd.f32 v20, v49;
	v47 =	vmul.f32 $5.000000000e-01, v50  }
0x153: {  	v40 =	vmul.f32 v27, v27;
	v20 =	vadd.f32 v22, v25;
	v22 =	vmul.f32 v30, v30;
	[tilespmem:s28+$0xF860] =	vst v54  }
0x154: {  	v25 =	vshrl.u32 v48, $0x1;
	v49 =	vmul.f32 v53, v53;
	v54 =	vsub.f32 $1.500000000e+00, v18  }
0x155: {  	v25 =	vsub.s32 $0x5F3759DF, v25;
	v18 =	vmul.f32 v22, v55;
	v22 =	vmul.f32 v40, v26  }
0x156: {  	vm4 =	vge.f32 v48, $1.000000020e-24;
	v38 =	vmul.f32 v38, v15;
	v15 =	vmovc v34;
	v26 =	vmul.f32 v49, v47  }
0x157: {  	v34 =	vmul.f32 v25, v25;
	v40 =	vsub.f32 $1.500000000e+00, v18;
	v22 =	vsub.f32 $1.500000000e+00, v22  }
0x158: {  	v18 =	vmul.f32 $5.000000000e-01, v48;
	v48 =	vmul.f32 v43, v1;
	v26 =	vsub.f32 $1.500000000e+00, v26;
	[tilespmem:s28+$0xF8E0] =	vst v38  }
0x159: {  	v30 =	vmul.f32 v40, v30;
	v40 =	vmul.f32 v21, v1;
	v38 =	vshrl.u32 v23, $0x1  }
0x15a: {  	v31 =	vmul.f32 v54, v31;
	v21 =	vadd.f32 v46, v56;
	v26 =	vmul.f32 v53, v26  }
0x15b: {  	vm6 =	vge.f32 v52, $1.000000020e-24;
	v30 =	vmul.f32 v30, v1;
	v43 =	vsel vm5, v40, v0  }
0x15c: {  	v46 =	vmul.f32 v36, v36;
	v49 =	vmul.f32 v31, v1;
	v40 =	vshrl.u32 v44, $0x1  }
0x15d: {  	v52 =	vmul.f32 v22, v27;
	v31 =	vsub.s32 $0x5F3759DF, v40;
	v40 =	vsel vm6, v30, v0  }
0x15e: {  	v27 =	vshrl.u32 v20, $0x1;
	v53 =	vmul.f32 v43, v10;
	v10 =	vmovc v41;
	v35 =	vmul.f32 v40, v35  }
0x15f: {  	v54 =	vshrl.u32 v21, $0x1;
	v55 =	vmul.f32 v26, v26;
	v56 =	vmul.f32 v43, v17;
	v17 =	vmovc v36  }
0x160: {  	v22 =	vadd.f32 v51, v46;
	v41 =	vsub.s32 $0x5F3759DF, v27;
	v30 =	vmul.f32 $5.000000000e-01, v23;
	[tilespmem:s28+$0xF8A0] =	vst v53  }
0x161: {  	v43 =	vmul.f32 v34, v18;
	v34 =	vsub.s32 $0x5F3759DF, v38;
	v36 =	vmul.f32 v55, v47;
	[tilespmem:s28+$0xF820] =	vst v56  }
0x162: {  	v27 =	vsub.s32 $0x5F3759DF, v54;
	v38 =	vshrl.u32 v22, $0x1;
	[tilespmem:s29+$0xF850] =	vst v35;
	v35 =	vmul.f32 v32, v29  }
0x163: {  	v51 =	vmul.f32 v52, v1;
	v32 =	vmul.f32 $5.000000000e-01, v44;
	v29 =	vsub.f32 $1.500000000e+00, v36  }
0x164: {  	v47 =	vmul.f32 v31, v31;
	v38 =	vsub.s32 $0x5F3759DF, v38;
	v36 =	vmul.f32 $5.000000000e-01, v20  }
0x165: {  	v52 =	vmul.f32 v41, v41;
	v26 =	vmul.f32 v29, v26;
	v29 =	vsel vm1, v49, v0  }
0x166: {  	v53 =	vsel vm2, v48, v0;
	v49 =	vmul.f32 v27, v27;
	v46 =	vmul.f32 v29, v9;
	v9 =	vmovc v37  }
.Ltmp3:
0x167: {  	v48 =	vsel vm3, v51, v0;
	v51 =	vmul.f32 v53, v14;
	v14 =	vmovc v42;
	v54 =	vmul.f32 v26, v1;
	(pc) =	sbr.rel @p2 .LBB2_4-.Ltmp3, $4  }
0x168: {  	vm1 =	vge.f32 v50, $1.000000020e-24;
	v37 =	vmul.f32 v53, v13;
	v13 =	vmovc v45;
	v26 =	vmul.f32 $5.000000000e-01, v21  }
0x169: {  	v42 =	vmul.f32 v52, v36;
	v50 =	vmul.f32 v29, v12;
	v45 =	vsel vm1, v54, v0;
	[tilespmem:s28+$0xF8C0] =	vst v51  }
0x16a: {  	vm2 =	vge.f32 v44, $1.000000020e-24;
	v29 =	vmul.f32 v48, v6;
	v6 =	vmovc v28;
	[tilespmem:s28+$0xF870] =	vst v19;
	v19 =	vmul.f32 v45, v39  }
0x16b: {  	v35 =	vmul.f32 v35, v1;
	v12 =	vmovc v33;
	vm1 =	vmmov vm4;
	v28 =	vmul.f32 v45, v24;
	[tilespmem:s28+$0xF830] =	vst v50  }
0x16c: {  	v24 =	vmul.f32 v34, v34  }
0x16d: {  	v33 =	vmul.f32 v38, v38  }
0x16e: {  	v39 =	vmul.f32 $5.000000000e-01, v22;
	v42 =	vsub.f32 $1.500000000e+00, v42;
	v24 =	vmul.f32 v24, v30  }
0x16f: {  	v44 =	vmul.f32 v47, v32;
	v45 =	vmul.f32 v49, v26  }
0x170: {  	v16 =	vmul.f32 v40, v16;
	v41 =	vmul.f32 v41, v42;
	v24 =	vsub.f32 $1.500000000e+00, v24  }
0x171: {  	v3 =	vmul.f32 v48, v3;
	v63 =	vsub.f32 $1.500000000e+00, v43;
	v33 =	vmul.f32 v33, v39  }
0x172: {  	v35 =	vsel vm0, v35, v0;
	v42 =	vmul.f32 v41, v41;
	v24 =	vmul.f32 v34, v24  }
0x173: {  	v4 =	vmul.f32 v35, v4;
	v2 =	vmul.f32 v35, v2;
	v33 =	vsub.f32 $1.500000000e+00, v33  }
0x174: {  	[tilespmem:s28+$0xF8B0] =	vst v46;
	v43 =	vsub.f32 $1.500000000e+00, v45;
	v35 =	vmul.f32 v42, v36;
	v34 =	vmul.f32 v24, v24  }
0x175: {  	[tilespmem:s28+$0xF840] =	vst v37;
	v62 =	vsub.f32 $1.500000000e+00, v44;
	v25 =	vmul.f32 v25, v63;
	v33 =	vmul.f32 v38, v33  }
0x176: {  	[tilespmem:s29+$0xF8F0] =	vst v28;
	v27 =	vmul.f32 v27, v43;
	v28 =	vsub.f32 $1.500000000e+00, v35;
	v30 =	vmul.f32 v34, v30  }
0x177: {  	v31 =	vmul.f32 v31, v62;
	v40 =	vmul.f32 v33, v33  }
0x178: {  	[tilespmem:s28+$0xF880] =	vst v3;
	v3 =	vmul.f32 v28, v41;
	v28 =	vmul.f32 v27, v27;
	v30 =	vsub.f32 $1.500000000e+00, v30  }
0x179: {  	vm0 =	vge.f32 v23, $1.000000020e-24;
	v23 =	vmul.f32 v31, v31;
	v34 =	vmul.f32 v40, v39  }
0x17a: {  	[tilespmem:s28+$0xF810] =	vst v2;
	v2 =	vmul.f32 v28, v26;
	v24 =	vmul.f32 v30, v24  }
0x17b: {  	v44 =	vsub.f32 $1.500000000e+00, v34;
	v30 =	vmul.f32 v25, v25  }
0x17c: {  	v23 =	vmul.f32 v23, v32;
	v2 =	vsub.f32 $1.500000000e+00, v2;
	v24 =	vmul.f32 v24, v1  }
0x17d: {  	[tilespmem:s28+$0xF800] =	vst v29;
	v29 =	vmul.f32 v44, v33;
	v18 =	vmul.f32 v30, v18  }
0x17e: {  	v23 =	vsub.f32 $1.500000000e+00, v23;
	v2 =	vmul.f32 v2, v27;
	v24 =	vsel vm0, v24, v0  }
0x17f: {  	[tilespmem:s28+$0xF890] =	vst v4;
	v4 =	vmul.f32 v24, v7;
	v7 =	vsub.f32 $1.500000000e+00, v18;
	v18 =	vmul.f32 v29, v1  }
0x180: {  	[tilespmem:s29+$0xF8D0] =	vst v16;
	v3 =	vmul.f32 v3, v1;
	vm0 =	vge.f32 v22, $1.000000020e-24;
	v2 =	vmul.f32 v2, v1  }
0x181: {  	[tilespmem:s29+$0xF870] =	vst v19;
	v15 =	vmul.f32 v24, v15;
	v7 =	vmul.f32 v7, v25;
	v16 =	vsel vm0, v18, v0  }
0x182: {  	vm0 =	vge.f32 v20, $1.000000020e-24;
	[tilespmem:s29+$0xF860] =	vst v4;
	v4 =	vmul.f32 v16, v10;
	v10 =	vmul.f32 v16, v17  }
0x183: {  	[tilespmem:s29+$0xF8E0] =	vst v15;
	v3 =	vsel vm0, v3, v0;
	vm0 =	vge.f32 v21, $1.000000020e-24;
	v7 =	vmul.f32 v7, v1  }
0x184: {  	v2 =	vsel vm0, v2, v0;
	[tilespmem:s29+$0xF8A0] =	vst v4;
	v4 =	vmul.f32 v3, v14  }
0x185: {  	[tilespmem:s29+$0xF820] =	vst v10;
	v10 =	vmul.f32 v23, v31;
	v3 =	vmul.f32 v3, v13;
	v7 =	vsel vm1, v7, v0  }
0x186: {  	v6 =	vmul.f32 v2, v6;
	v12 =	vmul.f32 v7, v12;
	[tilespmem:s29+$0xF8C0] =	vst v4  }
0x187: {  	v4 =	vmul.f32 v7, v9;
	v7 =	vmul.f32 v10, v1;
	[tilespmem:s29+$0xF840] =	vst v3  }
0x188: {  	vm0 =	vmmov vm2;
	v2 =	vmul.f32 v2, v5;
	[tilespmem:s29+$0xF800] =	vst v6  }
0x189: {  	[tilespmem:s29+$0xF8B0] =	vst v4;
	v4 =	vsel vm0, v7, v0  }
0x18a: {  	[tilespmem:s29+$0xF880] =	vst v2;
	v3 =	vmul.f32 v4, v8  }
0x18b: {  	[tilespmem:s29+$0xF830] =	vst v12;
	v2 =	vmul.f32 v4, v11  }
0x18c: {  	[tilespmem:s29+$0xF890] =	vst v3  }
0x18d: {  	s16 =	simm.s32 $0x0;
	[tilespmem:s29+$0xF810] =	vst v2  }
0x18e: {  	[hbm4b:s10+s16] =	stream.linear.scatter [tilespmem:s24], [sflag:$0x5], $0x3E00, $0x38;
	[tilespmem:$0x17510] =	vst v63  }
0x18f: {  	_ =	swait.ge [sflag:s25], $0x3E00  }
0x190: {  	[sflag:s25] =	ssyncset.done $0x0  }
0x191: {  	s28 =	simm.s32 $0x0;
	[sflag:s25] =	ssyncadd.s32 $0xFFFFC200  }
0x192: {  	v5 =	vld [tilespmem:s28+$0x7C50]  }
0x193: {  	v6 =	vld [tilespmem:s28+$0x7CD0]  }
0x194: {  	v7 =	vld [tilespmem:s28+$0x7CF0]  }
0x195: {  	v9 =	vld [tilespmem:s28+$0x7C70]  }
0x196: {  	v17 =	vld [tilespmem:s28+$0x7C60]  }
0x197: {  	v24 =	vld [tilespmem:s28+$0x7C00]  }
0x198: {  	v22 =	vld [tilespmem:s28+$0x7CA0];
	v2 =	vmul.f32 v6, v6;
	v3 =	vmul.f32 v5, v5  }
0x199: {  	v4 =	vld [tilespmem:s28+$0x7C90]  }
0x19a: {  	v26 =	vld [tilespmem:s28+$0x7CB0];
	v8 =	vadd.f32 v2, v3  }
0x19b: {  	v18 =	vld [tilespmem:s28+$0x7CE0]  }
0x19c: {  	v19 =	vld [tilespmem:s28+$0x7C30];
	v2 =	vshrl.u32 v8, $0x1  }
0x19d: {  	v29 =	vld [tilespmem:s28+$0x7CC0];
	v13 =	vmul.f32 v7, v7;
	v14 =	vmul.f32 v9, v9;
	v10 =	vsub.s32 $0x5F3759DF, v2  }
0x19e: {  	v3 =	vld [tilespmem:s28+$0x7C80];
	v11 =	vmul.f32 $5.000000000e-01, v8;
	v12 =	vmul.f32 v10, v10  }
0x19f: {  	v15 =	vmul.f32 v17, v17;
	v16 =	vmul.f32 v22, v22  }
0x1a0: {  	v25 =	vmul.f32 v4, v4;
	v12 =	vmul.f32 v12, v11  }
0x1a1: {  	v27 =	vmul.f32 v26, v26;
	v31 =	vmul.f32 v24, v24;
	v13 =	vadd.f32 v13, v14;
	v2 =	vld [tilespmem:s28+$0x7C10]  }
0x1a2: {  	v45 =	vmul.f32 v19, v19;
	v46 =	vmul.f32 v29, v29;
	v12 =	vsub.f32 $1.500000000e+00, v12  }
0x1a3: {  	v47 =	vmul.f32 v18, v18;
	v20 =	vshrl.u32 v13, $0x1;
	v14 =	vmul.f32 v3, v3  }
0x1a4: {  	v32 =	vadd.f32 v27, v45;
	v10 =	vmul.f32 v10, v12;
	v12 =	vsub.s32 $0x5F3759DF, v20  }
0x1a5: {  	v23 =	vmul.f32 $5.000000000e-01, v13;
	v14 =	vadd.f32 v14, v31;
	v20 =	vmul.f32 v12, v12  }
0x1a6: {  	v15 =	vadd.f32 v47, v15;
	vm1 =	vge.f32 v8, $1.000000020e-24;
	v21 =	vmul.f32 v2, v2  }
0x1a7: {  	v28 =	vld [tilespmem:s28+$0x7C40];
	v50 =	vshrl.u32 v14, $0x1;
	v30 =	vmul.f32 v10, v10;
	v20 =	vmul.f32 v20, v23  }
0x1a8: {  	v41 =	vmul.f32 $5.000000000e-01, v14;
	v21 =	vadd.f32 v25, v21;
	v34 =	vsub.s32 $0x5F3759DF, v50  }
0x1a9: {  	v54 =	vmul.f32 v34, v34;
	v11 =	vmul.f32 v30, v11;
	v20 =	vsub.f32 $1.500000000e+00, v20  }
0x1aa: {  	v8 =	vshrl.u32 v21, $0x1;
	v51 =	vmul.f32 $5.000000000e-01, v21;
	vm2 =	vge.f32 v21, $1.000000020e-24  }
0x1ab: {  	v21 =	vmul.f32 v54, v41;
	v11 =	vsub.f32 $1.500000000e+00, v11;
	v12 =	vmul.f32 v12, v20  }
0x1ac: {  	vm0 =	vge.f32 v32, $1.000000020e-24;
	v8 =	vsub.s32 $0x5F3759DF, v8;
	v30 =	vmul.f32 v28, v28  }
0x1ad: {  	v27 =	vld [tilespmem:s28+$0x7C20];
	v21 =	vsub.f32 $1.500000000e+00, v21;
	v10 =	vmul.f32 v11, v10;
	v11 =	vmul.f32 v12, v12  }
0x1ae: {  	v49 =	vshrl.u32 v15, $0x1;
	v52 =	vmul.f32 v8, v8;
	v25 =	vadd.f32 v46, v30  }
0x1af: {  	v20 =	vshrl.u32 v32, $0x1;
	v34 =	vmul.f32 v34, v21;
	v11 =	vmul.f32 v11, v23  }
0x1b0: {  	v30 =	vsub.s32 $0x5F3759DF, v20;
	v20 =	vmul.f32 $5.000000000e-01, v32;
	v10 =	vmul.f32 v10, v1  }
0x1b1: {  	v32 =	vsub.s32 $0x5F3759DF, v49;
	v48 =	vmul.f32 v30, v30;
	v11 =	vsub.f32 $1.500000000e+00, v11  }
0x1b2: {  	v58 =	vmul.f32 v32, v32;
	v23 =	vmul.f32 v27, v27;
	v10 =	vsel vm1, v10, v0  }
0x1b3: {  	vm1 =	vge.f32 v13, $1.000000020e-24;
	v13 =	vmul.f32 $5.000000000e-01, v25;
	v11 =	vmul.f32 v11, v12  }
0x1b4: {  	v5 =	vmul.f32 v10, v5;
	v23 =	vadd.f32 v16, v23;
	v16 =	vmul.f32 v48, v20  }
0x1b5: {  	v31 =	vshrl.u32 v25, $0x1;
	v10 =	vmul.f32 v10, v6;
	v11 =	vmul.f32 v11, v1  }
0x1b6: {  	v12 =	vsub.s32 $0x5F3759DF, v31;
	v31 =	vmul.f32 $5.000000000e-01, v15;
	v60 =	vsub.f32 $1.500000000e+00, v16  }
0x1b7: {  	[tilespmem:s28+$0x13650] =	vst v5;
	v59 =	vmul.f32 $5.000000000e-01, v23;
	v5 =	vmul.f32 v12, v12;
	v11 =	vsel vm1, v11, v0  }
0x1b8: {  	s29 =	simm.s32 $0x100;
	v30 =	vmul.f32 v30, v60;
	v55 =	vmul.f32 v11, v7  }
0x1b9: {  	vm4 =	vge.f32 v15, $1.000000020e-24;
	v33 =	vld [tilespmem:s29+$0x7CF0];
	v15 =	vmul.f32 v58, v31;
	v5 =	vmul.f32 v5, v13  }
0x1ba: {  	v53 =	vshrl.u32 v23, $0x1;
	v7 =	vld [tilespmem:s29+$0x7C60];
	v35 =	vmul.f32 v11, v9;
	v9 =	vmul.f32 v52, v51;
	[tilespmem:s28+$0x136F0] =	vst v55  }
0x1bb: {  	v56 =	vsub.s32 $0x5F3759DF, v53;
	v15 =	vsub.f32 $1.500000000e+00, v15;
	v57 =	vsub.f32 $1.500000000e+00, v5;
	v38 =	vld [tilespmem:s29+$0x7C50]  }
0x1bc: {  	v39 =	vmul.f32 v30, v30;
	v11 =	vmul.f32 v56, v56;
	v9 =	vsub.f32 $1.500000000e+00, v9;
	v5 =	vld [tilespmem:s29+$0x7C80]  }
0x1bd: {  	v32 =	vmul.f32 v32, v15;
	v37 =	vmul.f32 v12, v57;
	v16 =	vld [tilespmem:s29+$0x7CD0]  }
0x1be: {  	vm1 =	vmmov vm0;
	v52 =	vmul.f32 v33, v33;
	v6 =	vld [tilespmem:s29+$0x7C00];
	v44 =	vmul.f32 v8, v9  }
0x1bf: {  	vm0 =	vmmov vm2;
	v9 =	vmul.f32 v11, v59;
	v11 =	vmul.f32 v37, v37;
	v8 =	vld [tilespmem:s29+$0x7C90];
	[tilespmem:s28+$0x136D0] =	vst v10  }
0x1c0: {  	vm2 =	vge.f32 v25, $1.000000020e-24;
	v25 =	vmul.f32 v32, v32;
	v10 =	vld [tilespmem:s29+$0x7CA0];
	v12 =	vmul.f32 v44, v44  }
0x1c1: {  	v63 =	vmul.f32 v7, v7;
	v9 =	vsub.f32 $1.500000000e+00, v9;
	v13 =	vmul.f32 v11, v13  }
0x1c2: {  	v43 =	vmul.f32 v5, v5;
	v12 =	vmul.f32 v12, v51  }
0x1c3: {  	v11 =	vld [tilespmem:s29+$0x7C10];
	v61 =	vmul.f32 v16, v16;
	v40 =	vmul.f32 v56, v9  }
0x1c4: {  	v13 =	vsub.f32 $1.500000000e+00, v13;
	v62 =	vmul.f32 v38, v38;
	v54 =	vmul.f32 v6, v6  }
0x1c5: {  	vm3 =	vge.f32 v14, $1.000000020e-24;
	v9 =	vld [tilespmem:s29+$0x7CB0];
	v15 =	vmul.f32 v40, v40;
	v48 =	vmul.f32 v10, v10  }
0x1c6: {  	v51 =	vld [tilespmem:s29+$0x7C70];
	v36 =	vadd.f32 v61, v62;
	v37 =	vmul.f32 v13, v37;
	v13 =	vmul.f32 v25, v31  }
0x1c7: {  	vm5 =	vge.f32 v23, $1.000000020e-24;
	v14 =	vld [tilespmem:s29+$0x7CC0];
	v25 =	vmul.f32 v8, v8;
	v62 =	vmul.f32 v34, v34  }
0x1c8: {  	v46 =	vsub.f32 $1.500000000e+00, v12;
	v12 =	vld [tilespmem:s29+$0x7C30];
	v57 =	vmul.f32 v11, v11;
	v49 =	vmul.f32 $5.000000000e-01, v36  }
0x1c9: {  	v50 =	vshrl.u32 v36, $0x1;
	v31 =	vmul.f32 v15, v59;
	v37 =	vmul.f32 v37, v1  }
0x1ca: {  	v53 =	vsub.f32 $1.500000000e+00, v13;
	v44 =	vmul.f32 v46, v44;
	v58 =	vmul.f32 v9, v9  }
0x1cb: {  	v50 =	vsub.s32 $0x5F3759DF, v50;
	v45 =	vadd.f32 v25, v57;
	v59 =	vmul.f32 v51, v51  }
0x1cc: {  	v13 =	vld [tilespmem:s29+$0x7C40];
	v25 =	vmul.f32 v50, v50;
	v32 =	vmul.f32 v53, v32;
	v21 =	vsub.f32 $1.500000000e+00, v31  }
0x1cd: {  	v31 =	vmul.f32 v14, v14;
	v37 =	vsel vm2, v37, v0;
	v55 =	vmul.f32 v12, v12  }
0x1ce: {  	v15 =	vld [tilespmem:s29+$0x7CE0];
	vm6 =	vge.f32 v36, $1.000000020e-24;
	v29 =	vmul.f32 v37, v29;
	v37 =	vmul.f32 v37, v28  }
0x1cf: {  	v52 =	vadd.f32 v52, v59;
	v25 =	vmul.f32 v25, v49;
	v23 =	vmul.f32 v32, v1  }
0x1d0: {  	vm2 =	vge.f32 v45, $1.000000020e-24;
	v21 =	vmul.f32 v21, v40;
	v32 =	vmul.f32 v62, v41  }
0x1d1: {  	v60 =	vmul.f32 v13, v13;
	v42 =	vadd.f32 v58, v55;
	v53 =	vshrl.u32 v52, $0x1  }
0x1d2: {  	v47 =	vmul.f32 $5.000000000e-01, v52;
	v25 =	vsub.f32 $1.500000000e+00, v25;
	v61 =	vsel vm4, v23, v0  }
0x1d3: {  	v23 =	vmul.f32 v15, v15;
	v53 =	vsub.s32 $0x5F3759DF, v53;
	v32 =	vsub.f32 $1.500000000e+00, v32  }
0x1d4: {  	v58 =	vmul.f32 v21, v1;
	v21 =	vadd.f32 v43, v54;
	v50 =	vmul.f32 v50, v25  }
0x1d5: {  	v55 =	vmul.f32 v61, v17;
	v17 =	vmul.f32 v39, v20;
	v20 =	vadd.f32 v31, v60  }
0x1d6: {  	v23 =	vadd.f32 v23, v63;
	v25 =	vshrl.u32 v42, $0x1;
	v31 =	vmul.f32 v50, v50  }
0x1d7: {  	v63 =	vmul.f32 v53, v53;
	v40 =	vsel vm5, v58, v0;
	v36 =	vmul.f32 v32, v34  }
0x1d8: {  	v32 =	vmul.f32 $5.000000000e-01, v45;
	v56 =	vsub.f32 $1.500000000e+00, v17;
	v31 =	vmul.f32 v31, v49  }
0x1d9: {  	v25 =	vsub.s32 $0x5F3759DF, v25;
	v54 =	vmul.f32 v40, v22;
	v39 =	vmul.f32 v63, v47  }
0x1da: {  	v17 =	vld [tilespmem:s29+$0x7C20];
	v57 =	vmul.f32 v25, v25;
	v63 =	vmul.f32 v40, v27;
	v31 =	vsub.f32 $1.500000000e+00, v31  }
0x1db: {  	v30 =	vmul.f32 v56, v30;
	v49 =	vmul.f32 v61, v18;
	v39 =	vsub.f32 $1.500000000e+00, v39  }
0x1dc: {  	v18 =	vmul.f32 $5.000000000e-01, v42;
	v61 =	vshrl.u32 v21, $0x1;
	v31 =	vmul.f32 v31, v50  }
0x1dd: {  	v27 =	vsub.s32 $0x5F3759DF, v61;
	v61 =	vmul.f32 v36, v1;
	v39 =	vmul.f32 v53, v39  }
0x1de: {  	vm15 =	vge.f32 v42, $1.000000020e-24;
	v36 =	vmul.f32 $5.000000000e-01, v20;
	v59 =	vmul.f32 v31, v1  }
0x1df: {  	v42 =	vshrl.u32 v23, $0x1;
	v60 =	vmul.f32 v17, v17;
	v62 =	vmul.f32 v39, v39  }
0x1e0: {  	v43 =	vmul.f32 v57, v18;
	[tilespmem:s28+$0x136E0] =	vst v49;
	v49 =	vmul.f32 v27, v27;
	v41 =	vsel vm6, v59, v0  }
0x1e1: {  	v34 =	vsub.s32 $0x5F3759DF, v42;
	v53 =	vmul.f32 v41, v38;
	v38 =	vmul.f32 v62, v47  }
0x1e2: {  	v50 =	vmul.f32 v30, v1;
	v30 =	vshrl.u32 v20, $0x1;
	v22 =	vadd.f32 v48, v60  }
0x1e3: {  	v48 =	vsel vm3, v61, v0;
	v40 =	vsub.s32 $0x5F3759DF, v30;
	v60 =	vsub.f32 $1.500000000e+00, v38  }
0x1e4: {  	[tilespmem:s28+$0x13660] =	vst v55;
	v30 =	vmul.f32 $5.000000000e-01, v23;
	v31 =	vshrl.u32 v45, $0x1;
	v50 =	vsel vm1, v50, v0  }
0x1e5: {  	[tilespmem:s28+$0x136A0] =	vst v54;
	vm1 =	vge.f32 v52, $1.000000020e-24;
	v46 =	vmul.f32 v50, v26;
	v39 =	vmul.f32 v60, v39  }
0x1e6: {  	[tilespmem:s28+$0x13620] =	vst v63;
	v31 =	vsub.s32 $0x5F3759DF, v31;
	v26 =	vmul.f32 $5.000000000e-01, v21;
	v62 =	vmul.f32 v40, v40  }
0x1e7: {  	v63 =	vmul.f32 v50, v19;
	v59 =	vshrl.u32 v22, $0x1;
	[tilespmem:s29+$0x13650] =	vst v53;
	v39 =	vmul.f32 v39, v1  }
0x1e8: {  	v47 =	vmul.f32 v31, v31;
	v38 =	vsub.s32 $0x5F3759DF, v59;
	v42 =	vmul.f32 v62, v36;
	[tilespmem:s28+$0x136C0] =	vst v29  }
0x1e9: {  	v29 =	vmul.f32 v48, v24;
	[tilespmem:s28+$0x13670] =	vst v35;
	v35 =	vmul.f32 v44, v1;
	v28 =	vsel vm1, v39, v0  }
0x1ea: {  	s30 =	simm.s32 $0x800;
	[tilespmem:s28+$0x13630] =	vst v63;
	vm1 =	vmmov vm15;
	v19 =	vmul.f32 v28, v51;
	v28 =	vmul.f32 v28, v33  }
.LBB2_6:
0x1eb: {  	s16 =	sshra.s32 s30, $0x2;
	p2 =	sne.s32 s30, $0xF400;
	s30 =	sadd.s32 $0x400, s30;
	v33 =	vmul.f32 v47, v32;
	v39 =	vmul.f32 v38, v38;
	[tilespmem:s28+$0x136B0] =	vst v46  }
0x1ec: {  	v44 =	vmul.f32 v49, v26;
	v45 =	vmul.f32 v34, v34;
	v24 =	vld [tilespmem:s16+$0x7CF0];
	v46 =	vsel vm0, v35, v0;
	[tilespmem:s28+$0x13640] =	vst v37  }
0x1ed: {  	v41 =	vmul.f32 v41, v16;
	v16 =	vmul.f32 v48, v3;
	v3 =	vmovc v5;
	v37 =	vsub.f32 $1.500000000e+00, v42;
	v47 =	vld [tilespmem:s16+$0x7C60];
	[tilespmem:s29+$0x136F0] =	vst v28  }
0x1ee: {  	v48 =	vmul.f32 $5.000000000e-01, v22;
	v28 =	vsub.f32 $1.500000000e+00, v33;
	v33 =	vmul.f32 v46, v4;
	v4 =	vmovc v8;
	v35 =	vld [tilespmem:s16+$0x7C50];
	[tilespmem:s28+$0x13600] =	vst v29  }
0x1ef: {  	v8 =	vsub.f32 $1.500000000e+00, v43;
	v43 =	vmul.f32 v40, v37;
	v37 =	vmul.f32 v46, v2;
	v2 =	vmovc v11;
	v5 =	vld [tilespmem:s16+$0x7C80];
	[tilespmem:s28+$0x13680] =	vst v16  }
0x1f0: {  	vm4 =	vge.f32 v23, $1.000000020e-24;
	v11 =	vmul.f32 v39, v48;
	v29 =	vmul.f32 v31, v28;
	v16 =	vld [tilespmem:s16+$0x7CD0];
	[tilespmem:s28+$0x13690] =	vst v33  }
0x1f1: {  	vm0 =	vmmov vm2;
	v31 =	vmul.f32 v25, v8;
	v23 =	vmul.f32 v43, v43;
	v28 =	vld [tilespmem:s16+$0x7C00];
	[tilespmem:s28+$0x13610] =	vst v37;
	s28 =	smov.u32 s29;
	s29 =	smov.u32 s16  }
0x1f2: {  	v33 =	vsub.f32 $1.500000000e+00, v11;
	v25 =	vmul.f32 v29, v29;
	v37 =	vmul.f32 v45, v30;
	v8 =	vld [tilespmem:s29+$0x7C90];
	[tilespmem:s28+$0x136D0] =	vst v41  }
0x1f3: {  	v41 =	vmul.f32 v31, v31;
	v23 =	vmul.f32 v23, v36;
	v40 =	vld [tilespmem:s29+$0x7CA0]  }
0x1f4: {  	v25 =	vmul.f32 v25, v32;
	v39 =	vsub.f32 $1.500000000e+00, v37;
	v46 =	vmul.f32 v5, v5;
	v11 =	vld [tilespmem:s29+$0x7C10]  }
0x1f5: {  	v38 =	vmul.f32 v38, v33;
	v23 =	vsub.f32 $1.500000000e+00, v23;
	v36 =	vld [tilespmem:s29+$0x7C20];
	v42 =	vmul.f32 v16, v16  }
0x1f6: {  	v45 =	vmul.f32 v35, v35;
	v32 =	vsub.f32 $1.500000000e+00, v25;
	v25 =	vmul.f32 v34, v39;
	v37 =	vld [tilespmem:s29+$0x7CB0]  }
0x1f7: {  	vm2 =	vge.f32 v20, $1.000000020e-24;
	v49 =	vmul.f32 v47, v47;
	v50 =	vmul.f32 v38, v38;
	v34 =	vld [tilespmem:s29+$0x7CE0]  }
0x1f8: {  	v52 =	vadd.f32 v42, v45;
	v20 =	vmul.f32 v25, v25;
	v51 =	vmul.f32 v40, v40;
	v33 =	vld [tilespmem:s29+$0x7C30]  }
0x1f9: {  	v54 =	vsub.f32 $1.500000000e+00, v44;
	v43 =	vmul.f32 v23, v43;
	v53 =	vmul.f32 v11, v11;
	v42 =	vld [tilespmem:s29+$0x7CC0]  }
0x1fa: {  	v55 =	vmul.f32 $5.000000000e-01, v52;
	v23 =	vshrl.u32 v52, $0x1;
	v20 =	vmul.f32 v20, v30;
	v39 =	vld [tilespmem:s29+$0x7C70]  }
0x1fb: {  	vm3 =	vge.f32 v21, $1.000000020e-24;
	v21 =	vmul.f32 v50, v48;
	v30 =	vmul.f32 v8, v8  }
0x1fc: {  	v50 =	vmul.f32 v24, v24;
	v48 =	vmul.f32 v37, v37;
	v20 =	vsub.f32 $1.500000000e+00, v20  }
0x1fd: {  	v56 =	vmul.f32 v28, v28;
	v23 =	vsub.s32 $0x5F3759DF, v23;
	v57 =	vmul.f32 v33, v33;
	v45 =	vld [tilespmem:s29+$0x7C40]  }
0x1fe: {  	v44 =	vadd.f32 v30, v53;
	v30 =	vmul.f32 v23, v23;
	v20 =	vmul.f32 v20, v25  }
0x1ff: {  	v27 =	vmul.f32 v27, v54;
	v21 =	vsub.f32 $1.500000000e+00, v21;
	v25 =	vmul.f32 v39, v39  }
0x200: {  	vm5 =	vge.f32 v22, $1.000000020e-24;
	v30 =	vmul.f32 v30, v55;
	v20 =	vmul.f32 v20, v1  }
0x201: {  	v21 =	vmul.f32 v21, v38;
	v22 =	vmul.f32 v42, v42;
	v50 =	vadd.f32 v50, v25  }
0x202: {  	v30 =	vsub.f32 $1.500000000e+00, v30;
	v38 =	vsel vm4, v20, v0;
	v25 =	vmul.f32 v45, v45  }
0x203: {  	v48 =	vadd.f32 v48, v57;
	v20 =	vmul.f32 v34, v34;
	v53 =	vshrl.u32 v50, $0x1  }
0x204: {  	v30 =	vmul.f32 v23, v30;
	v54 =	vmul.f32 v38, v7;
	v7 =	vmovc v47;
	v53 =	vsub.s32 $0x5F3759DF, v53  }
0x205: {  	v18 =	vmul.f32 v41, v18;
	v23 =	vadd.f32 v20, v49;
	v47 =	vmul.f32 $5.000000000e-01, v50  }
0x206: {  	v41 =	vmul.f32 v27, v27;
	v20 =	vadd.f32 v22, v25;
	v22 =	vmul.f32 v30, v30;
	[tilespmem:s28+$0x13660] =	vst v54  }
0x207: {  	v25 =	vshrl.u32 v48, $0x1;
	v49 =	vmul.f32 v53, v53;
	v54 =	vsub.f32 $1.500000000e+00, v18  }
0x208: {  	v25 =	vsub.s32 $0x5F3759DF, v25;
	v18 =	vmul.f32 v22, v55;
	v22 =	vmul.f32 v41, v26  }
0x209: {  	vm4 =	vge.f32 v48, $1.000000020e-24;
	v38 =	vmul.f32 v38, v15;
	v15 =	vmovc v34;
	v26 =	vmul.f32 v49, v47  }
0x20a: {  	v34 =	vmul.f32 v25, v25;
	v41 =	vsub.f32 $1.500000000e+00, v18;
	v22 =	vsub.f32 $1.500000000e+00, v22  }
0x20b: {  	v18 =	vmul.f32 $5.000000000e-01, v48;
	v48 =	vmul.f32 v43, v1;
	v26 =	vsub.f32 $1.500000000e+00, v26;
	[tilespmem:s28+$0x136E0] =	vst v38  }
0x20c: {  	v30 =	vmul.f32 v41, v30;
	v41 =	vmul.f32 v21, v1;
	v38 =	vshrl.u32 v23, $0x1  }
0x20d: {  	v31 =	vmul.f32 v54, v31;
	v21 =	vadd.f32 v46, v56;
	v26 =	vmul.f32 v53, v26  }
0x20e: {  	vm6 =	vge.f32 v52, $1.000000020e-24;
	v30 =	vmul.f32 v30, v1;
	v43 =	vsel vm5, v41, v0  }
0x20f: {  	v46 =	vmul.f32 v36, v36;
	v49 =	vmul.f32 v31, v1;
	v41 =	vshrl.u32 v44, $0x1  }
0x210: {  	v52 =	vmul.f32 v22, v27;
	v31 =	vsub.s32 $0x5F3759DF, v41;
	v41 =	vsel vm6, v30, v0  }
0x211: {  	v27 =	vshrl.u32 v20, $0x1;
	v53 =	vmul.f32 v43, v10;
	v10 =	vmovc v40;
	v35 =	vmul.f32 v41, v35  }
0x212: {  	v54 =	vshrl.u32 v21, $0x1;
	v55 =	vmul.f32 v26, v26;
	v56 =	vmul.f32 v43, v17;
	v17 =	vmovc v36  }
0x213: {  	v22 =	vadd.f32 v51, v46;
	v40 =	vsub.s32 $0x5F3759DF, v27;
	v30 =	vmul.f32 $5.000000000e-01, v23;
	[tilespmem:s28+$0x136A0] =	vst v53  }
0x214: {  	v43 =	vmul.f32 v34, v18;
	v34 =	vsub.s32 $0x5F3759DF, v38;
	v36 =	vmul.f32 v55, v47;
	[tilespmem:s28+$0x13620] =	vst v56  }
0x215: {  	v27 =	vsub.s32 $0x5F3759DF, v54;
	v38 =	vshrl.u32 v22, $0x1;
	[tilespmem:s29+$0x13650] =	vst v35;
	v35 =	vmul.f32 v32, v29  }
0x216: {  	v51 =	vmul.f32 v52, v1;
	v32 =	vmul.f32 $5.000000000e-01, v44;
	v29 =	vsub.f32 $1.500000000e+00, v36  }
0x217: {  	v47 =	vmul.f32 v31, v31;
	v38 =	vsub.s32 $0x5F3759DF, v38;
	v36 =	vmul.f32 $5.000000000e-01, v20  }
0x218: {  	v52 =	vmul.f32 v40, v40;
	v26 =	vmul.f32 v29, v26;
	v29 =	vsel vm1, v49, v0  }
0x219: {  	v53 =	vsel vm2, v48, v0;
	v49 =	vmul.f32 v27, v27;
	v46 =	vmul.f32 v29, v9;
	v9 =	vmovc v37  }
.Ltmp4:
0x21a: {  	v48 =	vsel vm3, v51, v0;
	v51 =	vmul.f32 v53, v14;
	v14 =	vmovc v42;
	v54 =	vmul.f32 v26, v1;
	(pc) =	sbr.rel @p2 .LBB2_6-.Ltmp4, $4  }
0x21b: {  	vm1 =	vge.f32 v50, $1.000000020e-24;
	v37 =	vmul.f32 v53, v13;
	v13 =	vmovc v45;
	v26 =	vmul.f32 $5.000000000e-01, v21  }
0x21c: {  	v42 =	vmul.f32 v52, v36;
	v50 =	vmul.f32 v29, v12;
	v45 =	vsel vm1, v54, v0;
	[tilespmem:s28+$0x136C0] =	vst v51  }
0x21d: {  	vm2 =	vge.f32 v44, $1.000000020e-24;
	v29 =	vmul.f32 v48, v6;
	v6 =	vmovc v28;
	[tilespmem:s28+$0x13670] =	vst v19;
	v19 =	vmul.f32 v45, v39  }
0x21e: {  	v35 =	vmul.f32 v35, v1;
	v12 =	vmovc v33;
	vm1 =	vmmov vm4;
	v28 =	vmul.f32 v45, v24;
	[tilespmem:s28+$0x13630] =	vst v50  }
0x21f: {  	v24 =	vmul.f32 v34, v34  }
0x220: {  	v33 =	vmul.f32 v38, v38;
	v62 =	vmul.f32 v49, v26  }
0x221: {  	v39 =	vmul.f32 $5.000000000e-01, v22;
	v16 =	vmul.f32 v41, v16  }
0x222: {  	v61 =	vmul.f32 v47, v32;
	v24 =	vmul.f32 v24, v30;
	v47 =	vsub.f32 $1.500000000e+00, v62  }
0x223: {  	v3 =	vmul.f32 v48, v3;
	v63 =	vsub.f32 $1.500000000e+00, v43;
	v33 =	vmul.f32 v33, v39  }
0x224: {  	v35 =	vsel vm0, v35, v0;
	v24 =	vsub.f32 $1.500000000e+00, v24;
	v27 =	vmul.f32 v27, v47  }
0x225: {  	[tilespmem:s28+$0x136B0] =	vst v46;
	v4 =	vmul.f32 v35, v4;
	v2 =	vmul.f32 v35, v2;
	v33 =	vsub.f32 $1.500000000e+00, v33  }
0x226: {  	[tilespmem:s28+$0x13640] =	vst v37;
	v24 =	vmul.f32 v34, v24;
	v52 =	vmul.f32 v27, v27  }
0x227: {  	v42 =	vsub.f32 $1.500000000e+00, v42;
	[tilespmem:s29+$0x136F0] =	vst v28;
	v25 =	vmul.f32 v25, v63;
	v33 =	vmul.f32 v38, v33  }
0x228: {  	vm11 =	vge.f32 v23, $1.000000020e-24;
	[tilespmem:s28+$0x13610] =	vst v2;
	v44 =	vmul.f32 v24, v24;
	v2 =	vmul.f32 v52, v26  }
0x229: {  	v40 =	vmul.f32 v40, v42;
	v48 =	vmul.f32 v25, v25;
	v34 =	vsub.f32 $1.500000000e+00, v61  }
0x22a: {  	v43 =	vmul.f32 v33, v33;
	v42 =	vmul.f32 v44, v30;
	v2 =	vsub.f32 $1.500000000e+00, v2  }
0x22b: {  	vm12 =	vge.f32 v22, $1.000000020e-24;
	v31 =	vmul.f32 v31, v34;
	v44 =	vmul.f32 v40, v40  }
0x22c: {  	v34 =	vmul.f32 v43, v39;
	v30 =	vsub.f32 $1.500000000e+00, v42;
	v2 =	vmul.f32 v2, v27  }
0x22d: {  	vm14 =	vge.f32 v21, $1.000000020e-24;
	v45 =	vmul.f32 v31, v31;
	v35 =	vmul.f32 v44, v36  }
0x22e: {  	[tilespmem:s28+$0x13600] =	vst v29;
	v49 =	vsub.f32 $1.500000000e+00, v34;
	v24 =	vmul.f32 v30, v24;
	v2 =	vmul.f32 v2, v1  }
0x22f: {  	[tilespmem:s28+$0x13680] =	vst v3;
	v18 =	vmul.f32 v48, v18;
	v23 =	vmul.f32 v45, v32;
	v50 =	vsub.f32 $1.500000000e+00, v35  }
0x230: {  	[tilespmem:s28+$0x13690] =	vst v4;
	v51 =	vmul.f32 v49, v33;
	v24 =	vmul.f32 v24, v1;
	v2 =	vsel vm14, v2, v0  }
0x231: {  	[tilespmem:s29+$0x136D0] =	vst v16;
	v23 =	vsub.f32 $1.500000000e+00, v23;
	v3 =	vmul.f32 v50, v40;
	v6 =	vmul.f32 v2, v6  }
0x232: {  	[tilespmem:s29+$0x13670] =	vst v19;
	v55 =	vmul.f32 v51, v1;
	v2 =	vmul.f32 v2, v5;
	v24 =	vsel vm11, v24, v0  }
0x233: {  	v54 =	vsub.f32 $1.500000000e+00, v18;
	v60 =	vmul.f32 v23, v31;
	v53 =	vmul.f32 v24, v7;
	[tilespmem:s29+$0x13600] =	vst v6  }
0x234: {  	v3 =	vmul.f32 v3, v1;
	v56 =	vsel vm12, v55, v0;
	v15 =	vmul.f32 v24, v15;
	[tilespmem:s29+$0x13680] =	vst v2  }
0x235: {  	vm13 =	vge.f32 v20, $1.000000020e-24;
	v62 =	vmul.f32 v60, v1;
	v57 =	vmul.f32 v56, v10;
	[tilespmem:s29+$0x13660] =	vst v53  }
0x236: {  	v7 =	vmul.f32 v54, v25;
	v58 =	vmul.f32 v56, v17;
	v3 =	vsel vm13, v3, v0;
	[tilespmem:s29+$0x136E0] =	vst v15  }
0x237: {  	vm15 =	vmmov vm2;
	[tilespmem:s29+$0x136A0] =	vst v57;
	v59 =	vmul.f32 v3, v14  }
0x238: {  	v63 =	vsel vm15, v62, v0;
	v7 =	vmul.f32 v7, v1;
	[tilespmem:s29+$0x13620] =	vst v58;
	v3 =	vmul.f32 v3, v13  }
0x239: {  	v2 =	vmul.f32 v63, v11;
	[tilespmem:s29+$0x136C0] =	vst v59  }
0x23a: {  	v7 =	vsel vm1, v7, v0;
	[tilespmem:s29+$0x13640] =	vst v3;
	v3 =	vmul.f32 v63, v8  }
.Ltmp5:
0x23b: {  	[tilespmem:s29+$0x13610] =	vst v2;
	v12 =	vmul.f32 v7, v12;
	(pc) =	sbr.rel @p0 .LBB2_11-.Ltmp5, $4  }
0x23c: {  	v61 =	vmul.f32 v7, v9;
	[tilespmem:s29+$0x13690] =	vst v3  }
0x23d: {  	[tilespmem:s29+$0x13630] =	vst v12  }
0x23e: {  	[tilespmem:s29+$0x136B0] =	vst v61  }
0x23f: {  	[hbm4b:s11+s2] =	stream.linear.scatter [tilespmem:s26], [sflag:$0x6], $0x3E00, $0x38;
	[tilespmem:$0x17510] =	vst v63  }
0x240: {  	_ =	swait.ge [sflag:s20], $0x3E00  }
0x241: {  	[sflag:s20] =	ssyncset.done $0x0  }
0x242: {  	s28 =	simm.s32 $0x0;
	[sflag:s20] =	ssyncadd.s32 $0xFFFFC200  }
0x243: {  	v5 =	vld [tilespmem:s28+$0x50]  }
0x244: {  	v6 =	vld [tilespmem:s28+$0xD0]  }
0x245: {  	v7 =	vld [tilespmem:s28+$0xF0]  }
0x246: {  	v9 =	vld [tilespmem:s28+$0x70]  }
0x247: {  	v17 =	vld [tilespmem:s28+$0x60]  }
0x248: {  	v24 =	vld [tilespmem:s28+$0x0]  }
0x249: {  	v22 =	vld [tilespmem:s28+$0xA0];
	v2 =	vmul.f32 v6, v6;
	v3 =	vmul.f32 v5, v5  }
0x24a: {  	v4 =	vld [tilespmem:s28+$0x90]  }
0x24b: {  	v26 =	vld [tilespmem:s28+$0xB0];
	v8 =	vadd.f32 v2, v3  }
0x24c: {  	v18 =	vld [tilespmem:s28+$0xE0]  }
0x24d: {  	v19 =	vld [tilespmem:s28+$0x30];
	v13 =	vmul.f32 v7, v7;
	v2 =	vshrl.u32 v8, $0x1  }
0x24e: {  	v29 =	vld [tilespmem:s28+$0xC0];
	v14 =	vmul.f32 v9, v9;
	v15 =	vmul.f32 v17, v17;
	v10 =	vsub.s32 $0x5F3759DF, v2  }
0x24f: {  	v3 =	vld [tilespmem:s28+$0x80];
	v11 =	vmul.f32 $5.000000000e-01, v8;
	v12 =	vmul.f32 v10, v10  }
0x250: {  	v16 =	vmul.f32 v22, v22;
	v25 =	vmul.f32 v4, v4  }
0x251: {  	v27 =	vmul.f32 v26, v26;
	v12 =	vmul.f32 v12, v11  }
0x252: {  	v31 =	vmul.f32 v24, v24;
	v32 =	vmul.f32 v19, v19;
	v13 =	vadd.f32 v13, v14;
	v2 =	vld [tilespmem:s28+$0x10]  }
0x253: {  	v33 =	vmul.f32 v29, v29;
	v34 =	vmul.f32 v18, v18;
	v12 =	vsub.f32 $1.500000000e+00, v12  }
0x254: {  	v32 =	vadd.f32 v27, v32;
	v20 =	vshrl.u32 v13, $0x1;
	v14 =	vmul.f32 v3, v3  }
0x255: {  	v15 =	vadd.f32 v34, v15;
	v10 =	vmul.f32 v10, v12;
	v12 =	vsub.s32 $0x5F3759DF, v20  }
0x256: {  	v23 =	vmul.f32 $5.000000000e-01, v13;
	v14 =	vadd.f32 v14, v31;
	v20 =	vmul.f32 v12, v12  }
0x257: {  	vm0 =	vge.f32 v32, $1.000000020e-24;
	vm1 =	vge.f32 v8, $1.000000020e-24;
	v21 =	vmul.f32 v2, v2  }
0x258: {  	v28 =	vld [tilespmem:s28+$0x40];
	v60 =	vshrl.u32 v14, $0x1;
	v30 =	vmul.f32 v10, v10;
	v20 =	vmul.f32 v20, v23  }
0x259: {  	v41 =	vmul.f32 $5.000000000e-01, v14;
	v21 =	vadd.f32 v25, v21;
	v34 =	vsub.s32 $0x5F3759DF, v60  }
0x25a: {  	v38 =	vmul.f32 v34, v34;
	v11 =	vmul.f32 v30, v11;
	v20 =	vsub.f32 $1.500000000e+00, v20  }
0x25b: {  	v8 =	vshrl.u32 v21, $0x1;
	v36 =	vmul.f32 $5.000000000e-01, v21;
	vm2 =	vge.f32 v21, $1.000000020e-24  }
0x25c: {  	v21 =	vmul.f32 v38, v41;
	v11 =	vsub.f32 $1.500000000e+00, v11;
	v12 =	vmul.f32 v12, v20  }
0x25d: {  	v59 =	vshrl.u32 v15, $0x1;
	v8 =	vsub.s32 $0x5F3759DF, v8;
	v30 =	vmul.f32 v28, v28  }
0x25e: {  	v27 =	vld [tilespmem:s28+$0x20];
	v21 =	vsub.f32 $1.500000000e+00, v21;
	v10 =	vmul.f32 v11, v10;
	v11 =	vmul.f32 v12, v12  }
0x25f: {  	vm4 =	vge.f32 v15, $1.000000020e-24;
	v37 =	vmul.f32 v8, v8;
	v25 =	vadd.f32 v33, v30  }
0x260: {  	v20 =	vshrl.u32 v32, $0x1;
	v34 =	vmul.f32 v34, v21;
	v11 =	vmul.f32 v11, v23  }
0x261: {  	v30 =	vsub.s32 $0x5F3759DF, v20;
	v20 =	vmul.f32 $5.000000000e-01, v32;
	v10 =	vmul.f32 v10, v1  }
0x262: {  	v32 =	vsub.s32 $0x5F3759DF, v59;
	v58 =	vmul.f32 v30, v30;
	v11 =	vsub.f32 $1.500000000e+00, v11  }
0x263: {  	v62 =	vmul.f32 v32, v32;
	v23 =	vmul.f32 v27, v27;
	v10 =	vsel vm1, v10, v0  }
0x264: {  	vm1 =	vge.f32 v13, $1.000000020e-24;
	v13 =	vmul.f32 $5.000000000e-01, v25;
	v11 =	vmul.f32 v11, v12  }
0x265: {  	v5 =	vmul.f32 v10, v5;
	v23 =	vadd.f32 v16, v23;
	v16 =	vmul.f32 v58, v20  }
0x266: {  	v31 =	vshrl.u32 v25, $0x1;
	v10 =	vmul.f32 v10, v6;
	v11 =	vmul.f32 v11, v1  }
0x267: {  	v12 =	vsub.s32 $0x5F3759DF, v31;
	v31 =	vmul.f32 $5.000000000e-01, v15;
	v42 =	vmul.f32 $5.000000000e-01, v23  }
0x268: {  	s29 =	simm.s32 $0x100;
	[tilespmem:s28+$0xBA50] =	vst v5;
	v43 =	vsub.f32 $1.500000000e+00, v16;
	v5 =	vmul.f32 v12, v12;
	v11 =	vsel vm1, v11, v0  }
0x269: {  	v35 =	vshrl.u32 v23, $0x1;
	v33 =	vld [tilespmem:s29+$0xF0];
	v15 =	vmul.f32 v62, v31;
	v39 =	vmul.f32 v11, v7  }
0x26a: {  	v40 =	vsub.s32 $0x5F3759DF, v35;
	v30 =	vmul.f32 v30, v43;
	v5 =	vmul.f32 v5, v13  }
0x26b: {  	v15 =	vsub.f32 $1.500000000e+00, v15;
	v7 =	vld [tilespmem:s29+$0x60];
	v35 =	vmul.f32 v11, v9;
	v9 =	vmul.f32 v37, v36;
	[tilespmem:s28+$0xBAF0] =	vst v39  }
0x26c: {  	v62 =	vmul.f32 v34, v34;
	v63 =	vmul.f32 v30, v30;
	v61 =	vsub.f32 $1.500000000e+00, v5;
	v38 =	vld [tilespmem:s29+$0x50]  }
0x26d: {  	v11 =	vmul.f32 v40, v40;
	v32 =	vmul.f32 v32, v15;
	v9 =	vsub.f32 $1.500000000e+00, v9;
	v5 =	vld [tilespmem:s29+$0x80]  }
0x26e: {  	vm1 =	vmmov vm0;
	v52 =	vmul.f32 v33, v33;
	v37 =	vmul.f32 v12, v61;
	v16 =	vld [tilespmem:s29+$0xD0]  }
0x26f: {  	vm0 =	vmmov vm2;
	v6 =	vld [tilespmem:s29+$0x0];
	v44 =	vmul.f32 v8, v9;
	v9 =	vmul.f32 v11, v42  }
0x270: {  	vm2 =	vge.f32 v25, $1.000000020e-24;
	v25 =	vmul.f32 v32, v32;
	v11 =	vmul.f32 v37, v37;
	v8 =	vld [tilespmem:s29+$0x90];
	[tilespmem:s28+$0xBAD0] =	vst v10  }
0x271: {  	v10 =	vld [tilespmem:s29+$0xA0];
	v47 =	vmul.f32 v7, v7;
	v12 =	vmul.f32 v44, v44;
	v9 =	vsub.f32 $1.500000000e+00, v9  }
0x272: {  	v51 =	vld [tilespmem:s29+$0x70];
	v13 =	vmul.f32 v11, v13;
	v43 =	vmul.f32 v5, v5  }
0x273: {  	v11 =	vld [tilespmem:s29+$0x10];
	v12 =	vmul.f32 v12, v36;
	v40 =	vmul.f32 v40, v9  }
0x274: {  	v56 =	vmul.f32 v16, v16;
	v13 =	vsub.f32 $1.500000000e+00, v13;
	v45 =	vmul.f32 v38, v38  }
0x275: {  	vm3 =	vge.f32 v14, $1.000000020e-24;
	v54 =	vmul.f32 v6, v6;
	v15 =	vmul.f32 v40, v40  }
0x276: {  	vm5 =	vge.f32 v23, $1.000000020e-24;
	v9 =	vld [tilespmem:s29+$0xB0];
	v48 =	vmul.f32 v10, v10;
	v37 =	vmul.f32 v13, v37  }
0x277: {  	v36 =	vadd.f32 v56, v45;
	v13 =	vmul.f32 v25, v31;
	v25 =	vmul.f32 v8, v8  }
0x278: {  	v14 =	vld [tilespmem:s29+$0xC0];
	v46 =	vsub.f32 $1.500000000e+00, v12;
	v59 =	vmul.f32 v51, v51;
	v57 =	vmul.f32 v11, v11  }
0x279: {  	v12 =	vld [tilespmem:s29+$0x30];
	v49 =	vmul.f32 $5.000000000e-01, v36;
	v50 =	vshrl.u32 v36, $0x1;
	v31 =	vmul.f32 v15, v42  }
0x27a: {  	v53 =	vsub.f32 $1.500000000e+00, v13;
	v52 =	vadd.f32 v52, v59;
	v37 =	vmul.f32 v37, v1  }
0x27b: {  	v44 =	vmul.f32 v46, v44;
	v58 =	vmul.f32 v9, v9;
	v50 =	vsub.s32 $0x5F3759DF, v50  }
0x27c: {  	v13 =	vld [tilespmem:s29+$0x40];
	v45 =	vadd.f32 v25, v57;
	v25 =	vmul.f32 v50, v50;
	v32 =	vmul.f32 v53, v32  }
0x27d: {  	v21 =	vsub.f32 $1.500000000e+00, v31;
	v31 =	vmul.f32 v14, v14;
	v37 =	vsel vm2, v37, v0  }
0x27e: {  	v15 =	vld [tilespmem:s29+$0xE0];
	vm6 =	vge.f32 v36, $1.000000020e-24;
	v55 =	vmul.f32 v12, v12;
	v29 =	vmul.f32 v37, v29  }
0x27f: {  	v53 =	vshrl.u32 v52, $0x1;
	v37 =	vmul.f32 v37, v28;
	v25 =	vmul.f32 v25, v49  }
0x280: {  	v53 =	vsub.s32 $0x5F3759DF, v53;
	v23 =	vmul.f32 v32, v1;
	v21 =	vmul.f32 v21, v40  }
0x281: {  	vm2 =	vge.f32 v45, $1.000000020e-24;
	v32 =	vmul.f32 v62, v41;
	v60 =	vmul.f32 v13, v13  }
0x282: {  	v42 =	vadd.f32 v58, v55;
	v25 =	vsub.f32 $1.500000000e+00, v25;
	v61 =	vsel vm4, v23, v0  }
0x283: {  	v23 =	vmul.f32 v15, v15;
	v32 =	vsub.f32 $1.500000000e+00, v32;
	v58 =	vmul.f32 v21, v1  }
0x284: {  	v21 =	vadd.f32 v43, v54;
	v55 =	vmul.f32 v61, v17;
	v50 =	vmul.f32 v50, v25  }
0x285: {  	v17 =	vmul.f32 v63, v20;
	v20 =	vadd.f32 v31, v60;
	v63 =	vmul.f32 v53, v53  }
0x286: {  	v23 =	vadd.f32 v23, v47;
	v47 =	vmul.f32 $5.000000000e-01, v52;
	v31 =	vmul.f32 v50, v50  }
0x287: {  	v25 =	vshrl.u32 v42, $0x1;
	v40 =	vsel vm5, v58, v0;
	v36 =	vmul.f32 v32, v34  }
0x288: {  	v32 =	vmul.f32 $5.000000000e-01, v45;
	v56 =	vsub.f32 $1.500000000e+00, v17;
	v31 =	vmul.f32 v31, v49  }
0x289: {  	v25 =	vsub.s32 $0x5F3759DF, v25;
	v54 =	vmul.f32 v40, v22;
	v39 =	vmul.f32 v63, v47  }
0x28a: {  	v17 =	vld [tilespmem:s29+$0x20];
	v57 =	vmul.f32 v25, v25;
	v63 =	vmul.f32 v40, v27;
	v31 =	vsub.f32 $1.500000000e+00, v31  }
0x28b: {  	v30 =	vmul.f32 v56, v30;
	v49 =	vmul.f32 v61, v18;
	v39 =	vsub.f32 $1.500000000e+00, v39  }
0x28c: {  	v18 =	vmul.f32 $5.000000000e-01, v42;
	v61 =	vshrl.u32 v21, $0x1;
	v31 =	vmul.f32 v31, v50  }
0x28d: {  	v27 =	vsub.s32 $0x5F3759DF, v61;
	v61 =	vmul.f32 v36, v1;
	v39 =	vmul.f32 v53, v39  }
0x28e: {  	vm15 =	vge.f32 v42, $1.000000020e-24;
	v36 =	vmul.f32 $5.000000000e-01, v20;
	v59 =	vmul.f32 v31, v1  }
0x28f: {  	v42 =	vshrl.u32 v23, $0x1;
	v60 =	vmul.f32 v17, v17;
	v62 =	vmul.f32 v39, v39  }
0x290: {  	v43 =	vmul.f32 v57, v18;
	[tilespmem:s28+$0xBAE0] =	vst v49;
	v49 =	vmul.f32 v27, v27;
	v41 =	vsel vm6, v59, v0  }
0x291: {  	v34 =	vsub.s32 $0x5F3759DF, v42;
	v53 =	vmul.f32 v41, v38;
	v38 =	vmul.f32 v62, v47  }
0x292: {  	v50 =	vmul.f32 v30, v1;
	v30 =	vshrl.u32 v20, $0x1;
	v22 =	vadd.f32 v48, v60  }
0x293: {  	v48 =	vsel vm3, v61, v0;
	v40 =	vsub.s32 $0x5F3759DF, v30;
	v60 =	vsub.f32 $1.500000000e+00, v38  }
0x294: {  	[tilespmem:s28+$0xBA60] =	vst v55;
	v30 =	vmul.f32 $5.000000000e-01, v23;
	v31 =	vshrl.u32 v45, $0x1;
	v50 =	vsel vm1, v50, v0  }
0x295: {  	[tilespmem:s28+$0xBAA0] =	vst v54;
	vm1 =	vge.f32 v52, $1.000000020e-24;
	v46 =	vmul.f32 v50, v26;
	v39 =	vmul.f32 v60, v39  }
0x296: {  	[tilespmem:s28+$0xBA20] =	vst v63;
	v31 =	vsub.s32 $0x5F3759DF, v31;
	v26 =	vmul.f32 $5.000000000e-01, v21;
	v62 =	vmul.f32 v40, v40  }
0x297: {  	v63 =	vmul.f32 v50, v19;
	v59 =	vshrl.u32 v22, $0x1;
	[tilespmem:s29+$0xBA50] =	vst v53;
	v39 =	vmul.f32 v39, v1  }
0x298: {  	v47 =	vmul.f32 v31, v31;
	v38 =	vsub.s32 $0x5F3759DF, v59;
	v42 =	vmul.f32 v62, v36;
	[tilespmem:s28+$0xBAC0] =	vst v29  }
0x299: {  	v29 =	vmul.f32 v48, v24;
	[tilespmem:s28+$0xBA70] =	vst v35;
	v35 =	vmul.f32 v44, v1;
	v28 =	vsel vm1, v39, v0  }
0x29a: {  	s30 =	simm.s32 $0x800;
	[tilespmem:s28+$0xBA30] =	vst v63;
	vm1 =	vmmov vm15;
	v19 =	vmul.f32 v28, v51;
	v28 =	vmul.f32 v28, v33  }
.LBB2_9:
0x29b: {  	s16 =	sshra.s32 s30, $0x2;
	p2 =	sne.s32 s30, $0xF400;
	s30 =	sadd.s32 $0x400, s30;
	v33 =	vmul.f32 v47, v32;
	v39 =	vmul.f32 v38, v38;
	[tilespmem:s28+$0xBAB0] =	vst v46  }
0x29c: {  	v44 =	vmul.f32 v49, v26;
	v45 =	vmul.f32 v34, v34;
	v24 =	vld [tilespmem:s16+$0xF0];
	v46 =	vsel vm0, v35, v0;
	[tilespmem:s28+$0xBA40] =	vst v37  }
0x29d: {  	v41 =	vmul.f32 v41, v16;
	v16 =	vmul.f32 v48, v3;
	v3 =	vmovc v5;
	v37 =	vsub.f32 $1.500000000e+00, v42;
	v47 =	vld [tilespmem:s16+$0x60];
	[tilespmem:s29+$0xBAF0] =	vst v28  }
0x29e: {  	v48 =	vmul.f32 $5.000000000e-01, v22;
	v28 =	vsub.f32 $1.500000000e+00, v33;
	v33 =	vmul.f32 v46, v4;
	v4 =	vmovc v8;
	v35 =	vld [tilespmem:s16+$0x50];
	[tilespmem:s28+$0xBA00] =	vst v29  }
0x29f: {  	v8 =	vsub.f32 $1.500000000e+00, v43;
	v43 =	vmul.f32 v40, v37;
	v37 =	vmul.f32 v46, v2;
	v2 =	vmovc v11;
	v5 =	vld [tilespmem:s16+$0x80];
	[tilespmem:s28+$0xBA80] =	vst v16  }
0x2a0: {  	vm4 =	vge.f32 v23, $1.000000020e-24;
	v11 =	vmul.f32 v39, v48;
	v29 =	vmul.f32 v31, v28;
	v16 =	vld [tilespmem:s16+$0xD0];
	[tilespmem:s28+$0xBA90] =	vst v33  }
0x2a1: {  	vm0 =	vmmov vm2;
	v31 =	vmul.f32 v25, v8;
	v23 =	vmul.f32 v43, v43;
	v28 =	vld [tilespmem:s16+$0x0];
	[tilespmem:s28+$0xBA10] =	vst v37;
	s28 =	smov.u32 s29;
	s29 =	smov.u32 s16  }
0x2a2: {  	v33 =	vsub.f32 $1.500000000e+00, v11;
	v25 =	vmul.f32 v29, v29;
	v37 =	vmul.f32 v45, v30;
	v8 =	vld [tilespmem:s29+$0x90];
	[tilespmem:s28+$0xBAD0] =	vst v41  }
0x2a3: {  	v41 =	vmul.f32 v31, v31;
	v23 =	vmul.f32 v23, v36;
	v40 =	vld [tilespmem:s29+$0xA0]  }
0x2a4: {  	v25 =	vmul.f32 v25, v32;
	v39 =	vsub.f32 $1.500000000e+00, v37;
	v46 =	vmul.f32 v5, v5;
	v11 =	vld [tilespmem:s29+$0x10]  }
0x2a5: {  	v38 =	vmul.f32 v38, v33;
	v23 =	vsub.f32 $1.500000000e+00, v23;
	v36 =	vld [tilespmem:s29+$0x20];
	v42 =	vmul.f32 v16, v16  }
0x2a6: {  	v45 =	vmul.f32 v35, v35;
	v32 =	vsub.f32 $1.500000000e+00, v25;
	v25 =	vmul.f32 v34, v39;
	v37 =	vld [tilespmem:s29+$0xB0]  }
0x2a7: {  	vm2 =	vge.f32 v20, $1.000000020e-24;
	v49 =	vmul.f32 v47, v47;
	v50 =	vmul.f32 v38, v38;
	v34 =	vld [tilespmem:s29+$0xE0]  }
0x2a8: {  	v52 =	vadd.f32 v42, v45;
	v20 =	vmul.f32 v25, v25;
	v51 =	vmul.f32 v40, v40;
	v33 =	vld [tilespmem:s29+$0x30]  }
0x2a9: {  	v54 =	vsub.f32 $1.500000000e+00, v44;
	v43 =	vmul.f32 v23, v43;
	v53 =	vmul.f32 v11, v11;
	v42 =	vld [tilespmem:s29+$0xC0]  }
0x2aa: {  	v55 =	vmul.f32 $5.000000000e-01, v52;
	v23 =	vshrl.u32 v52, $0x1;
	v20 =	vmul.f32 v20, v30;
	v39 =	vld [tilespmem:s29+$0x70]  }
0x2ab: {  	vm3 =	vge.f32 v21, $1.000000020e-24;
	v21 =	vmul.f32 v50, v48;
	v30 =	vmul.f32 v8, v8  }
0x2ac: {  	v50 =	vmul.f32 v24, v24;
	v48 =	vmul.f32 v37, v37;
	v20 =	vsub.f32 $1.500000000e+00, v20  }
0x2ad: {  	v56 =	vmul.f32 v28, v28;
	v23 =	vsub.s32 $0x5F3759DF, v23;
	v57 =	vmul.f32 v33, v33;
	v45 =	vld [tilespmem:s29+$0x40]  }
0x2ae: {  	v44 =	vadd.f32 v30, v53;
	v30 =	vmul.f32 v23, v23;
	v20 =	vmul.f32 v20, v25  }
0x2af: {  	v27 =	vmul.f32 v27, v54;
	v21 =	vsub.f32 $1.500000000e+00, v21;
	v25 =	vmul.f32 v39, v39  }
0x2b0: {  	vm5 =	vge.f32 v22, $1.000000020e-24;
	v30 =	vmul.f32 v30, v55;
	v20 =	vmul.f32 v20, v1  }
0x2b1: {  	v21 =	vmul.f32 v21, v38;
	v22 =	vmul.f32 v42, v42;
	v50 =	vadd.f32 v50, v25  }
0x2b2: {  	v30 =	vsub.f32 $1.500000000e+00, v30;
	v38 =	vsel vm4, v20, v0;
	v25 =	vmul.f32 v45, v45  }
0x2b3: {  	v48 =	vadd.f32 v48, v57;
	v20 =	vmul.f32 v34, v34;
	v53 =	vshrl.u32 v50, $0x1  }
0x2b4: {  	v30 =	vmul.f32 v23, v30;
	v54 =	vmul.f32 v38, v7;
	v7 =	vmovc v47;
	v53 =	vsub.s32 $0x5F3759DF, v53  }
0x2b5: {  	v18 =	vmul.f32 v41, v18;
	v23 =	vadd.f32 v20, v49;
	v47 =	vmul.f32 $5.000000000e-01, v50  }
0x2b6: {  	v41 =	vmul.f32 v27, v27;
	v20 =	vadd.f32 v22, v25;
	v22 =	vmul.f32 v30, v30;
	[tilespmem:s28+$0xBA60] =	vst v54  }
0x2b7: {  	v25 =	vshrl.u32 v48, $0x1;
	v49 =	vmul.f32 v53, v53;
	v54 =	vsub.f32 $1.500000000e+00, v18  }
0x2b8: {  	v25 =	vsub.s32 $0x5F3759DF, v25;
	v18 =	vmul.f32 v22, v55;
	v22 =	vmul.f32 v41, v26  }
0x2b9: {  	vm4 =	vge.f32 v48, $1.000000020e-24;
	v38 =	vmul.f32 v38, v15;
	v15 =	vmovc v34;
	v26 =	vmul.f32 v49, v47  }
0x2ba: {  	v34 =	vmul.f32 v25, v25;
	v41 =	vsub.f32 $1.500000000e+00, v18;
	v22 =	vsub.f32 $1.500000000e+00, v22  }
0x2bb: {  	v18 =	vmul.f32 $5.000000000e-01, v48;
	v48 =	vmul.f32 v43, v1;
	v26 =	vsub.f32 $1.500000000e+00, v26;
	[tilespmem:s28+$0xBAE0] =	vst v38  }
0x2bc: {  	v30 =	vmul.f32 v41, v30;
	v41 =	vmul.f32 v21, v1;
	v38 =	vshrl.u32 v23, $0x1  }
0x2bd: {  	v31 =	vmul.f32 v54, v31;
	v21 =	vadd.f32 v46, v56;
	v26 =	vmul.f32 v53, v26  }
0x2be: {  	vm6 =	vge.f32 v52, $1.000000020e-24;
	v30 =	vmul.f32 v30, v1;
	v43 =	vsel vm5, v41, v0  }
0x2bf: {  	v46 =	vmul.f32 v36, v36;
	v49 =	vmul.f32 v31, v1;
	v41 =	vshrl.u32 v44, $0x1  }
0x2c0: {  	v52 =	vmul.f32 v22, v27;
	v31 =	vsub.s32 $0x5F3759DF, v41;
	v41 =	vsel vm6, v30, v0  }
0x2c1: {  	v27 =	vshrl.u32 v20, $0x1;
	v53 =	vmul.f32 v43, v10;
	v10 =	vmovc v40;
	v35 =	vmul.f32 v41, v35  }
0x2c2: {  	v54 =	vshrl.u32 v21, $0x1;
	v55 =	vmul.f32 v26, v26;
	v56 =	vmul.f32 v43, v17;
	v17 =	vmovc v36  }
0x2c3: {  	v22 =	vadd.f32 v51, v46;
	v40 =	vsub.s32 $0x5F3759DF, v27;
	v30 =	vmul.f32 $5.000000000e-01, v23;
	[tilespmem:s28+$0xBAA0] =	vst v53  }
0x2c4: {  	v43 =	vmul.f32 v34, v18;
	v34 =	vsub.s32 $0x5F3759DF, v38;
	v36 =	vmul.f32 v55, v47;
	[tilespmem:s28+$0xBA20] =	vst v56  }
0x2c5: {  	v27 =	vsub.s32 $0x5F3759DF, v54;
	v38 =	vshrl.u32 v22, $0x1;
	[tilespmem:s29+$0xBA50] =	vst v35;
	v35 =	vmul.f32 v32, v29  }
0x2c6: {  	v51 =	vmul.f32 v52, v1;
	v32 =	vmul.f32 $5.000000000e-01, v44;
	v29 =	vsub.f32 $1.500000000e+00, v36  }
0x2c7: {  	v47 =	vmul.f32 v31, v31;
	v38 =	vsub.s32 $0x5F3759DF, v38;
	v36 =	vmul.f32 $5.000000000e-01, v20  }
0x2c8: {  	v52 =	vmul.f32 v40, v40;
	v26 =	vmul.f32 v29, v26;
	v29 =	vsel vm1, v49, v0  }
0x2c9: {  	v53 =	vsel vm2, v48, v0;
	v49 =	vmul.f32 v27, v27;
	v46 =	vmul.f32 v29, v9;
	v9 =	vmovc v37  }
.Ltmp6:
0x2ca: {  	v48 =	vsel vm3, v51, v0;
	v51 =	vmul.f32 v53, v14;
	v14 =	vmovc v42;
	v54 =	vmul.f32 v26, v1;
	(pc) =	sbr.rel @p2 .LBB2_9-.Ltmp6, $4  }
0x2cb: {  	vm1 =	vge.f32 v50, $1.000000020e-24;
	v37 =	vmul.f32 v53, v13;
	v13 =	vmovc v45;
	v26 =	vmul.f32 $5.000000000e-01, v21  }
0x2cc: {  	v42 =	vmul.f32 v52, v36;
	v50 =	vmul.f32 v29, v12;
	v45 =	vsel vm1, v54, v0;
	[tilespmem:s28+$0xBAC0] =	vst v51  }
0x2cd: {  	vm2 =	vge.f32 v44, $1.000000020e-24;
	v29 =	vmul.f32 v48, v6;
	v6 =	vmovc v28;
	[tilespmem:s28+$0xBA70] =	vst v19;
	v19 =	vmul.f32 v45, v39  }
0x2ce: {  	v35 =	vmul.f32 v35, v1;
	v12 =	vmovc v33;
	vm1 =	vmmov vm4;
	v28 =	vmul.f32 v45, v24;
	[tilespmem:s28+$0xBA30] =	vst v50  }
0x2cf: {  	v24 =	vmul.f32 v34, v34  }
0x2d0: {  	v33 =	vmul.f32 v38, v38;
	v62 =	vmul.f32 v49, v26  }
0x2d1: {  	v39 =	vmul.f32 $5.000000000e-01, v22;
	v16 =	vmul.f32 v41, v16  }
0x2d2: {  	v61 =	vmul.f32 v47, v32;
	v24 =	vmul.f32 v24, v30;
	v47 =	vsub.f32 $1.500000000e+00, v62  }
0x2d3: {  	v3 =	vmul.f32 v48, v3;
	v63 =	vsub.f32 $1.500000000e+00, v43;
	v33 =	vmul.f32 v33, v39  }
0x2d4: {  	v35 =	vsel vm0, v35, v0;
	v24 =	vsub.f32 $1.500000000e+00, v24;
	v27 =	vmul.f32 v27, v47  }
0x2d5: {  	[tilespmem:s28+$0xBAB0] =	vst v46;
	v4 =	vmul.f32 v35, v4;
	v2 =	vmul.f32 v35, v2;
	v33 =	vsub.f32 $1.500000000e+00, v33  }
0x2d6: {  	[tilespmem:s28+$0xBA40] =	vst v37;
	v24 =	vmul.f32 v34, v24;
	v52 =	vmul.f32 v27, v27  }
0x2d7: {  	v42 =	vsub.f32 $1.500000000e+00, v42;
	[tilespmem:s29+$0xBAF0] =	vst v28;
	v25 =	vmul.f32 v25, v63;
	v33 =	vmul.f32 v38, v33  }
0x2d8: {  	vm11 =	vge.f32 v23, $1.000000020e-24;
	[tilespmem:s28+$0xBA10] =	vst v2;
	v44 =	vmul.f32 v24, v24;
	v2 =	vmul.f32 v52, v26  }
0x2d9: {  	v40 =	vmul.f32 v40, v42;
	v48 =	vmul.f32 v25, v25;
	v34 =	vsub.f32 $1.500000000e+00, v61  }
0x2da: {  	v43 =	vmul.f32 v33, v33;
	v42 =	vmul.f32 v44, v30;
	v2 =	vsub.f32 $1.500000000e+00, v2  }
0x2db: {  	vm12 =	vge.f32 v22, $1.000000020e-24;
	v31 =	vmul.f32 v31, v34;
	v44 =	vmul.f32 v40, v40  }
0x2dc: {  	v34 =	vmul.f32 v43, v39;
	v30 =	vsub.f32 $1.500000000e+00, v42;
	v2 =	vmul.f32 v2, v27  }
0x2dd: {  	vm14 =	vge.f32 v21, $1.000000020e-24;
	v45 =	vmul.f32 v31, v31;
	v35 =	vmul.f32 v44, v36  }
0x2de: {  	[tilespmem:s28+$0xBA00] =	vst v29;
	v49 =	vsub.f32 $1.500000000e+00, v34;
	v24 =	vmul.f32 v30, v24;
	v2 =	vmul.f32 v2, v1  }
0x2df: {  	[tilespmem:s28+$0xBA80] =	vst v3;
	v18 =	vmul.f32 v48, v18;
	v23 =	vmul.f32 v45, v32;
	v50 =	vsub.f32 $1.500000000e+00, v35  }
0x2e0: {  	[tilespmem:s28+$0xBA90] =	vst v4;
	v51 =	vmul.f32 v49, v33;
	v24 =	vmul.f32 v24, v1;
	v2 =	vsel vm14, v2, v0  }
0x2e1: {  	[tilespmem:s29+$0xBAD0] =	vst v16;
	v23 =	vsub.f32 $1.500000000e+00, v23;
	v3 =	vmul.f32 v50, v40;
	v6 =	vmul.f32 v2, v6  }
0x2e2: {  	[tilespmem:s29+$0xBA70] =	vst v19;
	v55 =	vmul.f32 v51, v1;
	v2 =	vmul.f32 v2, v5;
	v24 =	vsel vm11, v24, v0  }
0x2e3: {  	v54 =	vsub.f32 $1.500000000e+00, v18;
	v60 =	vmul.f32 v23, v31;
	v53 =	vmul.f32 v24, v7;
	[tilespmem:s29+$0xBA00] =	vst v6  }
0x2e4: {  	v3 =	vmul.f32 v3, v1;
	v56 =	vsel vm12, v55, v0;
	v15 =	vmul.f32 v24, v15;
	[tilespmem:s29+$0xBA80] =	vst v2  }
0x2e5: {  	vm13 =	vge.f32 v20, $1.000000020e-24;
	v62 =	vmul.f32 v60, v1;
	v57 =	vmul.f32 v56, v10;
	[tilespmem:s29+$0xBA60] =	vst v53  }
0x2e6: {  	v7 =	vmul.f32 v54, v25;
	v58 =	vmul.f32 v56, v17;
	v3 =	vsel vm13, v3, v0;
	[tilespmem:s29+$0xBAE0] =	vst v15  }
0x2e7: {  	vm15 =	vmmov vm2;
	[tilespmem:s29+$0xBAA0] =	vst v57;
	v59 =	vmul.f32 v3, v14  }
0x2e8: {  	v63 =	vsel vm15, v62, v0;
	v7 =	vmul.f32 v7, v1;
	[tilespmem:s29+$0xBA20] =	vst v58;
	v3 =	vmul.f32 v3, v13  }
0x2e9: {  	v2 =	vmul.f32 v63, v11;
	[tilespmem:s29+$0xBAC0] =	vst v59  }
0x2ea: {  	v7 =	vsel vm1, v7, v0;
	[tilespmem:s29+$0xBA40] =	vst v3;
	v3 =	vmul.f32 v63, v8  }
0x2eb: {  	[tilespmem:s29+$0xBA10] =	vst v2;
	v12 =	vmul.f32 v7, v12  }
0x2ec: {  	v61 =	vmul.f32 v7, v9;
	[tilespmem:s29+$0xBA90] =	vst v3  }
0x2ed: {  	[tilespmem:s29+$0xBA30] =	vst v12  }
0x2ee: {  	[tilespmem:s29+$0xBAB0] =	vst v61  }
0x2ef: {  	[hbm4b:s12+s2] =	stream.linear.scatter [tilespmem:s21], [sflag:$0x4], $0x3E00, $0x38;
	[tilespmem:$0x17510] =	vst v63  }
.LBB2_11:
.Ltmp7:
0x2f0: {  	(pc) =	sbr.rel @p1 .LBB2_13-.Ltmp7, $1  }
0x2f1: {  	_ =	sdelay $0x3  }
0x2f2: {  	s16 =	simm.s32 $0x17410  }
0x2f3: {  	[tilespmem:s16], [sflag:$0x7] =	stream.linear.gather [hbm4b:s3+s2], $0x80, $0x38;
	[tilespmem:$0x17510] =	vst v63  }
0x2f4: {  	_ =	swait.ge [sflag:s17], $0x80  }
0x2f5: {  	[sflag:s17] =	ssyncset.done $0x0  }
0x2f6: {  	[sflag:s17] =	ssyncadd.s32 $0xFFFFFF80  }
0x2f7: {  	v2 =	vld [tilespmem:$0x17410]  }
0x2f8: {  	v3 =	vld [tilespmem:$0x17450]  }
0x2f9: {  	v4 =	vld [tilespmem:$0x17420]  }
0x2fa: {  	v5 =	vld [tilespmem:$0x17460]  }
0x2fb: {  	v8 =	vld [tilespmem:$0x17430]  }
0x2fc: {  	v42 =	vld [tilespmem:$0x17470]  }
0x2fd: {  	v12 =	vld [tilespmem:$0x17440]  }
0x2fe: {  	v43 =	vld [tilespmem:$0x17480];
	v6 =	vmul.f32 v2, v2;
	v7 =	vmul.f32 v3, v3;
	_ =	sdelay $0x1  }
0x2ff: {  	v9 =	vmul.f32 v4, v4;
	v10 =	vmul.f32 v5, v5;
	v6 =	vadd.f32 v7, v6  }
0x300: {  	v16 =	vmul.f32 v8, v8;
	v17 =	vmul.f32 v42, v42  }
0x301: {  	v44 =	vmul.f32 v12, v12;
	v9 =	vadd.f32 v10, v9;
	v11 =	vshrl.u32 v6, $0x1  }
0x302: {  	v20 =	vmul.f32 v43, v43;
	v16 =	vadd.f32 v17, v16;
	v11 =	vsub.s32 $0x5F3759DF, v11  }
0x303: {  	v13 =	vmul.f32 $5.000000000e-01, v6;
	v15 =	vshrl.u32 v9, $0x1;
	v14 =	vmul.f32 v11, v11  }
0x304: {  	v18 =	vmul.f32 $5.000000000e-01, v9;
	v21 =	vshrl.u32 v16, $0x1;
	v15 =	vsub.s32 $0x5F3759DF, v15  }
0x305: {  	v21 =	vsub.s32 $0x5F3759DF, v21;
	v19 =	vmul.f32 v15, v15;
	v14 =	vmul.f32 v14, v13  }
0x306: {  	v17 =	vadd.f32 v20, v44;
	v45 =	vmul.f32 $5.000000000e-01, v16;
	v22 =	vmul.f32 v21, v21  }
0x307: {  	v19 =	vmul.f32 v19, v18;
	v14 =	vsub.f32 $1.500000000e+00, v14  }
0x308: {  	v46 =	vshrl.u32 v17, $0x1;
	v22 =	vmul.f32 v22, v45  }
0x309: {  	v19 =	vsub.f32 $1.500000000e+00, v19;
	v11 =	vmul.f32 v11, v14;
	v14 =	vsub.s32 $0x5F3759DF, v46  }
0x30a: {  	v23 =	vmul.f32 $5.000000000e-01, v17;
	v24 =	vmul.f32 v14, v14  }
0x30b: {  	v47 =	vsub.f32 $1.500000000e+00, v22;
	v15 =	vmul.f32 v15, v19  }
0x30c: {  	v48 =	vmul.f32 v11, v11;
	v24 =	vmul.f32 v24, v23  }
0x30d: {  	v19 =	vmul.f32 v21, v47;
	v49 =	vmul.f32 v15, v15  }
0x30e: {  	v13 =	vmul.f32 v48, v13;
	v50 =	vsub.f32 $1.500000000e+00, v24  }
0x30f: {  	v51 =	vmul.f32 v19, v19;
	v18 =	vmul.f32 v49, v18  }
0x310: {  	v13 =	vsub.f32 $1.500000000e+00, v13;
	v14 =	vmul.f32 v14, v50  }
0x311: {  	v20 =	vmul.f32 v51, v45;
	v18 =	vsub.f32 $1.500000000e+00, v18  }
0x312: {  	v11 =	vmul.f32 v13, v11;
	v52 =	vmul.f32 v14, v14  }
0x313: {  	v53 =	vsub.f32 $1.500000000e+00, v20;
	v15 =	vmul.f32 v18, v15  }
0x314: {  	v11 =	vmul.f32 v11, v1;
	v13 =	vmul.f32 v52, v23  }
0x315: {  	vm0 =	vge.f32 v6, $1.000000020e-24;
	v54 =	vmul.f32 v53, v19  }
0x316: {  	v15 =	vmul.f32 v15, v1;
	v11 =	vsel vm0, v11, v0;
	v13 =	vsub.f32 $1.500000000e+00, v13  }
0x317: {  	vm13 =	vge.f32 v9, $1.000000020e-24;
	v6 =	vmul.f32 v54, v1;
	v2 =	vmul.f32 v11, v2  }
0x318: {  	v56 =	vsel vm13, v15, v0;
	v3 =	vmul.f32 v11, v3;
	v55 =	vmul.f32 v13, v14  }
0x319: {  	vm14 =	vge.f32 v16, $1.000000020e-24;
	v57 =	vmul.f32 v56, v4;
	[tilespmem:$0x17490] =	vst v2  }
0x31a: {  	v60 =	vsel vm14, v6, v0;
	v58 =	vmul.f32 v56, v5;
	[tilespmem:$0x174D0] =	vst v3;
	v59 =	vmul.f32 v55, v1  }
0x31b: {  	vm15 =	vge.f32 v17, $1.000000020e-24;
	v61 =	vmul.f32 v60, v8;
	[tilespmem:$0x174A0] =	vst v57  }
0x31c: {  	v62 =	vmul.f32 v60, v42;
	[tilespmem:$0x174E0] =	vst v58;
	v63 =	vsel vm15, v59, v0  }
0x31d: {  	[tilespmem:$0x174B0] =	vst v61;
	v1 =	vmul.f32 v63, v12  }
0x31e: {  	[tilespmem:$0x174F0] =	vst v62;
	v0 =	vmul.f32 v63, v43  }
0x31f: {  	[tilespmem:$0x174C0] =	vst v1  }
0x320: {  	s29 =	simm.s32 $0x17490;
	[tilespmem:$0x17500] =	vst v0  }
0x321: {  	[hbm4b:s13+s2] =	stream.linear.scatter [tilespmem:s29], [sflag:$0x7], $0x40, $0x38;
	[tilespmem:$0x17510] =	vst v63  }
0x322: {  	_ =	swait.ge [sflag:s17], $0x40  }
0x323: {  	[sflag:s17] =	ssyncset.done $0x0  }
.Ltmp8:
0x324: {  	s30 =	simm.s32 $0x174D0;
	[sflag:s17] =	ssyncadd.s32 $0xFFFFFFC0;
	(pc) =	sbr.rel .LBB2_13-.Ltmp8, $4  }
0x325: {  	[hbm4b:s14+s2] =	stream.linear.scatter [tilespmem:s30], [sflag:$0x7], $0x40, $0x38;
	[tilespmem:$0x17510] =	vst v63  }
0x326: {  	_ =	swait.ge [sflag:s17], $0x40  }
0x327: {  	[sflag:s17] =	ssyncset.done $0x0  }
0x328: {  	[sflag:s17] =	ssyncadd.s32 $0xFFFFFFC0  }
.LBB2_14:
0x329: {  	_ =	sfence.sel $0x180000  }
0x32a: {  	[bflag:$0x0] =	sbarrier.arrive $0xFFFF  }
0x32b: {  	_ =	strace $0x90000047  }
0x32c: {  	s0 =	stileid.u32;
	[bflag:$0x2] =	sbarrier.arrive $0xFFFF  }
0x32d: {  	p0 =	sne.s32 s0, $0x0;
	s0 =	rddreg [dreg:$0x2]  }
0x32e: {  	s0 =	sadd.s32 @!p0 $0x100000, s0  }
0x32f: {  	[sflag:s0] =	ssyncadd.tile.s32 @!p0 $0x1;
	_ =	shalt  }
.Lfunc_end2:
_tile_overlayer_lowered:
.L_overlay_start_2:
0x330: {  	(tag) =	ssettag $0x2  }
0x331: {  	s0 =	rddreg [dreg:$0x0];
	s2 =	stileid.u32  }
0x332: {  	s1 =	rddreg [dreg:$0x1];
	p0 =	sne.s32 s2, $0x0  }
0x333: {  	s3 =	rddreg [dreg:$0x2];
	[bflag:$0x3] =	sbarrier.arrive $0xFFFF;
	s2 =	simm.s32 @!p0 $0x1C07  }
0x334: {  	[timem:s3], [sflag:s2] =	dma.local @!p0 [hbm:s0], s1  }
0x335: {  	s0 =	simm.s32 @!p0 $0x7  }
0x336: {  	_ =	swait.ge @!p0 [sflag:s0], s1  }
0x337: {  	s1 =	ssub.s32 @!p0 $0x0, s1;
	[sflag:s0] =	ssyncset.done @!p0 $0x0  }
0x338: {  	[sflag:s0] =	ssyncadd.s32 @!p0 s1  }
0x339: {  	[bflag:$0x3] =	sbarrier.arrive $0xFFFF  }
0x33a: {  	_ =	shalt  }

</sc_bundles>
